<compile_context>
chip_gen: v7x
topology: tpu7x:2x2x1
jax: 0.10.2.dev20260603
libtpu: 0.0.44.dev20260713+nightly
codegen_flags: <defaults>
</compile_context>

<pallas_src>
import functools

import jax
import jax.numpy as jnp
from jax import lax
from jax.experimental import pallas as pl
from jax.experimental.pallas import tpu as pltpu
from jax.experimental.pallas import tpu_sc as plsc

N = 10000
D = 128
H = 128
OUT = 8
E = 320000

NPAD = 10240
EP = 327680
CH = 128
PT = 80
ROWS2D = EP // CH

PT0 = 80
PT1 = 80

NC = 2
NS = 16
SLICE = NPAD // NS
ZCH = 128

_MESH = dict(core_axis_name="c", subcore_axis_name="s")


@functools.lru_cache(maxsize=None)
def _get_deg_pass():
    @functools.partial(
        pl.kernel,
        out_type=jax.ShapeDtypeStruct((NC, NPAD, D), jnp.float32),
        mesh=plsc.VectorSubcoreMesh(**_MESH),
        scratch_types=[
            pltpu.VMEM((PT, CH), jnp.int32),
            pltpu.VMEM((ZCH, D), jnp.float32),
            pltpu.VMEM((ZCH, D), jnp.float32),
            pltpu.VMEM_SHARED((NPAD, D), jnp.float32),
        ],
    )
    def _deg_pass(e3_hbm, ones_hbm, zeros_hbm, out_hbm, idx_d, ones_v, stage_v, table_sh):
        cid = lax.axis_index("c")
        sid = lax.axis_index("s")
        wid = sid * NC + cid
        base = sid * SLICE
        pltpu.sync_copy(zeros_hbm, stage_v)
        for k in range(SLICE // ZCH):
            pltpu.sync_copy(stage_v, table_sh.at[pl.ds(base + k * ZCH, ZCH)])
        pltpu.sync_copy(ones_hbm, ones_v)
        pltpu.sync_copy(e3_hbm.at[1, pl.ds(wid * PT, PT)], idx_d)
        plsc.subcore_barrier()

        def body(j, carry):
            pltpu.sync_copy(ones_v, table_sh.at[idx_d.at[j]], add=True)
            return carry

        lax.fori_loop(0, PT, body, 0)
        plsc.subcore_barrier()
        for k in range(SLICE // ZCH):
            pltpu.sync_copy(table_sh.at[pl.ds(base + k * ZCH, ZCH)], stage_v)
            pltpu.sync_copy(stage_v, out_hbm.at[cid, pl.ds(base + k * ZCH, ZCH)])

    return _deg_pass


@functools.lru_cache(maxsize=None)
def _get_edge_pass():
    @functools.partial(
        pl.kernel,
        out_type=jax.ShapeDtypeStruct((NC, NPAD, D), jnp.float32),
        mesh=plsc.VectorSubcoreMesh(**_MESH),
        scratch_types=[
            pltpu.VMEM((2, CH), jnp.int32),
            pltpu.VMEM((2, CH), jnp.int32),
            pltpu.VMEM((2 * CH, D), jnp.float32),
            pltpu.VMEM_SHARED((NPAD, D), jnp.float32),
            pltpu.SemaphoreType.DMA,
            pltpu.SemaphoreType.DMA,
            pltpu.SemaphoreType.DMA,
            pltpu.SemaphoreType.DMA,
        ],
    )
    def _edge_pass(g_hbm, edges_hbm, zeros_hbm, out_hbm, ib0, ib1, rows_v,
                   acc_sh, gs0, gs1, is0, is1):
        ibufs = [ib0, ib1]
        gsems = [gs0, gs1]
        isems = [is0, is1]
        rows = [rows_v.at[pl.ds(b * CH, CH)] for b in range(2)]
        cid = lax.axis_index("c")
        sid = lax.axis_index("s")
        base = sid * SLICE
        nch = jnp.where(cid == 0, PT0, PT1)
        row0 = jnp.where(cid == 0, sid * PT0, NS * PT0 + sid * PT1)
        pltpu.sync_copy(zeros_hbm, rows[0])
        for k in range(SLICE // ZCH):
            pltpu.sync_copy(rows[0], acc_sh.at[pl.ds(base + k * ZCH, ZCH)])
        plsc.subcore_barrier()

        def idx_load(j, b):
            pltpu.async_copy(edges_hbm.at[:, row0 + j], ibufs[b], isems[b])

        def idx_wait(j, b):
            pltpu.make_async_copy(edges_hbm.at[:, row0 + j], ibufs[b], isems[b]).wait()

        def gather(b):
            pltpu.async_copy(g_hbm.at[ibufs[b].at[0]], rows[b], gsems[b])

        def gather_wait(b):
            pltpu.make_async_copy(g_hbm.at[ibufs[b].at[0]], rows[b], gsems[b]).wait()

        @pl.when(nch > 0)
        def _():
            idx_load(0, 0)

            @pl.when(nch > 1)
            def _():
                idx_load(1, 1)

            idx_wait(0, 0)
            gather(0)

        def body(jj, carry):
            for b in range(2):
                j = jj * 2 + b
                nb = 1 - b

                @pl.when(j < nch)
                def _():
                    @pl.when(j + 1 < nch)
                    def _():
                        idx_wait(j + 1, nb)
                        gather(nb)

                    gather_wait(b)
                    pltpu.sync_copy(rows[b], acc_sh.at[ibufs[b].at[1]], add=True)

                    @pl.when(j + 2 < nch)
                    def _():
                        idx_load(j + 2, b)
            return carry

        lax.fori_loop(0, max(PT0, PT1) // 2, body, 0)
        plsc.subcore_barrier()
        for k in range(SLICE // ZCH):
            pltpu.sync_copy(acc_sh.at[pl.ds(base + k * ZCH, ZCH)], rows[0])
            pltpu.sync_copy(rows[0], out_hbm.at[cid, pl.ds(base + k * ZCH, ZCH)])

    return _edge_pass


BR = 512
GRID = NPAD // BR


def _dinv3(da_ref, db_ref):
    deg = da_ref[0][:, :1] + db_ref[0][:, :1] + 1.0
    return lax.rsqrt(deg)


def _pl3(plane):
    return pl.BlockSpec((1, BR, D), lambda i, _p=plane: (_p, i, 0))


def _tc1(x, W1, degp):
    def body(x_ref, w_ref, da_ref, db_ref, g_ref):
        dinv = _dinv3(da_ref, db_ref)
        h = jnp.dot(x_ref[...], w_ref[...], preferred_element_type=jnp.float32)
        g_ref[...] = h * dinv

    return pl.pallas_call(
        body,
        grid=(GRID,),
        in_specs=[
            pl.BlockSpec((BR, D), lambda i: (i, 0)),
            pl.BlockSpec((D, H), lambda i: (0, 0)),
            _pl3(0),
            _pl3(1),
        ],
        out_specs=pl.BlockSpec((BR, H), lambda i: (i, 0)),
        out_shape=jax.ShapeDtypeStruct((NPAD, H), jnp.float32),
    )(x, W1, degp, degp)


def _tc2(p, g, degp, b, W):
    def body(pa_ref, pb_ref, g_ref, da_ref, db_ref, b_ref, w_ref, o_ref):
        dinv = _dinv3(da_ref, db_ref)
        t = dinv * (pa_ref[0] + pb_ref[0] + g_ref[...]) + b_ref[...]
        t = jnp.maximum(t, 0.0)
        h = jnp.dot(t, w_ref[...], preferred_element_type=jnp.float32)
        o_ref[...] = h * dinv

    return pl.pallas_call(
        body,
        grid=(GRID,),
        in_specs=[
            _pl3(0),
            _pl3(1),
            pl.BlockSpec((BR, H), lambda i: (i, 0)),
            _pl3(0),
            _pl3(1),
            pl.BlockSpec((1, H), lambda i: (0, 0)),
            pl.BlockSpec((H, H), lambda i: (0, 0)),
        ],
        out_specs=pl.BlockSpec((BR, H), lambda i: (i, 0)),
        out_shape=jax.ShapeDtypeStruct((NPAD, H), jnp.float32),
    )(p, p, g, degp, degp, b, W)


def _tc3(q, g, degp, b2, Wq1, bq1, Wq2p, bq2p):
    def body(qa_ref, qb_ref, g_ref, da_ref, db_ref, b2_ref, wq1_ref, bq1_ref,
             wq2_ref, bq2_ref, o_ref):
        dinv = _dinv3(da_ref, db_ref)
        t = dinv * (qa_ref[0] + qb_ref[0] + g_ref[...]) + b2_ref[...]
        t = jnp.maximum(t, 0.0)
        z = jnp.dot(t, wq1_ref[...], preferred_element_type=jnp.float32) + bq1_ref[...]
        z = jnp.maximum(z, 0.0)
        o_ref[...] = jnp.dot(z, wq2_ref[...], preferred_element_type=jnp.float32) + bq2_ref[...]

    return pl.pallas_call(
        body,
        grid=(GRID,),
        in_specs=[
            _pl3(0),
            _pl3(1),
            pl.BlockSpec((BR, H), lambda i: (i, 0)),
            _pl3(0),
            _pl3(1),
            pl.BlockSpec((1, H), lambda i: (0, 0)),
            pl.BlockSpec((H, H), lambda i: (0, 0)),
            pl.BlockSpec((1, H), lambda i: (0, 0)),
            pl.BlockSpec((H, 128), lambda i: (0, 0)),
            pl.BlockSpec((1, 128), lambda i: (0, 0)),
        ],
        out_specs=pl.BlockSpec((BR, 128), lambda i: (i, 0)),
        out_shape=jax.ShapeDtypeStruct((NPAD, 128), jnp.float32),
    )(q, q, g, degp, degp, b2, Wq1, bq1, Wq2p, bq2p)


def kernel(x, edge_index, W1, b1, W2, b2, Wq1, bq1, Wq2, bq2):
    f32 = jnp.float32
    pad_e = EP - E
    pad_ar = jnp.arange(pad_e, dtype=jnp.int32)
    pad2 = jnp.stack([pad_ar % N, N + (pad_ar % (NPAD - N))])
    e3 = jnp.concatenate([edge_index, pad2], axis=1).reshape(2, ROWS2D, CH)
    x_pad = jnp.concatenate([x, jnp.zeros((NPAD - N, D), f32)], axis=0)
    ones128 = jnp.ones((ZCH, D), f32)
    zeros128 = jnp.zeros((ZCH, D), f32)

    deg_pass = _get_deg_pass()
    edge_pass = _get_edge_pass()
    degp = deg_pass(e3, ones128, zeros128)

    g1 = _tc1(x_pad, W1, degp)
    p = edge_pass(g1, e3, zeros128)
    g2 = _tc2(p, g1, degp, b1.reshape(1, H), W2)
    q = edge_pass(g2, e3, zeros128)

    Wq2p = jnp.zeros((H, 128), f32).at[:, :OUT].set(Wq2)
    bq2p = jnp.zeros((1, 128), f32).at[0, :OUT].set(bq2)
    out = _tc3(q, g2, degp, b2.reshape(1, H), Wq1,
               bq1.reshape(1, H), Wq2p, bq2p)
    return out[:N, :OUT]

# --- scband reference (transcript-rebuilt; emitter-appended) ---
"""Pipeline reference for scband-gnndqn-47510928229107 (READ-ONLY COPY).

The authoritative reference and input builder live on the scoring server;
editing this copy changes nothing except your own understanding.
"""

import jax, jax.numpy as jnp
import numpy as np

N = 10000
D = 128
H = 128
OUT = 8
E = 320000


def gcn_conv(x, src, dst, W, b, n_nodes):
    # add self loops
    loop = jnp.arange(n_nodes, dtype=src.dtype)
    src_full = jnp.concatenate([src, loop])
    dst_full = jnp.concatenate([dst, loop])
    # symmetric normalization D^{-1/2} (A+I) D^{-1/2}
    deg = jnp.zeros((n_nodes,), dtype=x.dtype).at[dst_full].add(1.0)
    deg_inv_sqrt = jnp.where(deg > 0, 1.0 / jnp.sqrt(deg), 0.0)
    norm = deg_inv_sqrt[src_full] * deg_inv_sqrt[dst_full]
    h = x @ W
    msg = h[src_full] * norm[:, None]
    out = jnp.zeros((n_nodes, h.shape[1]), dtype=h.dtype).at[dst_full].add(msg)
    return out + b


def setup_inputs(seed: int = 0) -> dict:
    key = jax.random.key(seed)
    ks = jax.random.split(key, 12)
    x = jax.random.normal(ks[0], (N, D), dtype=jnp.float32)
    edge_index = jax.random.randint(ks[1], (2, E), 0, N, dtype=jnp.int32)
    s1 = 1.0 / np.sqrt(D)
    s2 = 1.0 / np.sqrt(H)
    W1 = jax.random.normal(ks[2], (D, H), dtype=jnp.float32) * s1
    b1 = jnp.zeros((H,), dtype=jnp.float32)
    W2 = jax.random.normal(ks[3], (H, H), dtype=jnp.float32) * s2
    b2 = jnp.zeros((H,), dtype=jnp.float32)
    Wq1 = jax.random.normal(ks[4], (H, H), dtype=jnp.float32) * s2
    bq1 = jax.random.normal(ks[5], (H,), dtype=jnp.float32) * s2
    Wq2 = jax.random.normal(ks[6], (H, OUT), dtype=jnp.float32) * s2
    bq2 = jax.random.normal(ks[7], (OUT,), dtype=jnp.float32) * s2
    return {"x": x, "edge_index": edge_index, "W1": W1, "b1": b1, "W2": W2, "b2": b2, "Wq1": Wq1, "bq1": bq1, "Wq2": Wq2, "bq2": bq2}


def reference(x, edge_index, W1, b1, W2, b2, Wq1, bq1, Wq2, bq2):
    src, dst = edge_index[0], edge_index[1]
    h = jax.nn.relu(gcn_conv(x, src, dst, W1, b1, N))
    h = jax.nn.relu(gcn_conv(h, src, dst, W2, b2, N))
    q = jax.nn.relu(h @ Wq1 + bq1)
    q = q @ Wq2 + bq2
    return q

if __name__ == "__main__":
    import jax
    _d = setup_inputs()
    print(jax.jit(kernel)(*tuple(_d.values())))

</pallas_src>

<mosaic_0001>
#map = affine_map<(d0, d1) -> (0, 0)>
#map1 = affine_map<(d0, d1) -> (0, 0, 0)>
module attributes {stable_mosaic.version = 14 : i64} {
  func.func @_edge_pass(%arg0: i32, %arg1: i32, %arg2: memref<10240x128xf32, #tpu.memory_space<hbm>>, %arg3: memref<2x2560x128xi32, #tpu.memory_space<hbm>>, %arg4: memref<128x128xf32, #tpu.memory_space<hbm>>, %arg5: memref<2x10240x128xf32, #tpu.memory_space<hbm>>, %arg6: memref<2x128xi32, #tpu.memory_space<vmem>>, %arg7: memref<2x128xi32, #tpu.memory_space<vmem>>, %arg8: memref<256x128xf32, #tpu.memory_space<vmem>>, %arg9: memref<10240x128xf32, #tpu.memory_space<vmem_shared>>, %arg10: memref<!tpu.dma_semaphore, #tpu.memory_space<semaphore_mem>>, %arg11: memref<!tpu.dma_semaphore, #tpu.memory_space<semaphore_mem>>, %arg12: memref<!tpu.dma_semaphore, #tpu.memory_space<semaphore_mem>>, %arg13: memref<!tpu.dma_semaphore, #tpu.memory_space<semaphore_mem>>) attributes {dimension_semantics = [#tpu.dimension_semantics<core_parallel>, #tpu.dimension_semantics<subcore_parallel>], iteration_bounds = array<i64: 2, 16>, scalar_prefetch = 0 : i64, scratch_operands = 8 : i64, tpu.core_type = #tpu.core_type<sc_vector_subcore>, window_params = [{transform_indices = #map}, {transform_indices = #map1}, {transform_indices = #map}, {transform_indices = #map1}]} {
    %mul3A = arith.constant 640 : i32
    %mul3A_0 = arith.muli %arg1, %mul3A : i32
    %eq3A = arith.constant 0 : i32
    %eq3A_1 = arith.cmpi eq, %arg0, %eq3A : i32
    %jit3A = arith.constant 80 : i32
    %jit3A_2 = arith.constant 80 : i32
    %select_n3A = arith.select %eq3A_1, %jit3A, %jit3A_2 : i32
    %eq3A_3 = arith.constant 0 : i32
    %eq3A_4 = arith.cmpi eq, %arg0, %eq3A_3 : i32
    %mul3A_5 = arith.constant 80 : i32
    %mul3A_6 = arith.muli %arg1, %mul3A_5 : i32
    %mul3A_7 = arith.constant 80 : i32
    %mul3A_8 = arith.muli %arg1, %mul3A_7 : i32
    %add3A = arith.constant 1280 : i32
    %add3A_9 = arith.addi %add3A, %mul3A_8 : i32
    %select_n3A_10 = arith.select %eq3A_4, %mul3A_6, %add3A_9 : i32
    "tpu.region"() ({
      %run_scoped3A = tpu.sem_alloc : memref<!tpu.dma_semaphore, #tpu.memory_space<semaphore_mem>>
      %dma_start3A = arith.constant 0 : i32
      %dma_start3A_49 = arith.constant 0 : i32
      %dma_start3A_50 = tpu.memref_slice %arg8[%dma_start3A, %dma_start3A_49] : memref<256x128xf32, #tpu.memory_space<vmem>> -> memref<128x128xf32, #tpu.memory_space<vmem>>
      %dma_start3A_51 = arith.constant 0 : i32
      %dma_start3A_52 = arith.constant 0 : i32
      %dma_start3A_53 = tpu.memref_slice %arg8[%dma_start3A_51, %dma_start3A_52] : memref<256x128xf32, #tpu.memory_space<vmem>> -> memref<128x128xf32, #tpu.memory_space<vmem>>
      tpu.enqueue_dma source(%arg4 : memref<128x128xf32, #tpu.memory_space<hbm>>) target(%dma_start3A_53 : memref<128x128xf32, #tpu.memory_space<vmem>>) target_semaphore(%run_scoped3A : memref<!tpu.dma_semaphore, #tpu.memory_space<semaphore_mem>>)
      %dma_wait3A = arith.constant 0 : i32
      %dma_wait3A_54 = arith.constant 0 : i32
      %dma_wait3A_55 = tpu.memref_slice %arg8[%dma_wait3A, %dma_wait3A_54] : memref<256x128xf32, #tpu.memory_space<vmem>> -> memref<128x128xf32, #tpu.memory_space<vmem>>
      %dma_wait3A_56 = arith.constant 0 : i32
      %dma_wait3A_57 = arith.constant 0 : i32
      %dma_wait3A_58 = tpu.memref_slice %arg8[%dma_wait3A_56, %dma_wait3A_57] : memref<256x128xf32, #tpu.memory_space<vmem>> -> memref<128x128xf32, #tpu.memory_space<vmem>>
      tpu.wait_dma2 semaphore(%run_scoped3A : memref<!tpu.dma_semaphore, #tpu.memory_space<semaphore_mem>>) src(%arg4 : memref<128x128xf32, #tpu.memory_space<hbm>>) dst(%dma_wait3A_58 : memref<128x128xf32, #tpu.memory_space<vmem>>)
      tpu.yield
    }) : () -> ()
    %add3A_11 = arith.constant 0 : i32
    %add3A_12 = arith.addi %mul3A_0, %add3A_11 : i32
    "tpu.region"() ({
      %run_scoped3A = tpu.sem_alloc : memref<!tpu.dma_semaphore, #tpu.memory_space<semaphore_mem>>
      %dma_start3A = arith.constant 0 : i32
      %dma_start3A_49 = arith.constant 0 : i32
      %dma_start3A_50 = tpu.memref_slice %arg8[%dma_start3A, %dma_start3A_49] : memref<256x128xf32, #tpu.memory_space<vmem>> -> memref<128x128xf32, #tpu.memory_space<vmem>>
      %dma_start3A_51 = arith.constant 0 : i32
      %dma_start3A_52 = tpu.memref_slice %arg9[%add3A_12, %dma_start3A_51] : memref<10240x128xf32, #tpu.memory_space<vmem_shared>> -> memref<128x128xf32, #tpu.memory_space<vmem_shared>>
      %dma_start3A_53 = arith.constant 0 : i32
      %dma_start3A_54 = tpu.memref_slice %arg9[%add3A_12, %dma_start3A_53] : memref<10240x128xf32, #tpu.memory_space<vmem_shared>> -> memref<128x128xf32, #tpu.memory_space<vmem_shared>>
      %dma_start3A_55 = arith.constant 0 : i32
      %dma_start3A_56 = arith.constant 0 : i32
      %dma_start3A_57 = tpu.memref_slice %arg8[%dma_start3A_55, %dma_start3A_56] : memref<256x128xf32, #tpu.memory_space<vmem>> -> memref<128x128xf32, #tpu.memory_space<vmem>>
      tpu.enqueue_dma source(%dma_start3A_57 : memref<128x128xf32, #tpu.memory_space<vmem>>) target(%dma_start3A_54 : memref<128x128xf32, #tpu.memory_space<vmem_shared>>) target_semaphore(%run_scoped3A : memref<!tpu.dma_semaphore, #tpu.memory_space<semaphore_mem>>)
      %dma_wait3A = arith.constant 0 : i32
      %dma_wait3A_58 = arith.constant 0 : i32
      %dma_wait3A_59 = tpu.memref_slice %arg8[%dma_wait3A, %dma_wait3A_58] : memref<256x128xf32, #tpu.memory_space<vmem>> -> memref<128x128xf32, #tpu.memory_space<vmem>>
      %dma_wait3A_60 = arith.constant 0 : i32
      %dma_wait3A_61 = tpu.memref_slice %arg9[%add3A_12, %dma_wait3A_60] : memref<10240x128xf32, #tpu.memory_space<vmem_shared>> -> memref<128x128xf32, #tpu.memory_space<vmem_shared>>
      %dma_wait3A_62 = arith.constant 0 : i32
      %dma_wait3A_63 = tpu.memref_slice %arg9[%add3A_12, %dma_wait3A_62] : memref<10240x128xf32, #tpu.memory_space<vmem_shared>> -> memref<128x128xf32, #tpu.memory_space<vmem_shared>>
      %dma_wait3A_64 = arith.constant 0 : i32
      %dma_wait3A_65 = arith.constant 0 : i32
      %dma_wait3A_66 = tpu.memref_slice %arg8[%dma_wait3A_64, %dma_wait3A_65] : memref<256x128xf32, #tpu.memory_space<vmem>> -> memref<128x128xf32, #tpu.memory_space<vmem>>
      tpu.wait_dma2 semaphore(%run_scoped3A : memref<!tpu.dma_semaphore, #tpu.memory_space<semaphore_mem>>) src(%dma_wait3A_66 : memref<128x128xf32, #tpu.memory_space<vmem>>) dst(%dma_wait3A_63 : memref<128x128xf32, #tpu.memory_space<vmem_shared>>)
      tpu.yield
    }) : () -> ()
    %add3A_13 = arith.constant 128 : i32
    %add3A_14 = arith.addi %mul3A_0, %add3A_13 : i32
    "tpu.region"() ({
      %run_scoped3A = tpu.sem_alloc : memref<!tpu.dma_semaphore, #tpu.memory_space<semaphore_mem>>
      %dma_start3A = arith.constant 0 : i32
      %dma_start3A_49 = arith.constant 0 : i32
      %dma_start3A_50 = tpu.memref_slice %arg8[%dma_start3A, %dma_start3A_49] : memref<256x128xf32, #tpu.memory_space<vmem>> -> memref<128x128xf32, #tpu.memory_space<vmem>>
      %dma_start3A_51 = arith.constant 0 : i32
      %dma_start3A_52 = tpu.memref_slice %arg9[%add3A_14, %dma_start3A_51] : memref<10240x128xf32, #tpu.memory_space<vmem_shared>> -> memref<128x128xf32, #tpu.memory_space<vmem_shared>>
      %dma_start3A_53 = arith.constant 0 : i32
      %dma_start3A_54 = tpu.memref_slice %arg9[%add3A_14, %dma_start3A_53] : memref<10240x128xf32, #tpu.memory_space<vmem_shared>> -> memref<128x128xf32, #tpu.memory_space<vmem_shared>>
      %dma_start3A_55 = arith.constant 0 : i32
      %dma_start3A_56 = arith.constant 0 : i32
      %dma_start3A_57 = tpu.memref_slice %arg8[%dma_start3A_55, %dma_start3A_56] : memref<256x128xf32, #tpu.memory_space<vmem>> -> memref<128x128xf32, #tpu.memory_space<vmem>>
      tpu.enqueue_dma source(%dma_start3A_57 : memref<128x128xf32, #tpu.memory_space<vmem>>) target(%dma_start3A_54 : memref<128x128xf32, #tpu.memory_space<vmem_shared>>) target_semaphore(%run_scoped3A : memref<!tpu.dma_semaphore, #tpu.memory_space<semaphore_mem>>)
      %dma_wait3A = arith.constant 0 : i32
      %dma_wait3A_58 = arith.constant 0 : i32
      %dma_wait3A_59 = tpu.memref_slice %arg8[%dma_wait3A, %dma_wait3A_58] : memref<256x128xf32, #tpu.memory_space<vmem>> -> memref<128x128xf32, #tpu.memory_space<vmem>>
      %dma_wait3A_60 = arith.constant 0 : i32
      %dma_wait3A_61 = tpu.memref_slice %arg9[%add3A_14, %dma_wait3A_60] : memref<10240x128xf32, #tpu.memory_space<vmem_shared>> -> memref<128x128xf32, #tpu.memory_space<vmem_shared>>
      %dma_wait3A_62 = arith.constant 0 : i32
      %dma_wait3A_63 = tpu.memref_slice %arg9[%add3A_14, %dma_wait3A_62] : memref<10240x128xf32, #tpu.memory_space<vmem_shared>> -> memref<128x128xf32, #tpu.memory_space<vmem_shared>>
      %dma_wait3A_64 = arith.constant 0 : i32
      %dma_wait3A_65 = arith.constant 0 : i32
      %dma_wait3A_66 = tpu.memref_slice %arg8[%dma_wait3A_64, %dma_wait3A_65] : memref<256x128xf32, #tpu.memory_space<vmem>> -> memref<128x128xf32, #tpu.memory_space<vmem>>
      tpu.wait_dma2 semaphore(%run_scoped3A : memref<!tpu.dma_semaphore, #tpu.memory_space<semaphore_mem>>) src(%dma_wait3A_66 : memref<128x128xf32, #tpu.memory_space<vmem>>) dst(%dma_wait3A_63 : memref<128x128xf32, #tpu.memory_space<vmem_shared>>)
      tpu.yield
    }) : () -> ()
    %add3A_15 = arith.constant 256 : i32
    %add3A_16 = arith.addi %mul3A_0, %add3A_15 : i32
    "tpu.region"() ({
      %run_scoped3A = tpu.sem_alloc : memref<!tpu.dma_semaphore, #tpu.memory_space<semaphore_mem>>
      %dma_start3A = arith.constant 0 : i32
      %dma_start3A_49 = arith.constant 0 : i32
      %dma_start3A_50 = tpu.memref_slice %arg8[%dma_start3A, %dma_start3A_49] : memref<256x128xf32, #tpu.memory_space<vmem>> -> memref<128x128xf32, #tpu.memory_space<vmem>>
      %dma_start3A_51 = arith.constant 0 : i32
      %dma_start3A_52 = tpu.memref_slice %arg9[%add3A_16, %dma_start3A_51] : memref<10240x128xf32, #tpu.memory_space<vmem_shared>> -> memref<128x128xf32, #tpu.memory_space<vmem_shared>>
      %dma_start3A_53 = arith.constant 0 : i32
      %dma_start3A_54 = tpu.memref_slice %arg9[%add3A_16, %dma_start3A_53] : memref<10240x128xf32, #tpu.memory_space<vmem_shared>> -> memref<128x128xf32, #tpu.memory_space<vmem_shared>>
      %dma_start3A_55 = arith.constant 0 : i32
      %dma_start3A_56 = arith.constant 0 : i32
      %dma_start3A_57 = tpu.memref_slice %arg8[%dma_start3A_55, %dma_start3A_56] : memref<256x128xf32, #tpu.memory_space<vmem>> -> memref<128x128xf32, #tpu.memory_space<vmem>>
      tpu.enqueue_dma source(%dma_start3A_57 : memref<128x128xf32, #tpu.memory_space<vmem>>) target(%dma_start3A_54 : memref<128x128xf32, #tpu.memory_space<vmem_shared>>) target_semaphore(%run_scoped3A : memref<!tpu.dma_semaphore, #tpu.memory_space<semaphore_mem>>)
      %dma_wait3A = arith.constant 0 : i32
      %dma_wait3A_58 = arith.constant 0 : i32
      %dma_wait3A_59 = tpu.memref_slice %arg8[%dma_wait3A, %dma_wait3A_58] : memref<256x128xf32, #tpu.memory_space<vmem>> -> memref<128x128xf32, #tpu.memory_space<vmem>>
      %dma_wait3A_60 = arith.constant 0 : i32
      %dma_wait3A_61 = tpu.memref_slice %arg9[%add3A_16, %dma_wait3A_60] : memref<10240x128xf32, #tpu.memory_space<vmem_shared>> -> memref<128x128xf32, #tpu.memory_space<vmem_shared>>
      %dma_wait3A_62 = arith.constant 0 : i32
      %dma_wait3A_63 = tpu.memref_slice %arg9[%add3A_16, %dma_wait3A_62] : memref<10240x128xf32, #tpu.memory_space<vmem_shared>> -> memref<128x128xf32, #tpu.memory_space<vmem_shared>>
      %dma_wait3A_64 = arith.constant 0 : i32
      %dma_wait3A_65 = arith.constant 0 : i32
      %dma_wait3A_66 = tpu.memref_slice %arg8[%dma_wait3A_64, %dma_wait3A_65] : memref<256x128xf32, #tpu.memory_space<vmem>> -> memref<128x128xf32, #tpu.memory_space<vmem>>
      tpu.wait_dma2 semaphore(%run_scoped3A : memref<!tpu.dma_semaphore, #tpu.memory_space<semaphore_mem>>) src(%dma_wait3A_66 : memref<128x128xf32, #tpu.memory_space<vmem>>) dst(%dma_wait3A_63 : memref<128x128xf32, #tpu.memory_space<vmem_shared>>)
      tpu.yield
    }) : () -> ()
    %add3A_17 = arith.constant 384 : i32
    %add3A_18 = arith.addi %mul3A_0, %add3A_17 : i32
    "tpu.region"() ({
      %run_scoped3A = tpu.sem_alloc : memref<!tpu.dma_semaphore, #tpu.memory_space<semaphore_mem>>
      %dma_start3A = arith.constant 0 : i32
      %dma_start3A_49 = arith.constant 0 : i32
      %dma_start3A_50 = tpu.memref_slice %arg8[%dma_start3A, %dma_start3A_49] : memref<256x128xf32, #tpu.memory_space<vmem>> -> memref<128x128xf32, #tpu.memory_space<vmem>>
      %dma_start3A_51 = arith.constant 0 : i32
      %dma_start3A_52 = tpu.memref_slice %arg9[%add3A_18, %dma_start3A_51] : memref<10240x128xf32, #tpu.memory_space<vmem_shared>> -> memref<128x128xf32, #tpu.memory_space<vmem_shared>>
      %dma_start3A_53 = arith.constant 0 : i32
      %dma_start3A_54 = tpu.memref_slice %arg9[%add3A_18, %dma_start3A_53] : memref<10240x128xf32, #tpu.memory_space<vmem_shared>> -> memref<128x128xf32, #tpu.memory_space<vmem_shared>>
      %dma_start3A_55 = arith.constant 0 : i32
      %dma_start3A_56 = arith.constant 0 : i32
      %dma_start3A_57 = tpu.memref_slice %arg8[%dma_start3A_55, %dma_start3A_56] : memref<256x128xf32, #tpu.memory_space<vmem>> -> memref<128x128xf32, #tpu.memory_space<vmem>>
      tpu.enqueue_dma source(%dma_start3A_57 : memref<128x128xf32, #tpu.memory_space<vmem>>) target(%dma_start3A_54 : memref<128x128xf32, #tpu.memory_space<vmem_shared>>) target_semaphore(%run_scoped3A : memref<!tpu.dma_semaphore, #tpu.memory_space<semaphore_mem>>)
      %dma_wait3A = arith.constant 0 : i32
      %dma_wait3A_58 = arith.constant 0 : i32
      %dma_wait3A_59 = tpu.memref_slice %arg8[%dma_wait3A, %dma_wait3A_58] : memref<256x128xf32, #tpu.memory_space<vmem>> -> memref<128x128xf32, #tpu.memory_space<vmem>>
      %dma_wait3A_60 = arith.constant 0 : i32
      %dma_wait3A_61 = tpu.memref_slice %arg9[%add3A_18, %dma_wait3A_60] : memref<10240x128xf32, #tpu.memory_space<vmem_shared>> -> memref<128x128xf32, #tpu.memory_space<vmem_shared>>
      %dma_wait3A_62 = arith.constant 0 : i32
      %dma_wait3A_63 = tpu.memref_slice %arg9[%add3A_18, %dma_wait3A_62] : memref<10240x128xf32, #tpu.memory_space<vmem_shared>> -> memref<128x128xf32, #tpu.memory_space<vmem_shared>>
      %dma_wait3A_64 = arith.constant 0 : i32
      %dma_wait3A_65 = arith.constant 0 : i32
      %dma_wait3A_66 = tpu.memref_slice %arg8[%dma_wait3A_64, %dma_wait3A_65] : memref<256x128xf32, #tpu.memory_space<vmem>> -> memref<128x128xf32, #tpu.memory_space<vmem>>
      tpu.wait_dma2 semaphore(%run_scoped3A : memref<!tpu.dma_semaphore, #tpu.memory_space<semaphore_mem>>) src(%dma_wait3A_66 : memref<128x128xf32, #tpu.memory_space<vmem>>) dst(%dma_wait3A_63 : memref<128x128xf32, #tpu.memory_space<vmem_shared>>)
      tpu.yield
    }) : () -> ()
    %add3A_19 = arith.constant 512 : i32
    %add3A_20 = arith.addi %mul3A_0, %add3A_19 : i32
    "tpu.region"() ({
      %run_scoped3A = tpu.sem_alloc : memref<!tpu.dma_semaphore, #tpu.memory_space<semaphore_mem>>
      %dma_start3A = arith.constant 0 : i32
      %dma_start3A_49 = arith.constant 0 : i32
      %dma_start3A_50 = tpu.memref_slice %arg8[%dma_start3A, %dma_start3A_49] : memref<256x128xf32, #tpu.memory_space<vmem>> -> memref<128x128xf32, #tpu.memory_space<vmem>>
      %dma_start3A_51 = arith.constant 0 : i32
      %dma_start3A_52 = tpu.memref_slice %arg9[%add3A_20, %dma_start3A_51] : memref<10240x128xf32, #tpu.memory_space<vmem_shared>> -> memref<128x128xf32, #tpu.memory_space<vmem_shared>>
      %dma_start3A_53 = arith.constant 0 : i32
      %dma_start3A_54 = tpu.memref_slice %arg9[%add3A_20, %dma_start3A_53] : memref<10240x128xf32, #tpu.memory_space<vmem_shared>> -> memref<128x128xf32, #tpu.memory_space<vmem_shared>>
      %dma_start3A_55 = arith.constant 0 : i32
      %dma_start3A_56 = arith.constant 0 : i32
      %dma_start3A_57 = tpu.memref_slice %arg8[%dma_start3A_55, %dma_start3A_56] : memref<256x128xf32, #tpu.memory_space<vmem>> -> memref<128x128xf32, #tpu.memory_space<vmem>>
      tpu.enqueue_dma source(%dma_start3A_57 : memref<128x128xf32, #tpu.memory_space<vmem>>) target(%dma_start3A_54 : memref<128x128xf32, #tpu.memory_space<vmem_shared>>) target_semaphore(%run_scoped3A : memref<!tpu.dma_semaphore, #tpu.memory_space<semaphore_mem>>)
      %dma_wait3A = arith.constant 0 : i32
      %dma_wait3A_58 = arith.constant 0 : i32
      %dma_wait3A_59 = tpu.memref_slice %arg8[%dma_wait3A, %dma_wait3A_58] : memref<256x128xf32, #tpu.memory_space<vmem>> -> memref<128x128xf32, #tpu.memory_space<vmem>>
      %dma_wait3A_60 = arith.constant 0 : i32
      %dma_wait3A_61 = tpu.memref_slice %arg9[%add3A_20, %dma_wait3A_60] : memref<10240x128xf32, #tpu.memory_space<vmem_shared>> -> memref<128x128xf32, #tpu.memory_space<vmem_shared>>
      %dma_wait3A_62 = arith.constant 0 : i32
      %dma_wait3A_63 = tpu.memref_slice %arg9[%add3A_20, %dma_wait3A_62] : memref<10240x128xf32, #tpu.memory_space<vmem_shared>> -> memref<128x128xf32, #tpu.memory_space<vmem_shared>>
      %dma_wait3A_64 = arith.constant 0 : i32
      %dma_wait3A_65 = arith.constant 0 : i32
      %dma_wait3A_66 = tpu.memref_slice %arg8[%dma_wait3A_64, %dma_wait3A_65] : memref<256x128xf32, #tpu.memory_space<vmem>> -> memref<128x128xf32, #tpu.memory_space<vmem>>
      tpu.wait_dma2 semaphore(%run_scoped3A : memref<!tpu.dma_semaphore, #tpu.memory_space<semaphore_mem>>) src(%dma_wait3A_66 : memref<128x128xf32, #tpu.memory_space<vmem>>) dst(%dma_wait3A_63 : memref<128x128xf32, #tpu.memory_space<vmem_shared>>)
      tpu.yield
    }) : () -> ()
    %barrier3A = arith.constant 0 : index
    tpu.barrier barrier_id(%barrier3A)
    %gt3A = arith.constant 0 : i32
    %gt3A_21 = arith.cmpi sgt, %select_n3A, %gt3A : i32
    %convert_element_type3A = arith.extui %gt3A_21 : i1 to i32
    %cond3A = arith.constant 0 : i32
    %cond3A_22 = arith.cmpi ne, %convert_element_type3A, %cond3A : i32
    scf.if %cond3A_22 {
      %add3A_49 = arith.constant 0 : i32
      %add3A_50 = arith.addi %select_n3A_10, %add3A_49 : i32
      %dma_start3A = arith.constant 0 : i32
      %dma_start3A_51 = arith.constant 0 : i32
      %dma_start3A_52 = tpu.memref_slice %arg3[%dma_start3A, %add3A_50, %dma_start3A_51] : memref<2x2560x128xi32, #tpu.memory_space<hbm>> -> memref<2x1x128xi32, #tpu.memory_space<hbm>>
      %dma_start3A_53 = tpu.memref_squeeze %dma_start3A_52 : memref<2x1x128xi32, #tpu.memory_space<hbm>> -> memref<2x128xi32, #tpu.memory_space<hbm>>
      %dma_start3A_54 = arith.constant 0 : i32
      %dma_start3A_55 = arith.constant 0 : i32
      %dma_start3A_56 = tpu.memref_slice %arg3[%dma_start3A_54, %add3A_50, %dma_start3A_55] : memref<2x2560x128xi32, #tpu.memory_space<hbm>> -> memref<2x1x128xi32, #tpu.memory_space<hbm>>
      %dma_start3A_57 = tpu.memref_squeeze %dma_start3A_56 : memref<2x1x128xi32, #tpu.memory_space<hbm>> -> memref<2x128xi32, #tpu.memory_space<hbm>>
      tpu.enqueue_dma source(%dma_start3A_57 : memref<2x128xi32, #tpu.memory_space<hbm>>) target(%arg6 : memref<2x128xi32, #tpu.memory_space<vmem>>) target_semaphore(%arg12 : memref<!tpu.dma_semaphore, #tpu.memory_space<semaphore_mem>>)
      %gt3A_58 = arith.constant 1 : i32
      %gt3A_59 = arith.cmpi sgt, %select_n3A, %gt3A_58 : i32
      %convert_element_type3A_60 = arith.extui %gt3A_59 : i1 to i32
      %cond3A_61 = arith.constant 0 : i32
      %cond3A_62 = arith.cmpi ne, %convert_element_type3A_60, %cond3A_61 : i32
      scf.if %cond3A_62 {
        %add3A_82 = arith.constant 1 : i32
        %add3A_83 = arith.addi %select_n3A_10, %add3A_82 : i32
        %dma_start3A_84 = arith.constant 0 : i32
        %dma_start3A_85 = arith.constant 0 : i32
        %dma_start3A_86 = tpu.memref_slice %arg3[%dma_start3A_84, %add3A_83, %dma_start3A_85] : memref<2x2560x128xi32, #tpu.memory_space<hbm>> -> memref<2x1x128xi32, #tpu.memory_space<hbm>>
        %dma_start3A_87 = tpu.memref_squeeze %dma_start3A_86 : memref<2x1x128xi32, #tpu.memory_space<hbm>> -> memref<2x128xi32, #tpu.memory_space<hbm>>
        %dma_start3A_88 = arith.constant 0 : i32
        %dma_start3A_89 = arith.constant 0 : i32
        %dma_start3A_90 = tpu.memref_slice %arg3[%dma_start3A_88, %add3A_83, %dma_start3A_89] : memref<2x2560x128xi32, #tpu.memory_space<hbm>> -> memref<2x1x128xi32, #tpu.memory_space<hbm>>
        %dma_start3A_91 = tpu.memref_squeeze %dma_start3A_90 : memref<2x1x128xi32, #tpu.memory_space<hbm>> -> memref<2x128xi32, #tpu.memory_space<hbm>>
        tpu.enqueue_dma source(%dma_start3A_91 : memref<2x128xi32, #tpu.memory_space<hbm>>) target(%arg7 : memref<2x128xi32, #tpu.memory_space<vmem>>) target_semaphore(%arg13 : memref<!tpu.dma_semaphore, #tpu.memory_space<semaphore_mem>>)
      } else {
      }
      %add3A_63 = arith.constant 0 : i32
      %add3A_64 = arith.addi %select_n3A_10, %add3A_63 : i32
      %dma_wait3A = arith.constant 0 : i32
      %dma_wait3A_65 = arith.constant 0 : i32
      %dma_wait3A_66 = tpu.memref_slice %arg3[%dma_wait3A, %add3A_64, %dma_wait3A_65] : memref<2x2560x128xi32, #tpu.memory_space<hbm>> -> memref<2x1x128xi32, #tpu.memory_space<hbm>>
      %dma_wait3A_67 = tpu.memref_squeeze %dma_wait3A_66 : memref<2x1x128xi32, #tpu.memory_space<hbm>> -> memref<2x128xi32, #tpu.memory_space<hbm>>
      %dma_wait3A_68 = arith.constant 0 : i32
      %dma_wait3A_69 = arith.constant 0 : i32
      %dma_wait3A_70 = tpu.memref_slice %arg3[%dma_wait3A_68, %add3A_64, %dma_wait3A_69] : memref<2x2560x128xi32, #tpu.memory_space<hbm>> -> memref<2x1x128xi32, #tpu.memory_space<hbm>>
      %dma_wait3A_71 = tpu.memref_squeeze %dma_wait3A_70 : memref<2x1x128xi32, #tpu.memory_space<hbm>> -> memref<2x128xi32, #tpu.memory_space<hbm>>
      tpu.wait_dma2 semaphore(%arg12 : memref<!tpu.dma_semaphore, #tpu.memory_space<semaphore_mem>>) src(%dma_wait3A_71 : memref<2x128xi32, #tpu.memory_space<hbm>>) dst(%arg6 : memref<2x128xi32, #tpu.memory_space<vmem>>)
      %dma_start3A_72 = arith.constant 0 : i32
      %dma_start3A_73 = arith.constant 0 : i32
      %dma_start3A_74 = arith.constant 0 : i32
      %dma_start3A_75 = tpu.memref_slice %arg8[%dma_start3A_73, %dma_start3A_74] : memref<256x128xf32, #tpu.memory_space<vmem>> -> memref<128x128xf32, #tpu.memory_space<vmem>>
      %dma_start3A_76 = arith.constant 0 : i32
      %dma_start3A_77 = tpu.memref_slice %arg6[%dma_start3A_72, %dma_start3A_76] : memref<2x128xi32, #tpu.memory_space<vmem>> -> memref<1x128xi32, #tpu.memory_space<vmem>>
      %dma_start3A_78 = tpu.memref_squeeze %dma_start3A_77 : memref<1x128xi32, #tpu.memory_space<vmem>> -> memref<128xi32, #tpu.memory_space<vmem>>
      %dma_start3A_79 = arith.constant 0 : i32
      %dma_start3A_80 = arith.constant 0 : i32
      %dma_start3A_81 = tpu.memref_slice %arg2[%dma_start3A_79, %dma_start3A_80] : memref<10240x128xf32, #tpu.memory_space<hbm>> -> memref<10240x128xf32, #tpu.memory_space<hbm>>
      tpu.enqueue_indirect_dma source(%dma_start3A_81 : memref<10240x128xf32, #tpu.memory_space<hbm>>) target(%dma_start3A_75 : memref<128x128xf32, #tpu.memory_space<vmem>>) offsets(%dma_start3A_78 : memref<128xi32, #tpu.memory_space<vmem>>) semaphore(%arg10 : memref<!tpu.dma_semaphore, #tpu.memory_space<semaphore_mem>>)
    } else {
    }
    %scan3A = arith.constant 0 : i32
    %scan3A_23 = arith.constant 0 : i32
    %scan3A_24 = arith.constant 40 : i32
    %scan3A_25 = arith.addi %scan3A_23, %scan3A_24 : i32
    %scan3A_26 = arith.constant 1 : i32
    scf.for %scan3A_49 = %scan3A_23 to %scan3A_25 step %scan3A_26  : i32 {
      %mul3A_50 = arith.constant 2 : i32
      %mul3A_51 = arith.muli %scan3A_49, %mul3A_50 : i32
      %add3A_52 = arith.constant 0 : i32
      %add3A_53 = arith.addi %mul3A_51, %add3A_52 : i32
      %lt3A = arith.cmpi slt, %add3A_53, %select_n3A : i32
      %convert_element_type3A_54 = arith.extui %lt3A : i1 to i32
      %cond3A_55 = arith.constant 0 : i32
      %cond3A_56 = arith.cmpi ne, %convert_element_type3A_54, %cond3A_55 : i32
      scf.if %cond3A_56 {
        %add3A_65 = arith.constant 1 : i32
        %add3A_66 = arith.addi %add3A_53, %add3A_65 : i32
        %lt3A_67 = arith.cmpi slt, %add3A_66, %select_n3A : i32
        %convert_element_type3A_68 = arith.extui %lt3A_67 : i1 to i32
        %cond3A_69 = arith.constant 0 : i32
        %cond3A_70 = arith.cmpi ne, %convert_element_type3A_68, %cond3A_69 : i32
        scf.if %cond3A_70 {
          %add3A_86 = arith.constant 1 : i32
          %add3A_87 = arith.addi %add3A_53, %add3A_86 : i32
          %add3A_88 = arith.addi %select_n3A_10, %add3A_87 : i32
          %dma_wait3A_89 = arith.constant 0 : i32
          %dma_wait3A_90 = arith.constant 0 : i32
          %dma_wait3A_91 = tpu.memref_slice %arg3[%dma_wait3A_89, %add3A_88, %dma_wait3A_90] : memref<2x2560x128xi32, #tpu.memory_space<hbm>> -> memref<2x1x128xi32, #tpu.memory_space<hbm>>
          %dma_wait3A_92 = tpu.memref_squeeze %dma_wait3A_91 : memref<2x1x128xi32, #tpu.memory_space<hbm>> -> memref<2x128xi32, #tpu.memory_space<hbm>>
          %dma_wait3A_93 = arith.constant 0 : i32
          %dma_wait3A_94 = arith.constant 0 : i32
          %dma_wait3A_95 = tpu.memref_slice %arg3[%dma_wait3A_93, %add3A_88, %dma_wait3A_94] : memref<2x2560x128xi32, #tpu.memory_space<hbm>> -> memref<2x1x128xi32, #tpu.memory_space<hbm>>
          %dma_wait3A_96 = tpu.memref_squeeze %dma_wait3A_95 : memref<2x1x128xi32, #tpu.memory_space<hbm>> -> memref<2x128xi32, #tpu.memory_space<hbm>>
          tpu.wait_dma2 semaphore(%arg13 : memref<!tpu.dma_semaphore, #tpu.memory_space<semaphore_mem>>) src(%dma_wait3A_96 : memref<2x128xi32, #tpu.memory_space<hbm>>) dst(%arg7 : memref<2x128xi32, #tpu.memory_space<vmem>>)
          %dma_start3A = arith.constant 0 : i32
          %dma_start3A_97 = arith.constant 128 : i32
          %dma_start3A_98 = arith.constant 0 : i32
          %dma_start3A_99 = tpu.memref_slice %arg8[%dma_start3A_97, %dma_start3A_98] : memref<256x128xf32, #tpu.memory_space<vmem>> -> memref<128x128xf32, #tpu.memory_space<vmem>>
          %dma_start3A_100 = arith.constant 0 : i32
          %dma_start3A_101 = tpu.memref_slice %arg7[%dma_start3A, %dma_start3A_100] : memref<2x128xi32, #tpu.memory_space<vmem>> -> memref<1x128xi32, #tpu.memory_space<vmem>>
          %dma_start3A_102 = tpu.memref_squeeze %dma_start3A_101 : memref<1x128xi32, #tpu.memory_space<vmem>> -> memref<128xi32, #tpu.memory_space<vmem>>
          %dma_start3A_103 = arith.constant 0 : i32
          %dma_start3A_104 = arith.constant 0 : i32
          %dma_start3A_105 = tpu.memref_slice %arg2[%dma_start3A_103, %dma_start3A_104] : memref<10240x128xf32, #tpu.memory_space<hbm>> -> memref<10240x128xf32, #tpu.memory_space<hbm>>
          tpu.enqueue_indirect_dma source(%dma_start3A_105 : memref<10240x128xf32, #tpu.memory_space<hbm>>) target(%dma_start3A_99 : memref<128x128xf32, #tpu.memory_space<vmem>>) offsets(%dma_start3A_102 : memref<128xi32, #tpu.memory_space<vmem>>) semaphore(%arg11 : memref<!tpu.dma_semaphore, #tpu.memory_space<semaphore_mem>>)
        } else {
        }
        %dma_wait3A = arith.constant 0 : i32
        %dma_wait3A_71 = arith.constant 0 : i32
        %dma_wait3A_72 = arith.constant 0 : i32
        %dma_wait3A_73 = tpu.memref_slice %arg8[%dma_wait3A_71, %dma_wait3A_72] : memref<256x128xf32, #tpu.memory_space<vmem>> -> memref<128x128xf32, #tpu.memory_space<vmem>>
        %dma_wait3A_74 = arith.constant 0 : i32
        %dma_wait3A_75 = tpu.memref_slice %arg6[%dma_wait3A, %dma_wait3A_74] : memref<2x128xi32, #tpu.memory_space<vmem>> -> memref<1x128xi32, #tpu.memory_space<vmem>>
        %dma_wait3A_76 = tpu.memref_squeeze %dma_wait3A_75 : memref<1x128xi32, #tpu.memory_space<vmem>> -> memref<128xi32, #tpu.memory_space<vmem>>
        %dma_wait3A_77 = arith.constant 0 : i32
        %dma_wait3A_78 = arith.constant 0 : i32
        %dma_wait3A_79 = tpu.memref_slice %arg2[%dma_wait3A_77, %dma_wait3A_78] : memref<10240x128xf32, #tpu.memory_space<hbm>> -> memref<10240x128xf32, #tpu.memory_space<hbm>>
        tpu.wait_indirect_dma semaphore(%arg10 : memref<!tpu.dma_semaphore, #tpu.memory_space<semaphore_mem>>) src(%dma_wait3A_79 : memref<10240x128xf32, #tpu.memory_space<hbm>>) dst(%dma_wait3A_73 : memref<128x128xf32, #tpu.memory_space<vmem>>)
        %run_scoped3A = arith.constant 1 : i32
        "tpu.region"() ({
          %run_scoped3A_86 = tpu.sem_alloc : memref<!tpu.dma_semaphore, #tpu.memory_space<semaphore_mem>>
          %dma_start3A = arith.constant 0 : i32
          %dma_start3A_87 = arith.constant 0 : i32
          %dma_start3A_88 = tpu.memref_slice %arg8[%dma_start3A, %dma_start3A_87] : memref<256x128xf32, #tpu.memory_space<vmem>> -> memref<128x128xf32, #tpu.memory_space<vmem>>
          %dma_start3A_89 = arith.constant 0 : i32
          %dma_start3A_90 = tpu.memref_slice %arg6[%run_scoped3A, %dma_start3A_89] : memref<2x128xi32, #tpu.memory_space<vmem>> -> memref<1x128xi32, #tpu.memory_space<vmem>>
          %dma_start3A_91 = tpu.memref_squeeze %dma_start3A_90 : memref<1x128xi32, #tpu.memory_space<vmem>> -> memref<128xi32, #tpu.memory_space<vmem>>
          %dma_start3A_92 = arith.constant 0 : i32
          %dma_start3A_93 = arith.constant 0 : i32
          %dma_start3A_94 = tpu.memref_slice %arg9[%dma_start3A_92, %dma_start3A_93] : memref<10240x128xf32, #tpu.memory_space<vmem_shared>> -> memref<10240x128xf32, #tpu.memory_space<vmem_shared>>
          tpu.enqueue_indirect_dma source(%dma_start3A_88 : memref<128x128xf32, #tpu.memory_space<vmem>>) target(%dma_start3A_94 : memref<10240x128xf32, #tpu.memory_space<vmem_shared>>) offsets(%dma_start3A_91 : memref<128xi32, #tpu.memory_space<vmem>>) semaphore(%run_scoped3A_86 : memref<!tpu.dma_semaphore, #tpu.memory_space<semaphore_mem>>) {add = true}
          %dma_wait3A_95 = arith.constant 0 : i32
          %dma_wait3A_96 = arith.constant 0 : i32
          %dma_wait3A_97 = tpu.memref_slice %arg8[%dma_wait3A_95, %dma_wait3A_96] : memref<256x128xf32, #tpu.memory_space<vmem>> -> memref<128x128xf32, #tpu.memory_space<vmem>>
          %dma_wait3A_98 = arith.constant 0 : i32
          %dma_wait3A_99 = tpu.memref_slice %arg6[%run_scoped3A, %dma_wait3A_98] : memref<2x128xi32, #tpu.memory_space<vmem>> -> memref<1x128xi32, #tpu.memory_space<vmem>>
          %dma_wait3A_100 = tpu.memref_squeeze %dma_wait3A_99 : memref<1x128xi32, #tpu.memory_space<vmem>> -> memref<128xi32, #tpu.memory_space<vmem>>
          %dma_wait3A_101 = arith.constant 0 : i32
          %dma_wait3A_102 = arith.constant 0 : i32
          %dma_wait3A_103 = tpu.memref_slice %arg9[%dma_wait3A_101, %dma_wait3A_102] : memref<10240x128xf32, #tpu.memory_space<vmem_shared>> -> memref<10240x128xf32, #tpu.memory_space<vmem_shared>>
          tpu.wait_indirect_dma semaphore(%run_scoped3A_86 : memref<!tpu.dma_semaphore, #tpu.memory_space<semaphore_mem>>) src(%dma_wait3A_97 : memref<128x128xf32, #tpu.memory_space<vmem>>) dst(%dma_wait3A_103 : memref<10240x128xf32, #tpu.memory_space<vmem_shared>>)
          tpu.yield
        }) : () -> ()
        %add3A_80 = arith.constant 2 : i32
        %add3A_81 = arith.addi %add3A_53, %add3A_80 : i32
        %lt3A_82 = arith.cmpi slt, %add3A_81, %select_n3A : i32
        %convert_element_type3A_83 = arith.extui %lt3A_82 : i1 to i32
        %cond3A_84 = arith.constant 0 : i32
        %cond3A_85 = arith.cmpi ne, %convert_element_type3A_83, %cond3A_84 : i32
        scf.if %cond3A_85 {
          %add3A_86 = arith.constant 2 : i32
          %add3A_87 = arith.addi %add3A_53, %add3A_86 : i32
          %add3A_88 = arith.addi %select_n3A_10, %add3A_87 : i32
          %dma_start3A = arith.constant 0 : i32
          %dma_start3A_89 = arith.constant 0 : i32
          %dma_start3A_90 = tpu.memref_slice %arg3[%dma_start3A, %add3A_88, %dma_start3A_89] : memref<2x2560x128xi32, #tpu.memory_space<hbm>> -> memref<2x1x128xi32, #tpu.memory_space<hbm>>
          %dma_start3A_91 = tpu.memref_squeeze %dma_start3A_90 : memref<2x1x128xi32, #tpu.memory_space<hbm>> -> memref<2x128xi32, #tpu.memory_space<hbm>>
          %dma_start3A_92 = arith.constant 0 : i32
          %dma_start3A_93 = arith.constant 0 : i32
          %dma_start3A_94 = tpu.memref_slice %arg3[%dma_start3A_92, %add3A_88, %dma_start3A_93] : memref<2x2560x128xi32, #tpu.memory_space<hbm>> -> memref<2x1x128xi32, #tpu.memory_space<hbm>>
          %dma_start3A_95 = tpu.memref_squeeze %dma_start3A_94 : memref<2x1x128xi32, #tpu.memory_space<hbm>> -> memref<2x128xi32, #tpu.memory_space<hbm>>
          tpu.enqueue_dma source(%dma_start3A_95 : memref<2x128xi32, #tpu.memory_space<hbm>>) target(%arg6 : memref<2x128xi32, #tpu.memory_space<vmem>>) target_semaphore(%arg12 : memref<!tpu.dma_semaphore, #tpu.memory_space<semaphore_mem>>)
        } else {
        }
      } else {
      }
      %mul3A_57 = arith.constant 2 : i32
      %mul3A_58 = arith.muli %scan3A_49, %mul3A_57 : i32
      %add3A_59 = arith.constant 1 : i32
      %add3A_60 = arith.addi %mul3A_58, %add3A_59 : i32
      %lt3A_61 = arith.cmpi slt, %add3A_60, %select_n3A : i32
      %convert_element_type3A_62 = arith.extui %lt3A_61 : i1 to i32
      %cond3A_63 = arith.constant 0 : i32
      %cond3A_64 = arith.cmpi ne, %convert_element_type3A_62, %cond3A_63 : i32
      scf.if %cond3A_64 {
        %add3A_65 = arith.constant 1 : i32
        %add3A_66 = arith.addi %add3A_60, %add3A_65 : i32
        %lt3A_67 = arith.cmpi slt, %add3A_66, %select_n3A : i32
        %convert_element_type3A_68 = arith.extui %lt3A_67 : i1 to i32
        %cond3A_69 = arith.constant 0 : i32
        %cond3A_70 = arith.cmpi ne, %convert_element_type3A_68, %cond3A_69 : i32
        scf.if %cond3A_70 {
          %add3A_86 = arith.constant 1 : i32
          %add3A_87 = arith.addi %add3A_60, %add3A_86 : i32
          %add3A_88 = arith.addi %select_n3A_10, %add3A_87 : i32
          %dma_wait3A_89 = arith.constant 0 : i32
          %dma_wait3A_90 = arith.constant 0 : i32
          %dma_wait3A_91 = tpu.memref_slice %arg3[%dma_wait3A_89, %add3A_88, %dma_wait3A_90] : memref<2x2560x128xi32, #tpu.memory_space<hbm>> -> memref<2x1x128xi32, #tpu.memory_space<hbm>>
          %dma_wait3A_92 = tpu.memref_squeeze %dma_wait3A_91 : memref<2x1x128xi32, #tpu.memory_space<hbm>> -> memref<2x128xi32, #tpu.memory_space<hbm>>
          %dma_wait3A_93 = arith.constant 0 : i32
          %dma_wait3A_94 = arith.constant 0 : i32
          %dma_wait3A_95 = tpu.memref_slice %arg3[%dma_wait3A_93, %add3A_88, %dma_wait3A_94] : memref<2x2560x128xi32, #tpu.memory_space<hbm>> -> memref<2x1x128xi32, #tpu.memory_space<hbm>>
          %dma_wait3A_96 = tpu.memref_squeeze %dma_wait3A_95 : memref<2x1x128xi32, #tpu.memory_space<hbm>> -> memref<2x128xi32, #tpu.memory_space<hbm>>
          tpu.wait_dma2 semaphore(%arg12 : memref<!tpu.dma_semaphore, #tpu.memory_space<semaphore_mem>>) src(%dma_wait3A_96 : memref<2x128xi32, #tpu.memory_space<hbm>>) dst(%arg6 : memref<2x128xi32, #tpu.memory_space<vmem>>)
          %dma_start3A = arith.constant 0 : i32
          %dma_start3A_97 = arith.constant 0 : i32
          %dma_start3A_98 = arith.constant 0 : i32
          %dma_start3A_99 = tpu.memref_slice %arg8[%dma_start3A_97, %dma_start3A_98] : memref<256x128xf32, #tpu.memory_space<vmem>> -> memref<128x128xf32, #tpu.memory_space<vmem>>
          %dma_start3A_100 = arith.constant 0 : i32
          %dma_start3A_101 = tpu.memref_slice %arg6[%dma_start3A, %dma_start3A_100] : memref<2x128xi32, #tpu.memory_space<vmem>> -> memref<1x128xi32, #tpu.memory_space<vmem>>
          %dma_start3A_102 = tpu.memref_squeeze %dma_start3A_101 : memref<1x128xi32, #tpu.memory_space<vmem>> -> memref<128xi32, #tpu.memory_space<vmem>>
          %dma_start3A_103 = arith.constant 0 : i32
          %dma_start3A_104 = arith.constant 0 : i32
          %dma_start3A_105 = tpu.memref_slice %arg2[%dma_start3A_103, %dma_start3A_104] : memref<10240x128xf32, #tpu.memory_space<hbm>> -> memref<10240x128xf32, #tpu.memory_space<hbm>>
          tpu.enqueue_indirect_dma source(%dma_start3A_105 : memref<10240x128xf32, #tpu.memory_space<hbm>>) target(%dma_start3A_99 : memref<128x128xf32, #tpu.memory_space<vmem>>) offsets(%dma_start3A_102 : memref<128xi32, #tpu.memory_space<vmem>>) semaphore(%arg10 : memref<!tpu.dma_semaphore, #tpu.memory_space<semaphore_mem>>)
        } else {
        }
        %dma_wait3A = arith.constant 0 : i32
        %dma_wait3A_71 = arith.constant 128 : i32
        %dma_wait3A_72 = arith.constant 0 : i32
        %dma_wait3A_73 = tpu.memref_slice %arg8[%dma_wait3A_71, %dma_wait3A_72] : memref<256x128xf32, #tpu.memory_space<vmem>> -> memref<128x128xf32, #tpu.memory_space<vmem>>
        %dma_wait3A_74 = arith.constant 0 : i32
        %dma_wait3A_75 = tpu.memref_slice %arg7[%dma_wait3A, %dma_wait3A_74] : memref<2x128xi32, #tpu.memory_space<vmem>> -> memref<1x128xi32, #tpu.memory_space<vmem>>
        %dma_wait3A_76 = tpu.memref_squeeze %dma_wait3A_75 : memref<1x128xi32, #tpu.memory_space<vmem>> -> memref<128xi32, #tpu.memory_space<vmem>>
        %dma_wait3A_77 = arith.constant 0 : i32
        %dma_wait3A_78 = arith.constant 0 : i32
        %dma_wait3A_79 = tpu.memref_slice %arg2[%dma_wait3A_77, %dma_wait3A_78] : memref<10240x128xf32, #tpu.memory_space<hbm>> -> memref<10240x128xf32, #tpu.memory_space<hbm>>
        tpu.wait_indirect_dma semaphore(%arg11 : memref<!tpu.dma_semaphore, #tpu.memory_space<semaphore_mem>>) src(%dma_wait3A_79 : memref<10240x128xf32, #tpu.memory_space<hbm>>) dst(%dma_wait3A_73 : memref<128x128xf32, #tpu.memory_space<vmem>>)
        %run_scoped3A = arith.constant 1 : i32
        "tpu.region"() ({
          %run_scoped3A_86 = tpu.sem_alloc : memref<!tpu.dma_semaphore, #tpu.memory_space<semaphore_mem>>
          %dma_start3A = arith.constant 128 : i32
          %dma_start3A_87 = arith.constant 0 : i32
          %dma_start3A_88 = tpu.memref_slice %arg8[%dma_start3A, %dma_start3A_87] : memref<256x128xf32, #tpu.memory_space<vmem>> -> memref<128x128xf32, #tpu.memory_space<vmem>>
          %dma_start3A_89 = arith.constant 0 : i32
          %dma_start3A_90 = tpu.memref_slice %arg7[%run_scoped3A, %dma_start3A_89] : memref<2x128xi32, #tpu.memory_space<vmem>> -> memref<1x128xi32, #tpu.memory_space<vmem>>
          %dma_start3A_91 = tpu.memref_squeeze %dma_start3A_90 : memref<1x128xi32, #tpu.memory_space<vmem>> -> memref<128xi32, #tpu.memory_space<vmem>>
          %dma_start3A_92 = arith.constant 0 : i32
          %dma_start3A_93 = arith.constant 0 : i32
          %dma_start3A_94 = tpu.memref_slice %arg9[%dma_start3A_92, %dma_start3A_93] : memref<10240x128xf32, #tpu.memory_space<vmem_shared>> -> memref<10240x128xf32, #tpu.memory_space<vmem_shared>>
          tpu.enqueue_indirect_dma source(%dma_start3A_88 : memref<128x128xf32, #tpu.memory_space<vmem>>) target(%dma_start3A_94 : memref<10240x128xf32, #tpu.memory_space<vmem_shared>>) offsets(%dma_start3A_91 : memref<128xi32, #tpu.memory_space<vmem>>) semaphore(%run_scoped3A_86 : memref<!tpu.dma_semaphore, #tpu.memory_space<semaphore_mem>>) {add = true}
          %dma_wait3A_95 = arith.constant 128 : i32
          %dma_wait3A_96 = arith.constant 0 : i32
          %dma_wait3A_97 = tpu.memref_slice %arg8[%dma_wait3A_95, %dma_wait3A_96] : memref<256x128xf32, #tpu.memory_space<vmem>> -> memref<128x128xf32, #tpu.memory_space<vmem>>
          %dma_wait3A_98 = arith.constant 0 : i32
          %dma_wait3A_99 = tpu.memref_slice %arg7[%run_scoped3A, %dma_wait3A_98] : memref<2x128xi32, #tpu.memory_space<vmem>> -> memref<1x128xi32, #tpu.memory_space<vmem>>
          %dma_wait3A_100 = tpu.memref_squeeze %dma_wait3A_99 : memref<1x128xi32, #tpu.memory_space<vmem>> -> memref<128xi32, #tpu.memory_space<vmem>>
          %dma_wait3A_101 = arith.constant 0 : i32
          %dma_wait3A_102 = arith.constant 0 : i32
          %dma_wait3A_103 = tpu.memref_slice %arg9[%dma_wait3A_101, %dma_wait3A_102] : memref<10240x128xf32, #tpu.memory_space<vmem_shared>> -> memref<10240x128xf32, #tpu.memory_space<vmem_shared>>
          tpu.wait_indirect_dma semaphore(%run_scoped3A_86 : memref<!tpu.dma_semaphore, #tpu.memory_space<semaphore_mem>>) src(%dma_wait3A_97 : memref<128x128xf32, #tpu.memory_space<vmem>>) dst(%dma_wait3A_103 : memref<10240x128xf32, #tpu.memory_space<vmem_shared>>)
          tpu.yield
        }) : () -> ()
        %add3A_80 = arith.constant 2 : i32
        %add3A_81 = arith.addi %add3A_60, %add3A_80 : i32
        %lt3A_82 = arith.cmpi slt, %add3A_81, %select_n3A : i32
        %convert_element_type3A_83 = arith.extui %lt3A_82 : i1 to i32
        %cond3A_84 = arith.constant 0 : i32
        %cond3A_85 = arith.cmpi ne, %convert_element_type3A_83, %cond3A_84 : i32
        scf.if %cond3A_85 {
          %add3A_86 = arith.constant 2 : i32
          %add3A_87 = arith.addi %add3A_60, %add3A_86 : i32
          %add3A_88 = arith.addi %select_n3A_10, %add3A_87 : i32
          %dma_start3A = arith.constant 0 : i32
          %dma_start3A_89 = arith.constant 0 : i32
          %dma_start3A_90 = tpu.memref_slice %arg3[%dma_start3A, %add3A_88, %dma_start3A_89] : memref<2x2560x128xi32, #tpu.memory_space<hbm>> -> memref<2x1x128xi32, #tpu.memory_space<hbm>>
          %dma_start3A_91 = tpu.memref_squeeze %dma_start3A_90 : memref<2x1x128xi32, #tpu.memory_space<hbm>> -> memref<2x128xi32, #tpu.memory_space<hbm>>
          %dma_start3A_92 = arith.constant 0 : i32
          %dma_start3A_93 = arith.constant 0 : i32
          %dma_start3A_94 = tpu.memref_slice %arg3[%dma_start3A_92, %add3A_88, %dma_start3A_93] : memref<2x2560x128xi32, #tpu.memory_space<hbm>> -> memref<2x1x128xi32, #tpu.memory_space<hbm>>
          %dma_start3A_95 = tpu.memref_squeeze %dma_start3A_94 : memref<2x1x128xi32, #tpu.memory_space<hbm>> -> memref<2x128xi32, #tpu.memory_space<hbm>>
          tpu.enqueue_dma source(%dma_start3A_95 : memref<2x128xi32, #tpu.memory_space<hbm>>) target(%arg7 : memref<2x128xi32, #tpu.memory_space<vmem>>) target_semaphore(%arg13 : memref<!tpu.dma_semaphore, #tpu.memory_space<semaphore_mem>>)
        } else {
        }
      } else {
      }
    }
    %scan3A_27 = arith.constant 40 : i32
    %barrier3A_28 = arith.constant 0 : index
    tpu.barrier barrier_id(%barrier3A_28)
    %add3A_29 = arith.constant 0 : i32
    %add3A_30 = arith.addi %mul3A_0, %add3A_29 : i32
    "tpu.region"() ({
      %run_scoped3A = tpu.sem_alloc : memref<!tpu.dma_semaphore, #tpu.memory_space<semaphore_mem>>
      %dma_start3A = arith.constant 0 : i32
      %dma_start3A_49 = arith.constant 0 : i32
      %dma_start3A_50 = tpu.memref_slice %arg8[%dma_start3A, %dma_start3A_49] : memref<256x128xf32, #tpu.memory_space<vmem>> -> memref<128x128xf32, #tpu.memory_space<vmem>>
      %dma_start3A_51 = arith.constant 0 : i32
      %dma_start3A_52 = tpu.memref_slice %arg9[%add3A_30, %dma_start3A_51] : memref<10240x128xf32, #tpu.memory_space<vmem_shared>> -> memref<128x128xf32, #tpu.memory_space<vmem_shared>>
      %dma_start3A_53 = arith.constant 0 : i32
      %dma_start3A_54 = arith.constant 0 : i32
      %dma_start3A_55 = tpu.memref_slice %arg8[%dma_start3A_53, %dma_start3A_54] : memref<256x128xf32, #tpu.memory_space<vmem>> -> memref<128x128xf32, #tpu.memory_space<vmem>>
      %dma_start3A_56 = arith.constant 0 : i32
      %dma_start3A_57 = tpu.memref_slice %arg9[%add3A_30, %dma_start3A_56] : memref<10240x128xf32, #tpu.memory_space<vmem_shared>> -> memref<128x128xf32, #tpu.memory_space<vmem_shared>>
      tpu.enqueue_dma source(%dma_start3A_57 : memref<128x128xf32, #tpu.memory_space<vmem_shared>>) target(%dma_start3A_55 : memref<128x128xf32, #tpu.memory_space<vmem>>) target_semaphore(%run_scoped3A : memref<!tpu.dma_semaphore, #tpu.memory_space<semaphore_mem>>)
      %dma_wait3A = arith.constant 0 : i32
      %dma_wait3A_58 = arith.constant 0 : i32
      %dma_wait3A_59 = tpu.memref_slice %arg8[%dma_wait3A, %dma_wait3A_58] : memref<256x128xf32, #tpu.memory_space<vmem>> -> memref<128x128xf32, #tpu.memory_space<vmem>>
      %dma_wait3A_60 = arith.constant 0 : i32
      %dma_wait3A_61 = tpu.memref_slice %arg9[%add3A_30, %dma_wait3A_60] : memref<10240x128xf32, #tpu.memory_space<vmem_shared>> -> memref<128x128xf32, #tpu.memory_space<vmem_shared>>
      %dma_wait3A_62 = arith.constant 0 : i32
      %dma_wait3A_63 = arith.constant 0 : i32
      %dma_wait3A_64 = tpu.memref_slice %arg8[%dma_wait3A_62, %dma_wait3A_63] : memref<256x128xf32, #tpu.memory_space<vmem>> -> memref<128x128xf32, #tpu.memory_space<vmem>>
      %dma_wait3A_65 = arith.constant 0 : i32
      %dma_wait3A_66 = tpu.memref_slice %arg9[%add3A_30, %dma_wait3A_65] : memref<10240x128xf32, #tpu.memory_space<vmem_shared>> -> memref<128x128xf32, #tpu.memory_space<vmem_shared>>
      tpu.wait_dma2 semaphore(%run_scoped3A : memref<!tpu.dma_semaphore, #tpu.memory_space<semaphore_mem>>) src(%dma_wait3A_66 : memref<128x128xf32, #tpu.memory_space<vmem_shared>>) dst(%dma_wait3A_64 : memref<128x128xf32, #tpu.memory_space<vmem>>)
      tpu.yield
    }) : () -> ()
    %add3A_31 = arith.constant 0 : i32
    %add3A_32 = arith.addi %mul3A_0, %add3A_31 : i32
    "tpu.region"() ({
      %run_scoped3A = tpu.sem_alloc : memref<!tpu.dma_semaphore, #tpu.memory_space<semaphore_mem>>
      %dma_start3A = arith.constant 0 : i32
      %dma_start3A_49 = arith.constant 0 : i32
      %dma_start3A_50 = tpu.memref_slice %arg8[%dma_start3A, %dma_start3A_49] : memref<256x128xf32, #tpu.memory_space<vmem>> -> memref<128x128xf32, #tpu.memory_space<vmem>>
      %dma_start3A_51 = arith.constant 0 : i32
      %dma_start3A_52 = tpu.memref_slice %arg5[%arg0, %add3A_32, %dma_start3A_51] : memref<2x10240x128xf32, #tpu.memory_space<hbm>> -> memref<1x128x128xf32, #tpu.memory_space<hbm>>
      %dma_start3A_53 = tpu.memref_squeeze %dma_start3A_52 : memref<1x128x128xf32, #tpu.memory_space<hbm>> -> memref<128x128xf32, #tpu.memory_space<hbm>>
      %dma_start3A_54 = arith.constant 0 : i32
      %dma_start3A_55 = tpu.memref_slice %arg5[%arg0, %add3A_32, %dma_start3A_54] : memref<2x10240x128xf32, #tpu.memory_space<hbm>> -> memref<1x128x128xf32, #tpu.memory_space<hbm>>
      %dma_start3A_56 = tpu.memref_squeeze %dma_start3A_55 : memref<1x128x128xf32, #tpu.memory_space<hbm>> -> memref<128x128xf32, #tpu.memory_space<hbm>>
      %dma_start3A_57 = arith.constant 0 : i32
      %dma_start3A_58 = arith.constant 0 : i32
      %dma_start3A_59 = tpu.memref_slice %arg8[%dma_start3A_57, %dma_start3A_58] : memref<256x128xf32, #tpu.memory_space<vmem>> -> memref<128x128xf32, #tpu.memory_space<vmem>>
      tpu.enqueue_dma source(%dma_start3A_59 : memref<128x128xf32, #tpu.memory_space<vmem>>) target(%dma_start3A_56 : memref<128x128xf32, #tpu.memory_space<hbm>>) target_semaphore(%run_scoped3A : memref<!tpu.dma_semaphore, #tpu.memory_space<semaphore_mem>>)
      %dma_wait3A = arith.constant 0 : i32
      %dma_wait3A_60 = arith.constant 0 : i32
      %dma_wait3A_61 = tpu.memref_slice %arg8[%dma_wait3A, %dma_wait3A_60] : memref<256x128xf32, #tpu.memory_space<vmem>> -> memref<128x128xf32, #tpu.memory_space<vmem>>
      %dma_wait3A_62 = arith.constant 0 : i32
      %dma_wait3A_63 = tpu.memref_slice %arg5[%arg0, %add3A_32, %dma_wait3A_62] : memref<2x10240x128xf32, #tpu.memory_space<hbm>> -> memref<1x128x128xf32, #tpu.memory_space<hbm>>
      %dma_wait3A_64 = tpu.memref_squeeze %dma_wait3A_63 : memref<1x128x128xf32, #tpu.memory_space<hbm>> -> memref<128x128xf32, #tpu.memory_space<hbm>>
      %dma_wait3A_65 = arith.constant 0 : i32
      %dma_wait3A_66 = tpu.memref_slice %arg5[%arg0, %add3A_32, %dma_wait3A_65] : memref<2x10240x128xf32, #tpu.memory_space<hbm>> -> memref<1x128x128xf32, #tpu.memory_space<hbm>>
      %dma_wait3A_67 = tpu.memref_squeeze %dma_wait3A_66 : memref<1x128x128xf32, #tpu.memory_space<hbm>> -> memref<128x128xf32, #tpu.memory_space<hbm>>
      %dma_wait3A_68 = arith.constant 0 : i32
      %dma_wait3A_69 = arith.constant 0 : i32
      %dma_wait3A_70 = tpu.memref_slice %arg8[%dma_wait3A_68, %dma_wait3A_69] : memref<256x128xf32, #tpu.memory_space<vmem>> -> memref<128x128xf32, #tpu.memory_space<vmem>>
      tpu.wait_dma2 semaphore(%run_scoped3A : memref<!tpu.dma_semaphore, #tpu.memory_space<semaphore_mem>>) src(%dma_wait3A_70 : memref<128x128xf32, #tpu.memory_space<vmem>>) dst(%dma_wait3A_67 : memref<128x128xf32, #tpu.memory_space<hbm>>)
      tpu.yield
    }) : () -> ()
    %add3A_33 = arith.constant 128 : i32
    %add3A_34 = arith.addi %mul3A_0, %add3A_33 : i32
    "tpu.region"() ({
      %run_scoped3A = tpu.sem_alloc : memref<!tpu.dma_semaphore, #tpu.memory_space<semaphore_mem>>
      %dma_start3A = arith.constant 0 : i32
      %dma_start3A_49 = arith.constant 0 : i32
      %dma_start3A_50 = tpu.memref_slice %arg8[%dma_start3A, %dma_start3A_49] : memref<256x128xf32, #tpu.memory_space<vmem>> -> memref<128x128xf32, #tpu.memory_space<vmem>>
      %dma_start3A_51 = arith.constant 0 : i32
      %dma_start3A_52 = tpu.memref_slice %arg9[%add3A_34, %dma_start3A_51] : memref<10240x128xf32, #tpu.memory_space<vmem_shared>> -> memref<128x128xf32, #tpu.memory_space<vmem_shared>>
      %dma_start3A_53 = arith.constant 0 : i32
      %dma_start3A_54 = arith.constant 0 : i32
      %dma_start3A_55 = tpu.memref_slice %arg8[%dma_start3A_53, %dma_start3A_54] : memref<256x128xf32, #tpu.memory_space<vmem>> -> memref<128x128xf32, #tpu.memory_space<vmem>>
      %dma_start3A_56 = arith.constant 0 : i32
      %dma_start3A_57 = tpu.memref_slice %arg9[%add3A_34, %dma_start3A_56] : memref<10240x128xf32, #tpu.memory_space<vmem_shared>> -> memref<128x128xf32, #tpu.memory_space<vmem_shared>>
      tpu.enqueue_dma source(%dma_start3A_57 : memref<128x128xf32, #tpu.memory_space<vmem_shared>>) target(%dma_start3A_55 : memref<128x128xf32, #tpu.memory_space<vmem>>) target_semaphore(%run_scoped3A : memref<!tpu.dma_semaphore, #tpu.memory_space<semaphore_mem>>)
      %dma_wait3A = arith.constant 0 : i32
      %dma_wait3A_58 = arith.constant 0 : i32
      %dma_wait3A_59 = tpu.memref_slice %arg8[%dma_wait3A, %dma_wait3A_58] : memref<256x128xf32, #tpu.memory_space<vmem>> -> memref<128x128xf32, #tpu.memory_space<vmem>>
      %dma_wait3A_60 = arith.constant 0 : i32
      %dma_wait3A_61 = tpu.memref_slice %arg9[%add3A_34, %dma_wait3A_60] : memref<10240x128xf32, #tpu.memory_space<vmem_shared>> -> memref<128x128xf32, #tpu.memory_space<vmem_shared>>
      %dma_wait3A_62 = arith.constant 0 : i32
      %dma_wait3A_63 = arith.constant 0 : i32
      %dma_wait3A_64 = tpu.memref_slice %arg8[%dma_wait3A_62, %dma_wait3A_63] : memref<256x128xf32, #tpu.memory_space<vmem>> -> memref<128x128xf32, #tpu.memory_space<vmem>>
      %dma_wait3A_65 = arith.constant 0 : i32
      %dma_wait3A_66 = tpu.memref_slice %arg9[%add3A_34, %dma_wait3A_65] : memref<10240x128xf32, #tpu.memory_space<vmem_shared>> -> memref<128x128xf32, #tpu.memory_space<vmem_shared>>
      tpu.wait_dma2 semaphore(%run_scoped3A : memref<!tpu.dma_semaphore, #tpu.memory_space<semaphore_mem>>) src(%dma_wait3A_66 : memref<128x128xf32, #tpu.memory_space<vmem_shared>>) dst(%dma_wait3A_64 : memref<128x128xf32, #tpu.memory_space<vmem>>)
      tpu.yield
    }) : () -> ()
    %add3A_35 = arith.constant 128 : i32
    %add3A_36 = arith.addi %mul3A_0, %add3A_35 : i32
    "tpu.region"() ({
      %run_scoped3A = tpu.sem_alloc : memref<!tpu.dma_semaphore, #tpu.memory_space<semaphore_mem>>
      %dma_start3A = arith.constant 0 : i32
      %dma_start3A_49 = arith.constant 0 : i32
      %dma_start3A_50 = tpu.memref_slice %arg8[%dma_start3A, %dma_start3A_49] : memref<256x128xf32, #tpu.memory_space<vmem>> -> memref<128x128xf32, #tpu.memory_space<vmem>>
      %dma_start3A_51 = arith.constant 0 : i32
      %dma_start3A_52 = tpu.memref_slice %arg5[%arg0, %add3A_36, %dma_start3A_51] : memref<2x10240x128xf32, #tpu.memory_space<hbm>> -> memref<1x128x128xf32, #tpu.memory_space<hbm>>
      %dma_start3A_53 = tpu.memref_squeeze %dma_start3A_52 : memref<1x128x128xf32, #tpu.memory_space<hbm>> -> memref<128x128xf32, #tpu.memory_space<hbm>>
      %dma_start3A_54 = arith.constant 0 : i32
      %dma_start3A_55 = tpu.memref_slice %arg5[%arg0, %add3A_36, %dma_start3A_54] : memref<2x10240x128xf32, #tpu.memory_space<hbm>> -> memref<1x128x128xf32, #tpu.memory_space<hbm>>
      %dma_start3A_56 = tpu.memref_squeeze %dma_start3A_55 : memref<1x128x128xf32, #tpu.memory_space<hbm>> -> memref<128x128xf32, #tpu.memory_space<hbm>>
      %dma_start3A_57 = arith.constant 0 : i32
      %dma_start3A_58 = arith.constant 0 : i32
      %dma_start3A_59 = tpu.memref_slice %arg8[%dma_start3A_57, %dma_start3A_58] : memref<256x128xf32, #tpu.memory_space<vmem>> -> memref<128x128xf32, #tpu.memory_space<vmem>>
      tpu.enqueue_dma source(%dma_start3A_59 : memref<128x128xf32, #tpu.memory_space<vmem>>) target(%dma_start3A_56 : memref<128x128xf32, #tpu.memory_space<hbm>>) target_semaphore(%run_scoped3A : memref<!tpu.dma_semaphore, #tpu.memory_space<semaphore_mem>>)
      %dma_wait3A = arith.constant 0 : i32
      %dma_wait3A_60 = arith.constant 0 : i32
      %dma_wait3A_61 = tpu.memref_slice %arg8[%dma_wait3A, %dma_wait3A_60] : memref<256x128xf32, #tpu.memory_space<vmem>> -> memref<128x128xf32, #tpu.memory_space<vmem>>
      %dma_wait3A_62 = arith.constant 0 : i32
      %dma_wait3A_63 = tpu.memref_slice %arg5[%arg0, %add3A_36, %dma_wait3A_62] : memref<2x10240x128xf32, #tpu.memory_space<hbm>> -> memref<1x128x128xf32, #tpu.memory_space<hbm>>
      %dma_wait3A_64 = tpu.memref_squeeze %dma_wait3A_63 : memref<1x128x128xf32, #tpu.memory_space<hbm>> -> memref<128x128xf32, #tpu.memory_space<hbm>>
      %dma_wait3A_65 = arith.constant 0 : i32
      %dma_wait3A_66 = tpu.memref_slice %arg5[%arg0, %add3A_36, %dma_wait3A_65] : memref<2x10240x128xf32, #tpu.memory_space<hbm>> -> memref<1x128x128xf32, #tpu.memory_space<hbm>>
      %dma_wait3A_67 = tpu.memref_squeeze %dma_wait3A_66 : memref<1x128x128xf32, #tpu.memory_space<hbm>> -> memref<128x128xf32, #tpu.memory_space<hbm>>
      %dma_wait3A_68 = arith.constant 0 : i32
      %dma_wait3A_69 = arith.constant 0 : i32
      %dma_wait3A_70 = tpu.memref_slice %arg8[%dma_wait3A_68, %dma_wait3A_69] : memref<256x128xf32, #tpu.memory_space<vmem>> -> memref<128x128xf32, #tpu.memory_space<vmem>>
      tpu.wait_dma2 semaphore(%run_scoped3A : memref<!tpu.dma_semaphore, #tpu.memory_space<semaphore_mem>>) src(%dma_wait3A_70 : memref<128x128xf32, #tpu.memory_space<vmem>>) dst(%dma_wait3A_67 : memref<128x128xf32, #tpu.memory_space<hbm>>)
      tpu.yield
    }) : () -> ()
    %add3A_37 = arith.constant 256 : i32
    %add3A_38 = arith.addi %mul3A_0, %add3A_37 : i32
    "tpu.region"() ({
      %run_scoped3A = tpu.sem_alloc : memref<!tpu.dma_semaphore, #tpu.memory_space<semaphore_mem>>
      %dma_start3A = arith.constant 0 : i32
      %dma_start3A_49 = arith.constant 0 : i32
      %dma_start3A_50 = tpu.memref_slice %arg8[%dma_start3A, %dma_start3A_49] : memref<256x128xf32, #tpu.memory_space<vmem>> -> memref<128x128xf32, #tpu.memory_space<vmem>>
      %dma_start3A_51 = arith.constant 0 : i32
      %dma_start3A_52 = tpu.memref_slice %arg9[%add3A_38, %dma_start3A_51] : memref<10240x128xf32, #tpu.memory_space<vmem_shared>> -> memref<128x128xf32, #tpu.memory_space<vmem_shared>>
      %dma_start3A_53 = arith.constant 0 : i32
      %dma_start3A_54 = arith.constant 0 : i32
      %dma_start3A_55 = tpu.memref_slice %arg8[%dma_start3A_53, %dma_start3A_54] : memref<256x128xf32, #tpu.memory_space<vmem>> -> memref<128x128xf32, #tpu.memory_space<vmem>>
      %dma_start3A_56 = arith.constant 0 : i32
      %dma_start3A_57 = tpu.memref_slice %arg9[%add3A_38, %dma_start3A_56] : memref<10240x128xf32, #tpu.memory_space<vmem_shared>> -> memref<128x128xf32, #tpu.memory_space<vmem_shared>>
      tpu.enqueue_dma source(%dma_start3A_57 : memref<128x128xf32, #tpu.memory_space<vmem_shared>>) target(%dma_start3A_55 : memref<128x128xf32, #tpu.memory_space<vmem>>) target_semaphore(%run_scoped3A : memref<!tpu.dma_semaphore, #tpu.memory_space<semaphore_mem>>)
      %dma_wait3A = arith.constant 0 : i32
      %dma_wait3A_58 = arith.constant 0 : i32
      %dma_wait3A_59 = tpu.memref_slice %arg8[%dma_wait3A, %dma_wait3A_58] : memref<256x128xf32, #tpu.memory_space<vmem>> -> memref<128x128xf32, #tpu.memory_space<vmem>>
      %dma_wait3A_60 = arith.constant 0 : i32
      %dma_wait3A_61 = tpu.memref_slice %arg9[%add3A_38, %dma_wait3A_60] : memref<10240x128xf32, #tpu.memory_space<vmem_shared>> -> memref<128x128xf32, #tpu.memory_space<vmem_shared>>
      %dma_wait3A_62 = arith.constant 0 : i32
      %dma_wait3A_63 = arith.constant 0 : i32
      %dma_wait3A_64 = tpu.memref_slice %arg8[%dma_wait3A_62, %dma_wait3A_63] : memref<256x128xf32, #tpu.memory_space<vmem>> -> memref<128x128xf32, #tpu.memory_space<vmem>>
      %dma_wait3A_65 = arith.constant 0 : i32
      %dma_wait3A_66 = tpu.memref_slice %arg9[%add3A_38, %dma_wait3A_65] : memref<10240x128xf32, #tpu.memory_space<vmem_shared>> -> memref<128x128xf32, #tpu.memory_space<vmem_shared>>
      tpu.wait_dma2 semaphore(%run_scoped3A : memref<!tpu.dma_semaphore, #tpu.memory_space<semaphore_mem>>) src(%dma_wait3A_66 : memref<128x128xf32, #tpu.memory_space<vmem_shared>>) dst(%dma_wait3A_64 : memref<128x128xf32, #tpu.memory_space<vmem>>)
      tpu.yield
    }) : () -> ()
    %add3A_39 = arith.constant 256 : i32
    %add3A_40 = arith.addi %mul3A_0, %add3A_39 : i32
    "tpu.region"() ({
      %run_scoped3A = tpu.sem_alloc : memref<!tpu.dma_semaphore, #tpu.memory_space<semaphore_mem>>
      %dma_start3A = arith.constant 0 : i32
      %dma_start3A_49 = arith.constant 0 : i32
      %dma_start3A_50 = tpu.memref_slice %arg8[%dma_start3A, %dma_start3A_49] : memref<256x128xf32, #tpu.memory_space<vmem>> -> memref<128x128xf32, #tpu.memory_space<vmem>>
      %dma_start3A_51 = arith.constant 0 : i32
      %dma_start3A_52 = tpu.memref_slice %arg5[%arg0, %add3A_40, %dma_start3A_51] : memref<2x10240x128xf32, #tpu.memory_space<hbm>> -> memref<1x128x128xf32, #tpu.memory_space<hbm>>
      %dma_start3A_53 = tpu.memref_squeeze %dma_start3A_52 : memref<1x128x128xf32, #tpu.memory_space<hbm>> -> memref<128x128xf32, #tpu.memory_space<hbm>>
      %dma_start3A_54 = arith.constant 0 : i32
      %dma_start3A_55 = tpu.memref_slice %arg5[%arg0, %add3A_40, %dma_start3A_54] : memref<2x10240x128xf32, #tpu.memory_space<hbm>> -> memref<1x128x128xf32, #tpu.memory_space<hbm>>
      %dma_start3A_56 = tpu.memref_squeeze %dma_start3A_55 : memref<1x128x128xf32, #tpu.memory_space<hbm>> -> memref<128x128xf32, #tpu.memory_space<hbm>>
      %dma_start3A_57 = arith.constant 0 : i32
      %dma_start3A_58 = arith.constant 0 : i32
      %dma_start3A_59 = tpu.memref_slice %arg8[%dma_start3A_57, %dma_start3A_58] : memref<256x128xf32, #tpu.memory_space<vmem>> -> memref<128x128xf32, #tpu.memory_space<vmem>>
      tpu.enqueue_dma source(%dma_start3A_59 : memref<128x128xf32, #tpu.memory_space<vmem>>) target(%dma_start3A_56 : memref<128x128xf32, #tpu.memory_space<hbm>>) target_semaphore(%run_scoped3A : memref<!tpu.dma_semaphore, #tpu.memory_space<semaphore_mem>>)
      %dma_wait3A = arith.constant 0 : i32
      %dma_wait3A_60 = arith.constant 0 : i32
      %dma_wait3A_61 = tpu.memref_slice %arg8[%dma_wait3A, %dma_wait3A_60] : memref<256x128xf32, #tpu.memory_space<vmem>> -> memref<128x128xf32, #tpu.memory_space<vmem>>
      %dma_wait3A_62 = arith.constant 0 : i32
      %dma_wait3A_63 = tpu.memref_slice %arg5[%arg0, %add3A_40, %dma_wait3A_62] : memref<2x10240x128xf32, #tpu.memory_space<hbm>> -> memref<1x128x128xf32, #tpu.memory_space<hbm>>
      %dma_wait3A_64 = tpu.memref_squeeze %dma_wait3A_63 : memref<1x128x128xf32, #tpu.memory_space<hbm>> -> memref<128x128xf32, #tpu.memory_space<hbm>>
      %dma_wait3A_65 = arith.constant 0 : i32
      %dma_wait3A_66 = tpu.memref_slice %arg5[%arg0, %add3A_40, %dma_wait3A_65] : memref<2x10240x128xf32, #tpu.memory_space<hbm>> -> memref<1x128x128xf32, #tpu.memory_space<hbm>>
      %dma_wait3A_67 = tpu.memref_squeeze %dma_wait3A_66 : memref<1x128x128xf32, #tpu.memory_space<hbm>> -> memref<128x128xf32, #tpu.memory_space<hbm>>
      %dma_wait3A_68 = arith.constant 0 : i32
      %dma_wait3A_69 = arith.constant 0 : i32
      %dma_wait3A_70 = tpu.memref_slice %arg8[%dma_wait3A_68, %dma_wait3A_69] : memref<256x128xf32, #tpu.memory_space<vmem>> -> memref<128x128xf32, #tpu.memory_space<vmem>>
      tpu.wait_dma2 semaphore(%run_scoped3A : memref<!tpu.dma_semaphore, #tpu.memory_space<semaphore_mem>>) src(%dma_wait3A_70 : memref<128x128xf32, #tpu.memory_space<vmem>>) dst(%dma_wait3A_67 : memref<128x128xf32, #tpu.memory_space<hbm>>)
      tpu.yield
    }) : () -> ()
    %add3A_41 = arith.constant 384 : i32
    %add3A_42 = arith.addi %mul3A_0, %add3A_41 : i32
    "tpu.region"() ({
      %run_scoped3A = tpu.sem_alloc : memref<!tpu.dma_semaphore, #tpu.memory_space<semaphore_mem>>
      %dma_start3A = arith.constant 0 : i32
      %dma_start3A_49 = arith.constant 0 : i32
      %dma_start3A_50 = tpu.memref_slice %arg8[%dma_start3A, %dma_start3A_49] : memref<256x128xf32, #tpu.memory_space<vmem>> -> memref<128x128xf32, #tpu.memory_space<vmem>>
      %dma_start3A_51 = arith.constant 0 : i32
      %dma_start3A_52 = tpu.memref_slice %arg9[%add3A_42, %dma_start3A_51] : memref<10240x128xf32, #tpu.memory_space<vmem_shared>> -> memref<128x128xf32, #tpu.memory_space<vmem_shared>>
      %dma_start3A_53 = arith.constant 0 : i32
      %dma_start3A_54 = arith.constant 0 : i32
      %dma_start3A_55 = tpu.memref_slice %arg8[%dma_start3A_53, %dma_start3A_54] : memref<256x128xf32, #tpu.memory_space<vmem>> -> memref<128x128xf32, #tpu.memory_space<vmem>>
      %dma_start3A_56 = arith.constant 0 : i32
      %dma_start3A_57 = tpu.memref_slice %arg9[%add3A_42, %dma_start3A_56] : memref<10240x128xf32, #tpu.memory_space<vmem_shared>> -> memref<128x128xf32, #tpu.memory_space<vmem_shared>>
      tpu.enqueue_dma source(%dma_start3A_57 : memref<128x128xf32, #tpu.memory_space<vmem_shared>>) target(%dma_start3A_55 : memref<128x128xf32, #tpu.memory_space<vmem>>) target_semaphore(%run_scoped3A : memref<!tpu.dma_semaphore, #tpu.memory_space<semaphore_mem>>)
      %dma_wait3A = arith.constant 0 : i32
      %dma_wait3A_58 = arith.constant 0 : i32
      %dma_wait3A_59 = tpu.memref_slice %arg8[%dma_wait3A, %dma_wait3A_58] : memref<256x128xf32, #tpu.memory_space<vmem>> -> memref<128x128xf32, #tpu.memory_space<vmem>>
      %dma_wait3A_60 = arith.constant 0 : i32
      %dma_wait3A_61 = tpu.memref_slice %arg9[%add3A_42, %dma_wait3A_60] : memref<10240x128xf32, #tpu.memory_space<vmem_shared>> -> memref<128x128xf32, #tpu.memory_space<vmem_shared>>
      %dma_wait3A_62 = arith.constant 0 : i32
      %dma_wait3A_63 = arith.constant 0 : i32
      %dma_wait3A_64 = tpu.memref_slice %arg8[%dma_wait3A_62, %dma_wait3A_63] : memref<256x128xf32, #tpu.memory_space<vmem>> -> memref<128x128xf32, #tpu.memory_space<vmem>>
      %dma_wait3A_65 = arith.constant 0 : i32
      %dma_wait3A_66 = tpu.memref_slice %arg9[%add3A_42, %dma_wait3A_65] : memref<10240x128xf32, #tpu.memory_space<vmem_shared>> -> memref<128x128xf32, #tpu.memory_space<vmem_shared>>
      tpu.wait_dma2 semaphore(%run_scoped3A : memref<!tpu.dma_semaphore, #tpu.memory_space<semaphore_mem>>) src(%dma_wait3A_66 : memref<128x128xf32, #tpu.memory_space<vmem_shared>>) dst(%dma_wait3A_64 : memref<128x128xf32, #tpu.memory_space<vmem>>)
      tpu.yield
    }) : () -> ()
    %add3A_43 = arith.constant 384 : i32
    %add3A_44 = arith.addi %mul3A_0, %add3A_43 : i32
    "tpu.region"() ({
      %run_scoped3A = tpu.sem_alloc : memref<!tpu.dma_semaphore, #tpu.memory_space<semaphore_mem>>
      %dma_start3A = arith.constant 0 : i32
      %dma_start3A_49 = arith.constant 0 : i32
      %dma_start3A_50 = tpu.memref_slice %arg8[%dma_start3A, %dma_start3A_49] : memref<256x128xf32, #tpu.memory_space<vmem>> -> memref<128x128xf32, #tpu.memory_space<vmem>>
      %dma_start3A_51 = arith.constant 0 : i32
      %dma_start3A_52 = tpu.memref_slice %arg5[%arg0, %add3A_44, %dma_start3A_51] : memref<2x10240x128xf32, #tpu.memory_space<hbm>> -> memref<1x128x128xf32, #tpu.memory_space<hbm>>
      %dma_start3A_53 = tpu.memref_squeeze %dma_start3A_52 : memref<1x128x128xf32, #tpu.memory_space<hbm>> -> memref<128x128xf32, #tpu.memory_space<hbm>>
      %dma_start3A_54 = arith.constant 0 : i32
      %dma_start3A_55 = tpu.memref_slice %arg5[%arg0, %add3A_44, %dma_start3A_54] : memref<2x10240x128xf32, #tpu.memory_space<hbm>> -> memref<1x128x128xf32, #tpu.memory_space<hbm>>
      %dma_start3A_56 = tpu.memref_squeeze %dma_start3A_55 : memref<1x128x128xf32, #tpu.memory_space<hbm>> -> memref<128x128xf32, #tpu.memory_space<hbm>>
      %dma_start3A_57 = arith.constant 0 : i32
      %dma_start3A_58 = arith.constant 0 : i32
      %dma_start3A_59 = tpu.memref_slice %arg8[%dma_start3A_57, %dma_start3A_58] : memref<256x128xf32, #tpu.memory_space<vmem>> -> memref<128x128xf32, #tpu.memory_space<vmem>>
      tpu.enqueue_dma source(%dma_start3A_59 : memref<128x128xf32, #tpu.memory_space<vmem>>) target(%dma_start3A_56 : memref<128x128xf32, #tpu.memory_space<hbm>>) target_semaphore(%run_scoped3A : memref<!tpu.dma_semaphore, #tpu.memory_space<semaphore_mem>>)
      %dma_wait3A = arith.constant 0 : i32
      %dma_wait3A_60 = arith.constant 0 : i32
      %dma_wait3A_61 = tpu.memref_slice %arg8[%dma_wait3A, %dma_wait3A_60] : memref<256x128xf32, #tpu.memory_space<vmem>> -> memref<128x128xf32, #tpu.memory_space<vmem>>
      %dma_wait3A_62 = arith.constant 0 : i32
      %dma_wait3A_63 = tpu.memref_slice %arg5[%arg0, %add3A_44, %dma_wait3A_62] : memref<2x10240x128xf32, #tpu.memory_space<hbm>> -> memref<1x128x128xf32, #tpu.memory_space<hbm>>
      %dma_wait3A_64 = tpu.memref_squeeze %dma_wait3A_63 : memref<1x128x128xf32, #tpu.memory_space<hbm>> -> memref<128x128xf32, #tpu.memory_space<hbm>>
      %dma_wait3A_65 = arith.constant 0 : i32
      %dma_wait3A_66 = tpu.memref_slice %arg5[%arg0, %add3A_44, %dma_wait3A_65] : memref<2x10240x128xf32, #tpu.memory_space<hbm>> -> memref<1x128x128xf32, #tpu.memory_space<hbm>>
      %dma_wait3A_67 = tpu.memref_squeeze %dma_wait3A_66 : memref<1x128x128xf32, #tpu.memory_space<hbm>> -> memref<128x128xf32, #tpu.memory_space<hbm>>
      %dma_wait3A_68 = arith.constant 0 : i32
      %dma_wait3A_69 = arith.constant 0 : i32
      %dma_wait3A_70 = tpu.memref_slice %arg8[%dma_wait3A_68, %dma_wait3A_69] : memref<256x128xf32, #tpu.memory_space<vmem>> -> memref<128x128xf32, #tpu.memory_space<vmem>>
      tpu.wait_dma2 semaphore(%run_scoped3A : memref<!tpu.dma_semaphore, #tpu.memory_space<semaphore_mem>>) src(%dma_wait3A_70 : memref<128x128xf32, #tpu.memory_space<vmem>>) dst(%dma_wait3A_67 : memref<128x128xf32, #tpu.memory_space<hbm>>)
      tpu.yield
    }) : () -> ()
    %add3A_45 = arith.constant 512 : i32
    %add3A_46 = arith.addi %mul3A_0, %add3A_45 : i32
    "tpu.region"() ({
      %run_scoped3A = tpu.sem_alloc : memref<!tpu.dma_semaphore, #tpu.memory_space<semaphore_mem>>
      %dma_start3A = arith.constant 0 : i32
      %dma_start3A_49 = arith.constant 0 : i32
      %dma_start3A_50 = tpu.memref_slice %arg8[%dma_start3A, %dma_start3A_49] : memref<256x128xf32, #tpu.memory_space<vmem>> -> memref<128x128xf32, #tpu.memory_space<vmem>>
      %dma_start3A_51 = arith.constant 0 : i32
      %dma_start3A_52 = tpu.memref_slice %arg9[%add3A_46, %dma_start3A_51] : memref<10240x128xf32, #tpu.memory_space<vmem_shared>> -> memref<128x128xf32, #tpu.memory_space<vmem_shared>>
      %dma_start3A_53 = arith.constant 0 : i32
      %dma_start3A_54 = arith.constant 0 : i32
      %dma_start3A_55 = tpu.memref_slice %arg8[%dma_start3A_53, %dma_start3A_54] : memref<256x128xf32, #tpu.memory_space<vmem>> -> memref<128x128xf32, #tpu.memory_space<vmem>>
      %dma_start3A_56 = arith.constant 0 : i32
      %dma_start3A_57 = tpu.memref_slice %arg9[%add3A_46, %dma_start3A_56] : memref<10240x128xf32, #tpu.memory_space<vmem_shared>> -> memref<128x128xf32, #tpu.memory_space<vmem_shared>>
      tpu.enqueue_dma source(%dma_start3A_57 : memref<128x128xf32, #tpu.memory_space<vmem_shared>>) target(%dma_start3A_55 : memref<128x128xf32, #tpu.memory_space<vmem>>) target_semaphore(%run_scoped3A : memref<!tpu.dma_semaphore, #tpu.memory_space<semaphore_mem>>)
      %dma_wait3A = arith.constant 0 : i32
      %dma_wait3A_58 = arith.constant 0 : i32
      %dma_wait3A_59 = tpu.memref_slice %arg8[%dma_wait3A, %dma_wait3A_58] : memref<256x128xf32, #tpu.memory_space<vmem>> -> memref<128x128xf32, #tpu.memory_space<vmem>>
      %dma_wait3A_60 = arith.constant 0 : i32
      %dma_wait3A_61 = tpu.memref_slice %arg9[%add3A_46, %dma_wait3A_60] : memref<10240x128xf32, #tpu.memory_space<vmem_shared>> -> memref<128x128xf32, #tpu.memory_space<vmem_shared>>
      %dma_wait3A_62 = arith.constant 0 : i32
      %dma_wait3A_63 = arith.constant 0 : i32
      %dma_wait3A_64 = tpu.memref_slice %arg8[%dma_wait3A_62, %dma_wait3A_63] : memref<256x128xf32, #tpu.memory_space<vmem>> -> memref<128x128xf32, #tpu.memory_space<vmem>>
      %dma_wait3A_65 = arith.constant 0 : i32
      %dma_wait3A_66 = tpu.memref_slice %arg9[%add3A_46, %dma_wait3A_65] : memref<10240x128xf32, #tpu.memory_space<vmem_shared>> -> memref<128x128xf32, #tpu.memory_space<vmem_shared>>
      tpu.wait_dma2 semaphore(%run_scoped3A : memref<!tpu.dma_semaphore, #tpu.memory_space<semaphore_mem>>) src(%dma_wait3A_66 : memref<128x128xf32, #tpu.memory_space<vmem_shared>>) dst(%dma_wait3A_64 : memref<128x128xf32, #tpu.memory_space<vmem>>)
      tpu.yield
    }) : () -> ()
    %add3A_47 = arith.constant 512 : i32
    %add3A_48 = arith.addi %mul3A_0, %add3A_47 : i32
    "tpu.region"() ({
      %run_scoped3A = tpu.sem_alloc : memref<!tpu.dma_semaphore, #tpu.memory_space<semaphore_mem>>
      %dma_start3A = arith.constant 0 : i32
      %dma_start3A_49 = arith.constant 0 : i32
      %dma_start3A_50 = tpu.memref_slice %arg8[%dma_start3A, %dma_start3A_49] : memref<256x128xf32, #tpu.memory_space<vmem>> -> memref<128x128xf32, #tpu.memory_space<vmem>>
      %dma_start3A_51 = arith.constant 0 : i32
      %dma_start3A_52 = tpu.memref_slice %arg5[%arg0, %add3A_48, %dma_start3A_51] : memref<2x10240x128xf32, #tpu.memory_space<hbm>> -> memref<1x128x128xf32, #tpu.memory_space<hbm>>
      %dma_start3A_53 = tpu.memref_squeeze %dma_start3A_52 : memref<1x128x128xf32, #tpu.memory_space<hbm>> -> memref<128x128xf32, #tpu.memory_space<hbm>>
      %dma_start3A_54 = arith.constant 0 : i32
      %dma_start3A_55 = tpu.memref_slice %arg5[%arg0, %add3A_48, %dma_start3A_54] : memref<2x10240x128xf32, #tpu.memory_space<hbm>> -> memref<1x128x128xf32, #tpu.memory_space<hbm>>
      %dma_start3A_56 = tpu.memref_squeeze %dma_start3A_55 : memref<1x128x128xf32, #tpu.memory_space<hbm>> -> memref<128x128xf32, #tpu.memory_space<hbm>>
      %dma_start3A_57 = arith.constant 0 : i32
      %dma_start3A_58 = arith.constant 0 : i32
      %dma_start3A_59 = tpu.memref_slice %arg8[%dma_start3A_57, %dma_start3A_58] : memref<256x128xf32, #tpu.memory_space<vmem>> -> memref<128x128xf32, #tpu.memory_space<vmem>>
      tpu.enqueue_dma source(%dma_start3A_59 : memref<128x128xf32, #tpu.memory_space<vmem>>) target(%dma_start3A_56 : memref<128x128xf32, #tpu.memory_space<hbm>>) target_semaphore(%run_scoped3A : memref<!tpu.dma_semaphore, #tpu.memory_space<semaphore_mem>>)
      %dma_wait3A = arith.constant 0 : i32
      %dma_wait3A_60 = arith.constant 0 : i32
      %dma_wait3A_61 = tpu.memref_slice %arg8[%dma_wait3A, %dma_wait3A_60] : memref<256x128xf32, #tpu.memory_space<vmem>> -> memref<128x128xf32, #tpu.memory_space<vmem>>
      %dma_wait3A_62 = arith.constant 0 : i32
      %dma_wait3A_63 = tpu.memref_slice %arg5[%arg0, %add3A_48, %dma_wait3A_62] : memref<2x10240x128xf32, #tpu.memory_space<hbm>> -> memref<1x128x128xf32, #tpu.memory_space<hbm>>
      %dma_wait3A_64 = tpu.memref_squeeze %dma_wait3A_63 : memref<1x128x128xf32, #tpu.memory_space<hbm>> -> memref<128x128xf32, #tpu.memory_space<hbm>>
      %dma_wait3A_65 = arith.constant 0 : i32
      %dma_wait3A_66 = tpu.memref_slice %arg5[%arg0, %add3A_48, %dma_wait3A_65] : memref<2x10240x128xf32, #tpu.memory_space<hbm>> -> memref<1x128x128xf32, #tpu.memory_space<hbm>>
      %dma_wait3A_67 = tpu.memref_squeeze %dma_wait3A_66 : memref<1x128x128xf32, #tpu.memory_space<hbm>> -> memref<128x128xf32, #tpu.memory_space<hbm>>
      %dma_wait3A_68 = arith.constant 0 : i32
      %dma_wait3A_69 = arith.constant 0 : i32
      %dma_wait3A_70 = tpu.memref_slice %arg8[%dma_wait3A_68, %dma_wait3A_69] : memref<256x128xf32, #tpu.memory_space<vmem>> -> memref<128x128xf32, #tpu.memory_space<vmem>>
      tpu.wait_dma2 semaphore(%run_scoped3A : memref<!tpu.dma_semaphore, #tpu.memory_space<semaphore_mem>>) src(%dma_wait3A_70 : memref<128x128xf32, #tpu.memory_space<vmem>>) dst(%dma_wait3A_67 : memref<128x128xf32, #tpu.memory_space<hbm>>)
      tpu.yield
    }) : () -> ()
    return
  }
}

#map = affine_map<(d0, d1) -> (0, 0)>
#map1 = affine_map<(d0, d1) -> (0, 0, 0)>
module attributes {stable_mosaic.version = 14 : i64} {
  func.func @_edge_pass(%arg0: i32, %arg1: i32, %arg2: memref<10240x128xf32, #tpu.memory_space<hbm>>, %arg3: memref<2x2560x128xi32, #tpu.memory_space<hbm>>, %arg4: memref<128x128xf32, #tpu.memory_space<hbm>>, %arg5: memref<2x10240x128xf32, #tpu.memory_space<hbm>>, %arg6: memref<2x128xi32, #tpu.memory_space<vmem>>, %arg7: memref<2x128xi32, #tpu.memory_space<vmem>>, %arg8: memref<256x128xf32, #tpu.memory_space<vmem>>, %arg9: memref<10240x128xf32, #tpu.memory_space<vmem_shared>>, %arg10: memref<!tpu.dma_semaphore, #tpu.memory_space<semaphore_mem>>, %arg11: memref<!tpu.dma_semaphore, #tpu.memory_space<semaphore_mem>>, %arg12: memref<!tpu.dma_semaphore, #tpu.memory_space<semaphore_mem>>, %arg13: memref<!tpu.dma_semaphore, #tpu.memory_space<semaphore_mem>>) attributes {dimension_semantics = [#tpu.dimension_semantics<core_parallel>, #tpu.dimension_semantics<subcore_parallel>], iteration_bounds = array<i64: 2, 16>, scalar_prefetch = 0 : i64, scratch_operands = 8 : i64, tpu.core_type = #tpu.core_type<sc_vector_subcore>, window_params = [{transform_indices = #map}, {transform_indices = #map1}, {transform_indices = #map}, {transform_indices = #map1}]} {
    %mul3A = arith.constant 640 : i32
    %mul3A_0 = arith.muli %arg1, %mul3A : i32
    %eq3A = arith.constant 0 : i32
    %eq3A_1 = arith.cmpi eq, %arg0, %eq3A : i32
    %jit3A = arith.constant 80 : i32
    %jit3A_2 = arith.constant 80 : i32
    %select_n3A = arith.select %eq3A_1, %jit3A, %jit3A_2 : i32
    %eq3A_3 = arith.constant 0 : i32
    %eq3A_4 = arith.cmpi eq, %arg0, %eq3A_3 : i32
    %mul3A_5 = arith.constant 80 : i32
    %mul3A_6 = arith.muli %arg1, %mul3A_5 : i32
    %mul3A_7 = arith.constant 80 : i32
    %mul3A_8 = arith.muli %arg1, %mul3A_7 : i32
    %add3A = arith.constant 1280 : i32
    %add3A_9 = arith.addi %add3A, %mul3A_8 : i32
    %select_n3A_10 = arith.select %eq3A_4, %mul3A_6, %add3A_9 : i32
    "tpu.region"() ({
      %run_scoped3A = tpu.sem_alloc : memref<!tpu.dma_semaphore, #tpu.memory_space<semaphore_mem>>
      %dma_start3A = arith.constant 0 : i32
      %dma_start3A_49 = arith.constant 0 : i32
      %dma_start3A_50 = tpu.memref_slice %arg8[%dma_start3A, %dma_start3A_49] : memref<256x128xf32, #tpu.memory_space<vmem>> -> memref<128x128xf32, #tpu.memory_space<vmem>>
      %dma_start3A_51 = arith.constant 0 : i32
      %dma_start3A_52 = arith.constant 0 : i32
      %dma_start3A_53 = tpu.memref_slice %arg8[%dma_start3A_51, %dma_start3A_52] : memref<256x128xf32, #tpu.memory_space<vmem>> -> memref<128x128xf32, #tpu.memory_space<vmem>>
      tpu.enqueue_dma source(%arg4 : memref<128x128xf32, #tpu.memory_space<hbm>>) target(%dma_start3A_53 : memref<128x128xf32, #tpu.memory_space<vmem>>) target_semaphore(%run_scoped3A : memref<!tpu.dma_semaphore, #tpu.memory_space<semaphore_mem>>)
      %dma_wait3A = arith.constant 0 : i32
      %dma_wait3A_54 = arith.constant 0 : i32
      %dma_wait3A_55 = tpu.memref_slice %arg8[%dma_wait3A, %dma_wait3A_54] : memref<256x128xf32, #tpu.memory_space<vmem>> -> memref<128x128xf32, #tpu.memory_space<vmem>>
      %dma_wait3A_56 = arith.constant 0 : i32
      %dma_wait3A_57 = arith.constant 0 : i32
      %dma_wait3A_58 = tpu.memref_slice %arg8[%dma_wait3A_56, %dma_wait3A_57] : memref<256x128xf32, #tpu.memory_space<vmem>> -> memref<128x128xf32, #tpu.memory_space<vmem>>
      tpu.wait_dma2 semaphore(%run_scoped3A : memref<!tpu.dma_semaphore, #tpu.memory_space<semaphore_mem>>) src(%arg4 : memref<128x128xf32, #tpu.memory_space<hbm>>) dst(%dma_wait3A_58 : memref<128x128xf32, #tpu.memory_space<vmem>>)
      tpu.yield
    }) : () -> ()
    %add3A_11 = arith.constant 0 : i32
    %add3A_12 = arith.addi %mul3A_0, %add3A_11 : i32
    "tpu.region"() ({
      %run_scoped3A = tpu.sem_alloc : memref<!tpu.dma_semaphore, #tpu.memory_space<semaphore_mem>>
      %dma_start3A = arith.constant 0 : i32
      %dma_start3A_49 = arith.constant 0 : i32
      %dma_start3A_50 = tpu.memref_slice %arg8[%dma_start3A, %dma_start3A_49] : memref<256x128xf32, #tpu.memory_space<vmem>> -> memref<128x128xf32, #tpu.memory_space<vmem>>
      %dma_start3A_51 = arith.constant 0 : i32
      %dma_start3A_52 = tpu.memref_slice %arg9[%add3A_12, %dma_start3A_51] : memref<10240x128xf32, #tpu.memory_space<vmem_shared>> -> memref<128x128xf32, #tpu.memory_space<vmem_shared>>
      %dma_start3A_53 = arith.constant 0 : i32
      %dma_start3A_54 = tpu.memref_slice %arg9[%add3A_12, %dma_start3A_53] : memref<10240x128xf32, #tpu.memory_space<vmem_shared>> -> memref<128x128xf32, #tpu.memory_space<vmem_shared>>
      %dma_start3A_55 = arith.constant 0 : i32
      %dma_start3A_56 = arith.constant 0 : i32
      %dma_start3A_57 = tpu.memref_slice %arg8[%dma_start3A_55, %dma_start3A_56] : memref<256x128xf32, #tpu.memory_space<vmem>> -> memref<128x128xf32, #tpu.memory_space<vmem>>
      tpu.enqueue_dma source(%dma_start3A_57 : memref<128x128xf32, #tpu.memory_space<vmem>>) target(%dma_start3A_54 : memref<128x128xf32, #tpu.memory_space<vmem_shared>>) target_semaphore(%run_scoped3A : memref<!tpu.dma_semaphore, #tpu.memory_space<semaphore_mem>>)
      %dma_wait3A = arith.constant 0 : i32
      %dma_wait3A_58 = arith.constant 0 : i32
      %dma_wait3A_59 = tpu.memref_slice %arg8[%dma_wait3A, %dma_wait3A_58] : memref<256x128xf32, #tpu.memory_space<vmem>> -> memref<128x128xf32, #tpu.memory_space<vmem>>
      %dma_wait3A_60 = arith.constant 0 : i32
      %dma_wait3A_61 = tpu.memref_slice %arg9[%add3A_12, %dma_wait3A_60] : memref<10240x128xf32, #tpu.memory_space<vmem_shared>> -> memref<128x128xf32, #tpu.memory_space<vmem_shared>>
      %dma_wait3A_62 = arith.constant 0 : i32
      %dma_wait3A_63 = tpu.memref_slice %arg9[%add3A_12, %dma_wait3A_62] : memref<10240x128xf32, #tpu.memory_space<vmem_shared>> -> memref<128x128xf32, #tpu.memory_space<vmem_shared>>
      %dma_wait3A_64 = arith.constant 0 : i32
      %dma_wait3A_65 = arith.constant 0 : i32
      %dma_wait3A_66 = tpu.memref_slice %arg8[%dma_wait3A_64, %dma_wait3A_65] : memref<256x128xf32, #tpu.memory_space<vmem>> -> memref<128x128xf32, #tpu.memory_space<vmem>>
      tpu.wait_dma2 semaphore(%run_scoped3A : memref<!tpu.dma_semaphore, #tpu.memory_space<semaphore_mem>>) src(%dma_wait3A_66 : memref<128x128xf32, #tpu.memory_space<vmem>>) dst(%dma_wait3A_63 : memref<128x128xf32, #tpu.memory_space<vmem_shared>>)
      tpu.yield
    }) : () -> ()
    %add3A_13 = arith.constant 128 : i32
    %add3A_14 = arith.addi %mul3A_0, %add3A_13 : i32
    "tpu.region"() ({
      %run_scoped3A = tpu.sem_alloc : memref<!tpu.dma_semaphore, #tpu.memory_space<semaphore_mem>>
      %dma_start3A = arith.constant 0 : i32
      %dma_start3A_49 = arith.constant 0 : i32
      %dma_start3A_50 = tpu.memref_slice %arg8[%dma_start3A, %dma_start3A_49] : memref<256x128xf32, #tpu.memory_space<vmem>> -> memref<128x128xf32, #tpu.memory_space<vmem>>
      %dma_start3A_51 = arith.constant 0 : i32
      %dma_start3A_52 = tpu.memref_slice %arg9[%add3A_14, %dma_start3A_51] : memref<10240x128xf32, #tpu.memory_space<vmem_shared>> -> memref<128x128xf32, #tpu.memory_space<vmem_shared>>
      %dma_start3A_53 = arith.constant 0 : i32
      %dma_start3A_54 = tpu.memref_slice %arg9[%add3A_14, %dma_start3A_53] : memref<10240x128xf32, #tpu.memory_space<vmem_shared>> -> memref<128x128xf32, #tpu.memory_space<vmem_shared>>
      %dma_start3A_55 = arith.constant 0 : i32
      %dma_start3A_56 = arith.constant 0 : i32
      %dma_start3A_57 = tpu.memref_slice %arg8[%dma_start3A_55, %dma_start3A_56] : memref<256x128xf32, #tpu.memory_space<vmem>> -> memref<128x128xf32, #tpu.memory_space<vmem>>
      tpu.enqueue_dma source(%dma_start3A_57 : memref<128x128xf32, #tpu.memory_space<vmem>>) target(%dma_start3A_54 : memref<128x128xf32, #tpu.memory_space<vmem_shared>>) target_semaphore(%run_scoped3A : memref<!tpu.dma_semaphore, #tpu.memory_space<semaphore_mem>>)
      %dma_wait3A = arith.constant 0 : i32
      %dma_wait3A_58 = arith.constant 0 : i32
      %dma_wait3A_59 = tpu.memref_slice %arg8[%dma_wait3A, %dma_wait3A_58] : memref<256x128xf32, #tpu.memory_space<vmem>> -> memref<128x128xf32, #tpu.memory_space<vmem>>
      %dma_wait3A_60 = arith.constant 0 : i32
      %dma_wait3A_61 = tpu.memref_slice %arg9[%add3A_14, %dma_wait3A_60] : memref<10240x128xf32, #tpu.memory_space<vmem_shared>> -> memref<128x128xf32, #tpu.memory_space<vmem_shared>>
      %dma_wait3A_62 = arith.constant 0 : i32
      %dma_wait3A_63 = tpu.memref_slice %arg9[%add3A_14, %dma_wait3A_62] : memref<10240x128xf32, #tpu.memory_space<vmem_shared>> -> memref<128x128xf32, #tpu.memory_space<vmem_shared>>
      %dma_wait3A_64 = arith.constant 0 : i32
      %dma_wait3A_65 = arith.constant 0 : i32
      %dma_wait3A_66 = tpu.memref_slice %arg8[%dma_wait3A_64, %dma_wait3A_65] : memref<256x128xf32, #tpu.memory_space<vmem>> -> memref<128x128xf32, #tpu.memory_space<vmem>>
      tpu.wait_dma2 semaphore(%run_scoped3A : memref<!tpu.dma_semaphore, #tpu.memory_space<semaphore_mem>>) src(%dma_wait3A_66 : memref<128x128xf32, #tpu.memory_space<vmem>>) dst(%dma_wait3A_63 : memref<128x128xf32, #tpu.memory_space<vmem_shared>>)
      tpu.yield
    }) : () -> ()
    %add3A_15 = arith.constant 256 : i32
    %add3A_16 = arith.addi %mul3A_0, %add3A_15 : i32
    "tpu.region"() ({
      %run_scoped3A = tpu.sem_alloc : memref<!tpu.dma_semaphore, #tpu.memory_space<semaphore_mem>>
      %dma_start3A = arith.constant 0 : i32
      %dma_start3A_49 = arith.constant 0 : i32
      %dma_start3A_50 = tpu.memref_slice %arg8[%dma_start3A, %dma_start3A_49] : memref<256x128xf32, #tpu.memory_space<vmem>> -> memref<128x128xf32, #tpu.memory_space<vmem>>
      %dma_start3A_51 = arith.constant 0 : i32
      %dma_start3A_52 = tpu.memref_slice %arg9[%add3A_16, %dma_start3A_51] : memref<10240x128xf32, #tpu.memory_space<vmem_shared>> -> memref<128x128xf32, #tpu.memory_space<vmem_shared>>
      %dma_start3A_53 = arith.constant 0 : i32
      %dma_start3A_54 = tpu.memref_slice %arg9[%add3A_16, %dma_start3A_53] : memref<10240x128xf32, #tpu.memory_space<vmem_shared>> -> memref<128x128xf32, #tpu.memory_space<vmem_shared>>
      %dma_start3A_55 = arith.constant 0 : i32
      %dma_start3A_56 = arith.constant 0 : i32
      %dma_start3A_57 = tpu.memref_slice %arg8[%dma_start3A_55, %dma_start3A_56] : memref<256x128xf32, #tpu.memory_space<vmem>> -> memref<128x128xf32, #tpu.memory_space<vmem>>
      tpu.enqueue_dma source(%dma_start3A_57 : memref<128x128xf32, #tpu.memory_space<vmem>>) target(%dma_start3A_54 : memref<128x128xf32, #tpu.memory_space<vmem_shared>>) target_semaphore(%run_scoped3A : memref<!tpu.dma_semaphore, #tpu.memory_space<semaphore_mem>>)
      %dma_wait3A = arith.constant 0 : i32
      %dma_wait3A_58 = arith.constant 0 : i32
      %dma_wait3A_59 = tpu.memref_slice %arg8[%dma_wait3A, %dma_wait3A_58] : memref<256x128xf32, #tpu.memory_space<vmem>> -> memref<128x128xf32, #tpu.memory_space<vmem>>
      %dma_wait3A_60 = arith.constant 0 : i32
      %dma_wait3A_61 = tpu.memref_slice %arg9[%add3A_16, %dma_wait3A_60] : memref<10240x128xf32, #tpu.memory_space<vmem_shared>> -> memref<128x128xf32, #tpu.memory_space<vmem_shared>>
      %dma_wait3A_62 = arith.constant 0 : i32
      %dma_wait3A_63 = tpu.memref_slice %arg9[%add3A_16, %dma_wait3A_62] : memref<10240x128xf32, #tpu.memory_space<vmem_shared>> -> memref<128x128xf32, #tpu.memory_space<vmem_shared>>
      %dma_wait3A_64 = arith.constant 0 : i32
      %dma_wait3A_65 = arith.constant 0 : i32
      %dma_wait3A_66 = tpu.memref_slice %arg8[%dma_wait3A_64, %dma_wait3A_65] : memref<256x128xf32, #tpu.memory_space<vmem>> -> memref<128x128xf32, #tpu.memory_space<vmem>>
      tpu.wait_dma2 semaphore(%run_scoped3A : memref<!tpu.dma_semaphore, #tpu.memory_space<semaphore_mem>>) src(%dma_wait3A_66 : memref<128x128xf32, #tpu.memory_space<vmem>>) dst(%dma_wait3A_63 : memref<128x128xf32, #tpu.memory_space<vmem_shared>>)
      tpu.yield
    }) : () -> ()
    %add3A_17 = arith.constant 384 : i32
    %add3A_18 = arith.addi %mul3A_0, %add3A_17 : i32
    "tpu.region"() ({
      %run_scoped3A = tpu.sem_alloc : memref<!tpu.dma_semaphore, #tpu.memory_space<semaphore_mem>>
      %dma_start3A = arith.constant 0 : i32
      %dma_start3A_49 = arith.constant 0 : i32
      %dma_start3A_50 = tpu.memref_slice %arg8[%dma_start3A, %dma_start3A_49] : memref<256x128xf32, #tpu.memory_space<vmem>> -> memref<128x128xf32, #tpu.memory_space<vmem>>
      %dma_start3A_51 = arith.constant 0 : i32
      %dma_start3A_52 = tpu.memref_slice %arg9[%add3A_18, %dma_start3A_51] : memref<10240x128xf32, #tpu.memory_space<vmem_shared>> -> memref<128x128xf32, #tpu.memory_space<vmem_shared>>
      %dma_start3A_53 = arith.constant 0 : i32
      %dma_start3A_54 = tpu.memref_slice %arg9[%add3A_18, %dma_start3A_53] : memref<10240x128xf32, #tpu.memory_space<vmem_shared>> -> memref<128x128xf32, #tpu.memory_space<vmem_shared>>
      %dma_start3A_55 = arith.constant 0 : i32
      %dma_start3A_56 = arith.constant 0 : i32
      %dma_start3A_57 = tpu.memref_slice %arg8[%dma_start3A_55, %dma_start3A_56] : memref<256x128xf32, #tpu.memory_space<vmem>> -> memref<128x128xf32, #tpu.memory_space<vmem>>
      tpu.enqueue_dma source(%dma_start3A_57 : memref<128x128xf32, #tpu.memory_space<vmem>>) target(%dma_start3A_54 : memref<128x128xf32, #tpu.memory_space<vmem_shared>>) target_semaphore(%run_scoped3A : memref<!tpu.dma_semaphore, #tpu.memory_space<semaphore_mem>>)
      %dma_wait3A = arith.constant 0 : i32
      %dma_wait3A_58 = arith.constant 0 : i32
      %dma_wait3A_59 = tpu.memref_slice %arg8[%dma_wait3A, %dma_wait3A_58] : memref<256x128xf32, #tpu.memory_space<vmem>> -> memref<128x128xf32, #tpu.memory_space<vmem>>
      %dma_wait3A_60 = arith.constant 0 : i32
      %dma_wait3A_61 = tpu.memref_slice %arg9[%add3A_18, %dma_wait3A_60] : memref<10240x128xf32, #tpu.memory_space<vmem_shared>> -> memref<128x128xf32, #tpu.memory_space<vmem_shared>>
      %dma_wait3A_62 = arith.constant 0 : i32
      %dma_wait3A_63 = tpu.memref_slice %arg9[%add3A_18, %dma_wait3A_62] : memref<10240x128xf32, #tpu.memory_space<vmem_shared>> -> memref<128x128xf32, #tpu.memory_space<vmem_shared>>
      %dma_wait3A_64 = arith.constant 0 : i32
      %dma_wait3A_65 = arith.constant 0 : i32
      %dma_wait3A_66 = tpu.memref_slice %arg8[%dma_wait3A_64, %dma_wait3A_65] : memref<256x128xf32, #tpu.memory_space<vmem>> -> memref<128x128xf32, #tpu.memory_space<vmem>>
      tpu.wait_dma2 semaphore(%run_scoped3A : memref<!tpu.dma_semaphore, #tpu.memory_space<semaphore_mem>>) src(%dma_wait3A_66 : memref<128x128xf32, #tpu.memory_space<vmem>>) dst(%dma_wait3A_63 : memref<128x128xf32, #tpu.memory_space<vmem_shared>>)
      tpu.yield
    }) : () -> ()
    %add3A_19 = arith.constant 512 : i32
    %add3A_20 = arith.addi %mul3A_0, %add3A_19 : i32
    "tpu.region"() ({
      %run_scoped3A = tpu.sem_alloc : memref<!tpu.dma_semaphore, #tpu.memory_space<semaphore_mem>>
      %dma_start3A = arith.constant 0 : i32
      %dma_start3A_49 = arith.constant 0 : i32
      %dma_start3A_50 = tpu.memref_slice %arg8[%dma_start3A, %dma_start3A_49] : memref<256x128xf32, #tpu.memory_space<vmem>> -> memref<128x128xf32, #tpu.memory_space<vmem>>
      %dma_start3A_51 = arith.constant 0 : i32
      %dma_start3A_52 = tpu.memref_slice %arg9[%add3A_20, %dma_start3A_51] : memref<10240x128xf32, #tpu.memory_space<vmem_shared>> -> memref<128x128xf32, #tpu.memory_space<vmem_shared>>
      %dma_start3A_53 = arith.constant 0 : i32
      %dma_start3A_54 = tpu.memref_slice %arg9[%add3A_20, %dma_start3A_53] : memref<10240x128xf32, #tpu.memory_space<vmem_shared>> -> memref<128x128xf32, #tpu.memory_space<vmem_shared>>
      %dma_start3A_55 = arith.constant 0 : i32
      %dma_start3A_56 = arith.constant 0 : i32
      %dma_start3A_57 = tpu.memref_slice %arg8[%dma_start3A_55, %dma_start3A_56] : memref<256x128xf32, #tpu.memory_space<vmem>> -> memref<128x128xf32, #tpu.memory_space<vmem>>
      tpu.enqueue_dma source(%dma_start3A_57 : memref<128x128xf32, #tpu.memory_space<vmem>>) target(%dma_start3A_54 : memref<128x128xf32, #tpu.memory_space<vmem_shared>>) target_semaphore(%run_scoped3A : memref<!tpu.dma_semaphore, #tpu.memory_space<semaphore_mem>>)
      %dma_wait3A = arith.constant 0 : i32
      %dma_wait3A_58 = arith.constant 0 : i32
      %dma_wait3A_59 = tpu.memref_slice %arg8[%dma_wait3A, %dma_wait3A_58] : memref<256x128xf32, #tpu.memory_space<vmem>> -> memref<128x128xf32, #tpu.memory_space<vmem>>
      %dma_wait3A_60 = arith.constant 0 : i32
      %dma_wait3A_61 = tpu.memref_slice %arg9[%add3A_20, %dma_wait3A_60] : memref<10240x128xf32, #tpu.memory_space<vmem_shared>> -> memref<128x128xf32, #tpu.memory_space<vmem_shared>>
      %dma_wait3A_62 = arith.constant 0 : i32
      %dma_wait3A_63 = tpu.memref_slice %arg9[%add3A_20, %dma_wait3A_62] : memref<10240x128xf32, #tpu.memory_space<vmem_shared>> -> memref<128x128xf32, #tpu.memory_space<vmem_shared>>
      %dma_wait3A_64 = arith.constant 0 : i32
      %dma_wait3A_65 = arith.constant 0 : i32
      %dma_wait3A_66 = tpu.memref_slice %arg8[%dma_wait3A_64, %dma_wait3A_65] : memref<256x128xf32, #tpu.memory_space<vmem>> -> memref<128x128xf32, #tpu.memory_space<vmem>>
      tpu.wait_dma2 semaphore(%run_scoped3A : memref<!tpu.dma_semaphore, #tpu.memory_space<semaphore_mem>>) src(%dma_wait3A_66 : memref<128x128xf32, #tpu.memory_space<vmem>>) dst(%dma_wait3A_63 : memref<128x128xf32, #tpu.memory_space<vmem_shared>>)
      tpu.yield
    }) : () -> ()
    %barrier3A = arith.constant 0 : index
    tpu.barrier barrier_id(%barrier3A)
    %gt3A = arith.constant 0 : i32
    %gt3A_21 = arith.cmpi sgt, %select_n3A, %gt3A : i32
    %convert_element_type3A = arith.extui %gt3A_21 : i1 to i32
    %cond3A = arith.constant 0 : i32
    %cond3A_22 = arith.cmpi ne, %convert_element_type3A, %cond3A : i32
    scf.if %cond3A_22 {
      %add3A_49 = arith.constant 0 : i32
      %add3A_50 = arith.addi %select_n3A_10, %add3A_49 : i32
      %dma_start3A = arith.constant 0 : i32
      %dma_start3A_51 = arith.constant 0 : i32
      %dma_start3A_52 = tpu.memref_slice %arg3[%dma_start3A, %add3A_50, %dma_start3A_51] : memref<2x2560x128xi32, #tpu.memory_space<hbm>> -> memref<2x1x128xi32, #tpu.memory_space<hbm>>
      %dma_start3A_53 = tpu.memref_squeeze %dma_start3A_52 : memref<2x1x128xi32, #tpu.memory_space<hbm>> -> memref<2x128xi32, #tpu.memory_space<hbm>>
      %dma_start3A_54 = arith.constant 0 : i32
      %dma_start3A_55 = arith.constant 0 : i32
      %dma_start3A_56 = tpu.memref_slice %arg3[%dma_start3A_54, %add3A_50, %dma_start3A_55] : memref<2x2560x128xi32, #tpu.memory_space<hbm>> -> memref<2x1x128xi32, #tpu.memory_space<hbm>>
      %dma_start3A_57 = tpu.memref_squeeze %dma_start3A_56 : memref<2x1x128xi32, #tpu.memory_space<hbm>> -> memref<2x128xi32, #tpu.memory_space<hbm>>
      tpu.enqueue_dma source(%dma_start3A_57 : memref<2x128xi32, #tpu.memory_space<hbm>>) target(%arg6 : memref<2x128xi32, #tpu.memory_space<vmem>>) target_semaphore(%arg12 : memref<!tpu.dma_semaphore, #tpu.memory_space<semaphore_mem>>)
      %gt3A_58 = arith.constant 1 : i32
      %gt3A_59 = arith.cmpi sgt, %select_n3A, %gt3A_58 : i32
      %convert_element_type3A_60 = arith.extui %gt3A_59 : i1 to i32
      %cond3A_61 = arith.constant 0 : i32
      %cond3A_62 = arith.cmpi ne, %convert_element_type3A_60, %cond3A_61 : i32
      scf.if %cond3A_62 {
        %add3A_82 = arith.constant 1 : i32
        %add3A_83 = arith.addi %select_n3A_10, %add3A_82 : i32
        %dma_start3A_84 = arith.constant 0 : i32
        %dma_start3A_85 = arith.constant 0 : i32
        %dma_start3A_86 = tpu.memref_slice %arg3[%dma_start3A_84, %add3A_83, %dma_start3A_85] : memref<2x2560x128xi32, #tpu.memory_space<hbm>> -> memref<2x1x128xi32, #tpu.memory_space<hbm>>
        %dma_start3A_87 = tpu.memref_squeeze %dma_start3A_86 : memref<2x1x128xi32, #tpu.memory_space<hbm>> -> memref<2x128xi32, #tpu.memory_space<hbm>>
        %dma_start3A_88 = arith.constant 0 : i32
        %dma_start3A_89 = arith.constant 0 : i32
        %dma_start3A_90 = tpu.memref_slice %arg3[%dma_start3A_88, %add3A_83, %dma_start3A_89] : memref<2x2560x128xi32, #tpu.memory_space<hbm>> -> memref<2x1x128xi32, #tpu.memory_space<hbm>>
        %dma_start3A_91 = tpu.memref_squeeze %dma_start3A_90 : memref<2x1x128xi32, #tpu.memory_space<hbm>> -> memref<2x128xi32, #tpu.memory_space<hbm>>
        tpu.enqueue_dma source(%dma_start3A_91 : memref<2x128xi32, #tpu.memory_space<hbm>>) target(%arg7 : memref<2x128xi32, #tpu.memory_space<vmem>>) target_semaphore(%arg13 : memref<!tpu.dma_semaphore, #tpu.memory_space<semaphore_mem>>)
      } else {
      }
      %add3A_63 = arith.constant 0 : i32
      %add3A_64 = arith.addi %select_n3A_10, %add3A_63 : i32
      %dma_wait3A = arith.constant 0 : i32
      %dma_wait3A_65 = arith.constant 0 : i32
      %dma_wait3A_66 = tpu.memref_slice %arg3[%dma_wait3A, %add3A_64, %dma_wait3A_65] : memref<2x2560x128xi32, #tpu.memory_space<hbm>> -> memref<2x1x128xi32, #tpu.memory_space<hbm>>
      %dma_wait3A_67 = tpu.memref_squeeze %dma_wait3A_66 : memref<2x1x128xi32, #tpu.memory_space<hbm>> -> memref<2x128xi32, #tpu.memory_space<hbm>>
      %dma_wait3A_68 = arith.constant 0 : i32
      %dma_wait3A_69 = arith.constant 0 : i32
      %dma_wait3A_70 = tpu.memref_slice %arg3[%dma_wait3A_68, %add3A_64, %dma_wait3A_69] : memref<2x2560x128xi32, #tpu.memory_space<hbm>> -> memref<2x1x128xi32, #tpu.memory_space<hbm>>
      %dma_wait3A_71 = tpu.memref_squeeze %dma_wait3A_70 : memref<2x1x128xi32, #tpu.memory_space<hbm>> -> memref<2x128xi32, #tpu.memory_space<hbm>>
      tpu.wait_dma2 semaphore(%arg12 : memref<!tpu.dma_semaphore, #tpu.memory_space<semaphore_mem>>) src(%dma_wait3A_71 : memref<2x128xi32, #tpu.memory_space<hbm>>) dst(%arg6 : memref<2x128xi32, #tpu.memory_space<vmem>>)
      %dma_start3A_72 = arith.constant 0 : i32
      %dma_start3A_73 = arith.constant 0 : i32
      %dma_start3A_74 = arith.constant 0 : i32
      %dma_start3A_75 = tpu.memref_slice %arg8[%dma_start3A_73, %dma_start3A_74] : memref<256x128xf32, #tpu.memory_space<vmem>> -> memref<128x128xf32, #tpu.memory_space<vmem>>
      %dma_start3A_76 = arith.constant 0 : i32
      %dma_start3A_77 = tpu.memref_slice %arg6[%dma_start3A_72, %dma_start3A_76] : memref<2x128xi32, #tpu.memory_space<vmem>> -> memref<1x128xi32, #tpu.memory_space<vmem>>
      %dma_start3A_78 = tpu.memref_squeeze %dma_start3A_77 : memref<1x128xi32, #tpu.memory_space<vmem>> -> memref<128xi32, #tpu.memory_space<vmem>>
      %dma_start3A_79 = arith.constant 0 : i32
      %dma_start3A_80 = arith.constant 0 : i32
      %dma_start3A_81 = tpu.memref_slice %arg2[%dma_start3A_79, %dma_start3A_80] : memref<10240x128xf32, #tpu.memory_space<hbm>> -> memref<10240x128xf32, #tpu.memory_space<hbm>>
      tpu.enqueue_indirect_dma source(%dma_start3A_81 : memref<10240x128xf32, #tpu.memory_space<hbm>>) target(%dma_start3A_75 : memref<128x128xf32, #tpu.memory_space<vmem>>) offsets(%dma_start3A_78 : memref<128xi32, #tpu.memory_space<vmem>>) semaphore(%arg10 : memref<!tpu.dma_semaphore, #tpu.memory_space<semaphore_mem>>)
    } else {
    }
    %scan3A = arith.constant 0 : i32
    %scan3A_23 = arith.constant 0 : i32
    %scan3A_24 = arith.constant 40 : i32
    %scan3A_25 = arith.addi %scan3A_23, %scan3A_24 : i32
    %scan3A_26 = arith.constant 1 : i32
    scf.for %scan3A_49 = %scan3A_23 to %scan3A_25 step %scan3A_26  : i32 {
      %mul3A_50 = arith.constant 2 : i32
      %mul3A_51 = arith.muli %scan3A_49, %mul3A_50 : i32
      %add3A_52 = arith.constant 0 : i32
      %add3A_53 = arith.addi %mul3A_51, %add3A_52 : i32
      %lt3A = arith.cmpi slt, %add3A_53, %select_n3A : i32
      %convert_element_type3A_54 = arith.extui %lt3A : i1 to i32
      %cond3A_55 = arith.constant 0 : i32
      %cond3A_56 = arith.cmpi ne, %convert_element_type3A_54, %cond3A_55 : i32
      scf.if %cond3A_56 {
        %add3A_65 = arith.constant 1 : i32
        %add3A_66 = arith.addi %add3A_53, %add3A_65 : i32
        %lt3A_67 = arith.cmpi slt, %add3A_66, %select_n3A : i32
        %convert_element_type3A_68 = arith.extui %lt3A_67 : i1 to i32
        %cond3A_69 = arith.constant 0 : i32
        %cond3A_70 = arith.cmpi ne, %convert_element_type3A_68, %cond3A_69 : i32
        scf.if %cond3A_70 {
          %add3A_86 = arith.constant 1 : i32
          %add3A_87 = arith.addi %add3A_53, %add3A_86 : i32
          %add3A_88 = arith.addi %select_n3A_10, %add3A_87 : i32
          %dma_wait3A_89 = arith.constant 0 : i32
          %dma_wait3A_90 = arith.constant 0 : i32
          %dma_wait3A_91 = tpu.memref_slice %arg3[%dma_wait3A_89, %add3A_88, %dma_wait3A_90] : memref<2x2560x128xi32, #tpu.memory_space<hbm>> -> memref<2x1x128xi32, #tpu.memory_space<hbm>>
          %dma_wait3A_92 = tpu.memref_squeeze %dma_wait3A_91 : memref<2x1x128xi32, #tpu.memory_space<hbm>> -> memref<2x128xi32, #tpu.memory_space<hbm>>
          %dma_wait3A_93 = arith.constant 0 : i32
          %dma_wait3A_94 = arith.constant 0 : i32
          %dma_wait3A_95 = tpu.memref_slice %arg3[%dma_wait3A_93, %add3A_88, %dma_wait3A_94] : memref<2x2560x128xi32, #tpu.memory_space<hbm>> -> memref<2x1x128xi32, #tpu.memory_space<hbm>>
          %dma_wait3A_96 = tpu.memref_squeeze %dma_wait3A_95 : memref<2x1x128xi32, #tpu.memory_space<hbm>> -> memref<2x128xi32, #tpu.memory_space<hbm>>
          tpu.wait_dma2 semaphore(%arg13 : memref<!tpu.dma_semaphore, #tpu.memory_space<semaphore_mem>>) src(%dma_wait3A_96 : memref<2x128xi32, #tpu.memory_space<hbm>>) dst(%arg7 : memref<2x128xi32, #tpu.memory_space<vmem>>)
          %dma_start3A = arith.constant 0 : i32
          %dma_start3A_97 = arith.constant 128 : i32
          %dma_start3A_98 = arith.constant 0 : i32
          %dma_start3A_99 = tpu.memref_slice %arg8[%dma_start3A_97, %dma_start3A_98] : memref<256x128xf32, #tpu.memory_space<vmem>> -> memref<128x128xf32, #tpu.memory_space<vmem>>
          %dma_start3A_100 = arith.constant 0 : i32
          %dma_start3A_101 = tpu.memref_slice %arg7[%dma_start3A, %dma_start3A_100] : memref<2x128xi32, #tpu.memory_space<vmem>> -> memref<1x128xi32, #tpu.memory_space<vmem>>
          %dma_start3A_102 = tpu.memref_squeeze %dma_start3A_101 : memref<1x128xi32, #tpu.memory_space<vmem>> -> memref<128xi32, #tpu.memory_space<vmem>>
          %dma_start3A_103 = arith.constant 0 : i32
          %dma_start3A_104 = arith.constant 0 : i32
          %dma_start3A_105 = tpu.memref_slice %arg2[%dma_start3A_103, %dma_start3A_104] : memref<10240x128xf32, #tpu.memory_space<hbm>> -> memref<10240x128xf32, #tpu.memory_space<hbm>>
          tpu.enqueue_indirect_dma source(%dma_start3A_105 : memref<10240x128xf32, #tpu.memory_space<hbm>>) target(%dma_start3A_99 : memref<128x128xf32, #tpu.memory_space<vmem>>) offsets(%dma_start3A_102 : memref<128xi32, #tpu.memory_space<vmem>>) semaphore(%arg11 : memref<!tpu.dma_semaphore, #tpu.memory_space<semaphore_mem>>)
        } else {
        }
        %dma_wait3A = arith.constant 0 : i32
        %dma_wait3A_71 = arith.constant 0 : i32
        %dma_wait3A_72 = arith.constant 0 : i32
        %dma_wait3A_73 = tpu.memref_slice %arg8[%dma_wait3A_71, %dma_wait3A_72] : memref<256x128xf32, #tpu.memory_space<vmem>> -> memref<128x128xf32, #tpu.memory_space<vmem>>
        %dma_wait3A_74 = arith.constant 0 : i32
        %dma_wait3A_75 = tpu.memref_slice %arg6[%dma_wait3A, %dma_wait3A_74] : memref<2x128xi32, #tpu.memory_space<vmem>> -> memref<1x128xi32, #tpu.memory_space<vmem>>
        %dma_wait3A_76 = tpu.memref_squeeze %dma_wait3A_75 : memref<1x128xi32, #tpu.memory_space<vmem>> -> memref<128xi32, #tpu.memory_space<vmem>>
        %dma_wait3A_77 = arith.constant 0 : i32
        %dma_wait3A_78 = arith.constant 0 : i32
        %dma_wait3A_79 = tpu.memref_slice %arg2[%dma_wait3A_77, %dma_wait3A_78] : memref<10240x128xf32, #tpu.memory_space<hbm>> -> memref<10240x128xf32, #tpu.memory_space<hbm>>
        tpu.wait_indirect_dma semaphore(%arg10 : memref<!tpu.dma_semaphore, #tpu.memory_space<semaphore_mem>>) src(%dma_wait3A_79 : memref<10240x128xf32, #tpu.memory_space<hbm>>) dst(%dma_wait3A_73 : memref<128x128xf32, #tpu.memory_space<vmem>>)
        %run_scoped3A = arith.constant 1 : i32
        "tpu.region"() ({
          %run_scoped3A_86 = tpu.sem_alloc : memref<!tpu.dma_semaphore, #tpu.memory_space<semaphore_mem>>
          %dma_start3A = arith.constant 0 : i32
          %dma_start3A_87 = arith.constant 0 : i32
          %dma_start3A_88 = tpu.memref_slice %arg8[%dma_start3A, %dma_start3A_87] : memref<256x128xf32, #tpu.memory_space<vmem>> -> memref<128x128xf32, #tpu.memory_space<vmem>>
          %dma_start3A_89 = arith.constant 0 : i32
          %dma_start3A_90 = tpu.memref_slice %arg6[%run_scoped3A, %dma_start3A_89] : memref<2x128xi32, #tpu.memory_space<vmem>> -> memref<1x128xi32, #tpu.memory_space<vmem>>
          %dma_start3A_91 = tpu.memref_squeeze %dma_start3A_90 : memref<1x128xi32, #tpu.memory_space<vmem>> -> memref<128xi32, #tpu.memory_space<vmem>>
          %dma_start3A_92 = arith.constant 0 : i32
          %dma_start3A_93 = arith.constant 0 : i32
          %dma_start3A_94 = tpu.memref_slice %arg9[%dma_start3A_92, %dma_start3A_93] : memref<10240x128xf32, #tpu.memory_space<vmem_shared>> -> memref<10240x128xf32, #tpu.memory_space<vmem_shared>>
          tpu.enqueue_indirect_dma source(%dma_start3A_88 : memref<128x128xf32, #tpu.memory_space<vmem>>) target(%dma_start3A_94 : memref<10240x128xf32, #tpu.memory_space<vmem_shared>>) offsets(%dma_start3A_91 : memref<128xi32, #tpu.memory_space<vmem>>) semaphore(%run_scoped3A_86 : memref<!tpu.dma_semaphore, #tpu.memory_space<semaphore_mem>>) {add = true}
          %dma_wait3A_95 = arith.constant 0 : i32
          %dma_wait3A_96 = arith.constant 0 : i32
          %dma_wait3A_97 = tpu.memref_slice %arg8[%dma_wait3A_95, %dma_wait3A_96] : memref<256x128xf32, #tpu.memory_space<vmem>> -> memref<128x128xf32, #tpu.memory_space<vmem>>
          %dma_wait3A_98 = arith.constant 0 : i32
          %dma_wait3A_99 = tpu.memref_slice %arg6[%run_scoped3A, %dma_wait3A_98] : memref<2x128xi32, #tpu.memory_space<vmem>> -> memref<1x128xi32, #tpu.memory_space<vmem>>
          %dma_wait3A_100 = tpu.memref_squeeze %dma_wait3A_99 : memref<1x128xi32, #tpu.memory_space<vmem>> -> memref<128xi32, #tpu.memory_space<vmem>>
          %dma_wait3A_101 = arith.constant 0 : i32
          %dma_wait3A_102 = arith.constant 0 : i32
          %dma_wait3A_103 = tpu.memref_slice %arg9[%dma_wait3A_101, %dma_wait3A_102] : memref<10240x128xf32, #tpu.memory_space<vmem_shared>> -> memref<10240x128xf32, #tpu.memory_space<vmem_shared>>
          tpu.wait_indirect_dma semaphore(%run_scoped3A_86 : memref<!tpu.dma_semaphore, #tpu.memory_space<semaphore_mem>>) src(%dma_wait3A_97 : memref<128x128xf32, #tpu.memory_space<vmem>>) dst(%dma_wait3A_103 : memref<10240x128xf32, #tpu.memory_space<vmem_shared>>)
          tpu.yield
        }) : () -> ()
        %add3A_80 = arith.constant 2 : i32
        %add3A_81 = arith.addi %add3A_53, %add3A_80 : i32
        %lt3A_82 = arith.cmpi slt, %add3A_81, %select_n3A : i32
        %convert_element_type3A_83 = arith.extui %lt3A_82 : i1 to i32
        %cond3A_84 = arith.constant 0 : i32
        %cond3A_85 = arith.cmpi ne, %convert_element_type3A_83, %cond3A_84 : i32
        scf.if %cond3A_85 {
          %add3A_86 = arith.constant 2 : i32
          %add3A_87 = arith.addi %add3A_53, %add3A_86 : i32
          %add3A_88 = arith.addi %select_n3A_10, %add3A_87 : i32
          %dma_start3A = arith.constant 0 : i32
          %dma_start3A_89 = arith.constant 0 : i32
          %dma_start3A_90 = tpu.memref_slice %arg3[%dma_start3A, %add3A_88, %dma_start3A_89] : memref<2x2560x128xi32, #tpu.memory_space<hbm>> -> memref<2x1x128xi32, #tpu.memory_space<hbm>>
          %dma_start3A_91 = tpu.memref_squeeze %dma_start3A_90 : memref<2x1x128xi32, #tpu.memory_space<hbm>> -> memref<2x128xi32, #tpu.memory_space<hbm>>
          %dma_start3A_92 = arith.constant 0 : i32
          %dma_start3A_93 = arith.constant 0 : i32
          %dma_start3A_94 = tpu.memref_slice %arg3[%dma_start3A_92, %add3A_88, %dma_start3A_93] : memref<2x2560x128xi32, #tpu.memory_space<hbm>> -> memref<2x1x128xi32, #tpu.memory_space<hbm>>
          %dma_start3A_95 = tpu.memref_squeeze %dma_start3A_94 : memref<2x1x128xi32, #tpu.memory_space<hbm>> -> memref<2x128xi32, #tpu.memory_space<hbm>>
          tpu.enqueue_dma source(%dma_start3A_95 : memref<2x128xi32, #tpu.memory_space<hbm>>) target(%arg6 : memref<2x128xi32, #tpu.memory_space<vmem>>) target_semaphore(%arg12 : memref<!tpu.dma_semaphore, #tpu.memory_space<semaphore_mem>>)
        } else {
        }
      } else {
      }
      %mul3A_57 = arith.constant 2 : i32
      %mul3A_58 = arith.muli %scan3A_49, %mul3A_57 : i32
      %add3A_59 = arith.constant 1 : i32
      %add3A_60 = arith.addi %mul3A_58, %add3A_59 : i32
      %lt3A_61 = arith.cmpi slt, %add3A_60, %select_n3A : i32
      %convert_element_type3A_62 = arith.extui %lt3A_61 : i1 to i32
      %cond3A_63 = arith.constant 0 : i32
      %cond3A_64 = arith.cmpi ne, %convert_element_type3A_62, %cond3A_63 : i32
      scf.if %cond3A_64 {
        %add3A_65 = arith.constant 1 : i32
        %add3A_66 = arith.addi %add3A_60, %add3A_65 : i32
        %lt3A_67 = arith.cmpi slt, %add3A_66, %select_n3A : i32
        %convert_element_type3A_68 = arith.extui %lt3A_67 : i1 to i32
        %cond3A_69 = arith.constant 0 : i32
        %cond3A_70 = arith.cmpi ne, %convert_element_type3A_68, %cond3A_69 : i32
        scf.if %cond3A_70 {
          %add3A_86 = arith.constant 1 : i32
          %add3A_87 = arith.addi %add3A_60, %add3A_86 : i32
          %add3A_88 = arith.addi %select_n3A_10, %add3A_87 : i32
          %dma_wait3A_89 = arith.constant 0 : i32
          %dma_wait3A_90 = arith.constant 0 : i32
          %dma_wait3A_91 = tpu.memref_slice %arg3[%dma_wait3A_89, %add3A_88, %dma_wait3A_90] : memref<2x2560x128xi32, #tpu.memory_space<hbm>> -> memref<2x1x128xi32, #tpu.memory_space<hbm>>
          %dma_wait3A_92 = tpu.memref_squeeze %dma_wait3A_91 : memref<2x1x128xi32, #tpu.memory_space<hbm>> -> memref<2x128xi32, #tpu.memory_space<hbm>>
          %dma_wait3A_93 = arith.constant 0 : i32
          %dma_wait3A_94 = arith.constant 0 : i32
          %dma_wait3A_95 = tpu.memref_slice %arg3[%dma_wait3A_93, %add3A_88, %dma_wait3A_94] : memref<2x2560x128xi32, #tpu.memory_space<hbm>> -> memref<2x1x128xi32, #tpu.memory_space<hbm>>
          %dma_wait3A_96 = tpu.memref_squeeze %dma_wait3A_95 : memref<2x1x128xi32, #tpu.memory_space<hbm>> -> memref<2x128xi32, #tpu.memory_space<hbm>>
          tpu.wait_dma2 semaphore(%arg12 : memref<!tpu.dma_semaphore, #tpu.memory_space<semaphore_mem>>) src(%dma_wait3A_96 : memref<2x128xi32, #tpu.memory_space<hbm>>) dst(%arg6 : memref<2x128xi32, #tpu.memory_space<vmem>>)
          %dma_start3A = arith.constant 0 : i32
          %dma_start3A_97 = arith.constant 0 : i32
          %dma_start3A_98 = arith.constant 0 : i32
          %dma_start3A_99 = tpu.memref_slice %arg8[%dma_start3A_97, %dma_start3A_98] : memref<256x128xf32, #tpu.memory_space<vmem>> -> memref<128x128xf32, #tpu.memory_space<vmem>>
          %dma_start3A_100 = arith.constant 0 : i32
          %dma_start3A_101 = tpu.memref_slice %arg6[%dma_start3A, %dma_start3A_100] : memref<2x128xi32, #tpu.memory_space<vmem>> -> memref<1x128xi32, #tpu.memory_space<vmem>>
          %dma_start3A_102 = tpu.memref_squeeze %dma_start3A_101 : memref<1x128xi32, #tpu.memory_space<vmem>> -> memref<128xi32, #tpu.memory_space<vmem>>
          %dma_start3A_103 = arith.constant 0 : i32
          %dma_start3A_104 = arith.constant 0 : i32
          %dma_start3A_105 = tpu.memref_slice %arg2[%dma_start3A_103, %dma_start3A_104] : memref<10240x128xf32, #tpu.memory_space<hbm>> -> memref<10240x128xf32, #tpu.memory_space<hbm>>
          tpu.enqueue_indirect_dma source(%dma_start3A_105 : memref<10240x128xf32, #tpu.memory_space<hbm>>) target(%dma_start3A_99 : memref<128x128xf32, #tpu.memory_space<vmem>>) offsets(%dma_start3A_102 : memref<128xi32, #tpu.memory_space<vmem>>) semaphore(%arg10 : memref<!tpu.dma_semaphore, #tpu.memory_space<semaphore_mem>>)
        } else {
        }
        %dma_wait3A = arith.constant 0 : i32
        %dma_wait3A_71 = arith.constant 128 : i32
        %dma_wait3A_72 = arith.constant 0 : i32
        %dma_wait3A_73 = tpu.memref_slice %arg8[%dma_wait3A_71, %dma_wait3A_72] : memref<256x128xf32, #tpu.memory_space<vmem>> -> memref<128x128xf32, #tpu.memory_space<vmem>>
        %dma_wait3A_74 = arith.constant 0 : i32
        %dma_wait3A_75 = tpu.memref_slice %arg7[%dma_wait3A, %dma_wait3A_74] : memref<2x128xi32, #tpu.memory_space<vmem>> -> memref<1x128xi32, #tpu.memory_space<vmem>>
        %dma_wait3A_76 = tpu.memref_squeeze %dma_wait3A_75 : memref<1x128xi32, #tpu.memory_space<vmem>> -> memref<128xi32, #tpu.memory_space<vmem>>
        %dma_wait3A_77 = arith.constant 0 : i32
        %dma_wait3A_78 = arith.constant 0 : i32
        %dma_wait3A_79 = tpu.memref_slice %arg2[%dma_wait3A_77, %dma_wait3A_78] : memref<10240x128xf32, #tpu.memory_space<hbm>> -> memref<10240x128xf32, #tpu.memory_space<hbm>>
        tpu.wait_indirect_dma semaphore(%arg11 : memref<!tpu.dma_semaphore, #tpu.memory_space<semaphore_mem>>) src(%dma_wait3A_79 : memref<10240x128xf32, #tpu.memory_space<hbm>>) dst(%dma_wait3A_73 : memref<128x128xf32, #tpu.memory_space<vmem>>)
        %run_scoped3A = arith.constant 1 : i32
        "tpu.region"() ({
          %run_scoped3A_86 = tpu.sem_alloc : memref<!tpu.dma_semaphore, #tpu.memory_space<semaphore_mem>>
          %dma_start3A = arith.constant 128 : i32
          %dma_start3A_87 = arith.constant 0 : i32
          %dma_start3A_88 = tpu.memref_slice %arg8[%dma_start3A, %dma_start3A_87] : memref<256x128xf32, #tpu.memory_space<vmem>> -> memref<128x128xf32, #tpu.memory_space<vmem>>
          %dma_start3A_89 = arith.constant 0 : i32
          %dma_start3A_90 = tpu.memref_slice %arg7[%run_scoped3A, %dma_start3A_89] : memref<2x128xi32, #tpu.memory_space<vmem>> -> memref<1x128xi32, #tpu.memory_space<vmem>>
          %dma_start3A_91 = tpu.memref_squeeze %dma_start3A_90 : memref<1x128xi32, #tpu.memory_space<vmem>> -> memref<128xi32, #tpu.memory_space<vmem>>
          %dma_start3A_92 = arith.constant 0 : i32
          %dma_start3A_93 = arith.constant 0 : i32
          %dma_start3A_94 = tpu.memref_slice %arg9[%dma_start3A_92, %dma_start3A_93] : memref<10240x128xf32, #tpu.memory_space<vmem_shared>> -> memref<10240x128xf32, #tpu.memory_space<vmem_shared>>
          tpu.enqueue_indirect_dma source(%dma_start3A_88 : memref<128x128xf32, #tpu.memory_space<vmem>>) target(%dma_start3A_94 : memref<10240x128xf32, #tpu.memory_space<vmem_shared>>) offsets(%dma_start3A_91 : memref<128xi32, #tpu.memory_space<vmem>>) semaphore(%run_scoped3A_86 : memref<!tpu.dma_semaphore, #tpu.memory_space<semaphore_mem>>) {add = true}
          %dma_wait3A_95 = arith.constant 128 : i32
          %dma_wait3A_96 = arith.constant 0 : i32
          %dma_wait3A_97 = tpu.memref_slice %arg8[%dma_wait3A_95, %dma_wait3A_96] : memref<256x128xf32, #tpu.memory_space<vmem>> -> memref<128x128xf32, #tpu.memory_space<vmem>>
          %dma_wait3A_98 = arith.constant 0 : i32
          %dma_wait3A_99 = tpu.memref_slice %arg7[%run_scoped3A, %dma_wait3A_98] : memref<2x128xi32, #tpu.memory_space<vmem>> -> memref<1x128xi32, #tpu.memory_space<vmem>>
          %dma_wait3A_100 = tpu.memref_squeeze %dma_wait3A_99 : memref<1x128xi32, #tpu.memory_space<vmem>> -> memref<128xi32, #tpu.memory_space<vmem>>
          %dma_wait3A_101 = arith.constant 0 : i32
          %dma_wait3A_102 = arith.constant 0 : i32
          %dma_wait3A_103 = tpu.memref_slice %arg9[%dma_wait3A_101, %dma_wait3A_102] : memref<10240x128xf32, #tpu.memory_space<vmem_shared>> -> memref<10240x128xf32, #tpu.memory_space<vmem_shared>>
          tpu.wait_indirect_dma semaphore(%run_scoped3A_86 : memref<!tpu.dma_semaphore, #tpu.memory_space<semaphore_mem>>) src(%dma_wait3A_97 : memref<128x128xf32, #tpu.memory_space<vmem>>) dst(%dma_wait3A_103 : memref<10240x128xf32, #tpu.memory_space<vmem_shared>>)
          tpu.yield
        }) : () -> ()
        %add3A_80 = arith.constant 2 : i32
        %add3A_81 = arith.addi %add3A_60, %add3A_80 : i32
        %lt3A_82 = arith.cmpi slt, %add3A_81, %select_n3A : i32
        %convert_element_type3A_83 = arith.extui %lt3A_82 : i1 to i32
        %cond3A_84 = arith.constant 0 : i32
        %cond3A_85 = arith.cmpi ne, %convert_element_type3A_83, %cond3A_84 : i32
        scf.if %cond3A_85 {
          %add3A_86 = arith.constant 2 : i32
          %add3A_87 = arith.addi %add3A_60, %add3A_86 : i32
          %add3A_88 = arith.addi %select_n3A_10, %add3A_87 : i32
          %dma_start3A = arith.constant 0 : i32
          %dma_start3A_89 = arith.constant 0 : i32
          %dma_start3A_90 = tpu.memref_slice %arg3[%dma_start3A, %add3A_88, %dma_start3A_89] : memref<2x2560x128xi32, #tpu.memory_space<hbm>> -> memref<2x1x128xi32, #tpu.memory_space<hbm>>
          %dma_start3A_91 = tpu.memref_squeeze %dma_start3A_90 : memref<2x1x128xi32, #tpu.memory_space<hbm>> -> memref<2x128xi32, #tpu.memory_space<hbm>>
          %dma_start3A_92 = arith.constant 0 : i32
          %dma_start3A_93 = arith.constant 0 : i32
          %dma_start3A_94 = tpu.memref_slice %arg3[%dma_start3A_92, %add3A_88, %dma_start3A_93] : memref<2x2560x128xi32, #tpu.memory_space<hbm>> -> memref<2x1x128xi32, #tpu.memory_space<hbm>>
          %dma_start3A_95 = tpu.memref_squeeze %dma_start3A_94 : memref<2x1x128xi32, #tpu.memory_space<hbm>> -> memref<2x128xi32, #tpu.memory_space<hbm>>
          tpu.enqueue_dma source(%dma_start3A_95 : memref<2x128xi32, #tpu.memory_space<hbm>>) target(%arg7 : memref<2x128xi32, #tpu.memory_space<vmem>>) target_semaphore(%arg13 : memref<!tpu.dma_semaphore, #tpu.memory_space<semaphore_mem>>)
        } else {
        }
      } else {
      }
    }
    %scan3A_27 = arith.constant 40 : i32
    %barrier3A_28 = arith.constant 0 : index
    tpu.barrier barrier_id(%barrier3A_28)
    %add3A_29 = arith.constant 0 : i32
    %add3A_30 = arith.addi %mul3A_0, %add3A_29 : i32
    "tpu.region"() ({
      %run_scoped3A = tpu.sem_alloc : memref<!tpu.dma_semaphore, #tpu.memory_space<semaphore_mem>>
      %dma_start3A = arith.constant 0 : i32
      %dma_start3A_49 = arith.constant 0 : i32
      %dma_start3A_50 = tpu.memref_slice %arg8[%dma_start3A, %dma_start3A_49] : memref<256x128xf32, #tpu.memory_space<vmem>> -> memref<128x128xf32, #tpu.memory_space<vmem>>
      %dma_start3A_51 = arith.constant 0 : i32
      %dma_start3A_52 = tpu.memref_slice %arg9[%add3A_30, %dma_start3A_51] : memref<10240x128xf32, #tpu.memory_space<vmem_shared>> -> memref<128x128xf32, #tpu.memory_space<vmem_shared>>
      %dma_start3A_53 = arith.constant 0 : i32
      %dma_start3A_54 = arith.constant 0 : i32
      %dma_start3A_55 = tpu.memref_slice %arg8[%dma_start3A_53, %dma_start3A_54] : memref<256x128xf32, #tpu.memory_space<vmem>> -> memref<128x128xf32, #tpu.memory_space<vmem>>
      %dma_start3A_56 = arith.constant 0 : i32
      %dma_start3A_57 = tpu.memref_slice %arg9[%add3A_30, %dma_start3A_56] : memref<10240x128xf32, #tpu.memory_space<vmem_shared>> -> memref<128x128xf32, #tpu.memory_space<vmem_shared>>
      tpu.enqueue_dma source(%dma_start3A_57 : memref<128x128xf32, #tpu.memory_space<vmem_shared>>) target(%dma_start3A_55 : memref<128x128xf32, #tpu.memory_space<vmem>>) target_semaphore(%run_scoped3A : memref<!tpu.dma_semaphore, #tpu.memory_space<semaphore_mem>>)
      %dma_wait3A = arith.constant 0 : i32
      %dma_wait3A_58 = arith.constant 0 : i32
      %dma_wait3A_59 = tpu.memref_slice %arg8[%dma_wait3A, %dma_wait3A_58] : memref<256x128xf32, #tpu.memory_space<vmem>> -> memref<128x128xf32, #tpu.memory_space<vmem>>
      %dma_wait3A_60 = arith.constant 0 : i32
      %dma_wait3A_61 = tpu.memref_slice %arg9[%add3A_30, %dma_wait3A_60] : memref<10240x128xf32, #tpu.memory_space<vmem_shared>> -> memref<128x128xf32, #tpu.memory_space<vmem_shared>>
      %dma_wait3A_62 = arith.constant 0 : i32
      %dma_wait3A_63 = arith.constant 0 : i32
      %dma_wait3A_64 = tpu.memref_slice %arg8[%dma_wait3A_62, %dma_wait3A_63] : memref<256x128xf32, #tpu.memory_space<vmem>> -> memref<128x128xf32, #tpu.memory_space<vmem>>
      %dma_wait3A_65 = arith.constant 0 : i32
      %dma_wait3A_66 = tpu.memref_slice %arg9[%add3A_30, %dma_wait3A_65] : memref<10240x128xf32, #tpu.memory_space<vmem_shared>> -> memref<128x128xf32, #tpu.memory_space<vmem_shared>>
      tpu.wait_dma2 semaphore(%run_scoped3A : memref<!tpu.dma_semaphore, #tpu.memory_space<semaphore_mem>>) src(%dma_wait3A_66 : memref<128x128xf32, #tpu.memory_space<vmem_shared>>) dst(%dma_wait3A_64 : memref<128x128xf32, #tpu.memory_space<vmem>>)
      tpu.yield
    }) : () -> ()
    %add3A_31 = arith.constant 0 : i32
    %add3A_32 = arith.addi %mul3A_0, %add3A_31 : i32
    "tpu.region"() ({
      %run_scoped3A = tpu.sem_alloc : memref<!tpu.dma_semaphore, #tpu.memory_space<semaphore_mem>>
      %dma_start3A = arith.constant 0 : i32
      %dma_start3A_49 = arith.constant 0 : i32
      %dma_start3A_50 = tpu.memref_slice %arg8[%dma_start3A, %dma_start3A_49] : memref<256x128xf32, #tpu.memory_space<vmem>> -> memref<128x128xf32, #tpu.memory_space<vmem>>
      %dma_start3A_51 = arith.constant 0 : i32
      %dma_start3A_52 = tpu.memref_slice %arg5[%arg0, %add3A_32, %dma_start3A_51] : memref<2x10240x128xf32, #tpu.memory_space<hbm>> -> memref<1x128x128xf32, #tpu.memory_space<hbm>>
      %dma_start3A_53 = tpu.memref_squeeze %dma_start3A_52 : memref<1x128x128xf32, #tpu.memory_space<hbm>> -> memref<128x128xf32, #tpu.memory_space<hbm>>
      %dma_start3A_54 = arith.constant 0 : i32
      %dma_start3A_55 = tpu.memref_slice %arg5[%arg0, %add3A_32, %dma_start3A_54] : memref<2x10240x128xf32, #tpu.memory_space<hbm>> -> memref<1x128x128xf32, #tpu.memory_space<hbm>>
      %dma_start3A_56 = tpu.memref_squeeze %dma_start3A_55 : memref<1x128x128xf32, #tpu.memory_space<hbm>> -> memref<128x128xf32, #tpu.memory_space<hbm>>
      %dma_start3A_57 = arith.constant 0 : i32
      %dma_start3A_58 = arith.constant 0 : i32
      %dma_start3A_59 = tpu.memref_slice %arg8[%dma_start3A_57, %dma_start3A_58] : memref<256x128xf32, #tpu.memory_space<vmem>> -> memref<128x128xf32, #tpu.memory_space<vmem>>
      tpu.enqueue_dma source(%dma_start3A_59 : memref<128x128xf32, #tpu.memory_space<vmem>>) target(%dma_start3A_56 : memref<128x128xf32, #tpu.memory_space<hbm>>) target_semaphore(%run_scoped3A : memref<!tpu.dma_semaphore, #tpu.memory_space<semaphore_mem>>)
      %dma_wait3A = arith.constant 0 : i32
      %dma_wait3A_60 = arith.constant 0 : i32
      %dma_wait3A_61 = tpu.memref_slice %arg8[%dma_wait3A, %dma_wait3A_60] : memref<256x128xf32, #tpu.memory_space<vmem>> -> memref<128x128xf32, #tpu.memory_space<vmem>>
      %dma_wait3A_62 = arith.constant 0 : i32
      %dma_wait3A_63 = tpu.memref_slice %arg5[%arg0, %add3A_32, %dma_wait3A_62] : memref<2x10240x128xf32, #tpu.memory_space<hbm>> -> memref<1x128x128xf32, #tpu.memory_space<hbm>>
      %dma_wait3A_64 = tpu.memref_squeeze %dma_wait3A_63 : memref<1x128x128xf32, #tpu.memory_space<hbm>> -> memref<128x128xf32, #tpu.memory_space<hbm>>
      %dma_wait3A_65 = arith.constant 0 : i32
      %dma_wait3A_66 = tpu.memref_slice %arg5[%arg0, %add3A_32, %dma_wait3A_65] : memref<2x10240x128xf32, #tpu.memory_space<hbm>> -> memref<1x128x128xf32, #tpu.memory_space<hbm>>
      %dma_wait3A_67 = tpu.memref_squeeze %dma_wait3A_66 : memref<1x128x128xf32, #tpu.memory_space<hbm>> -> memref<128x128xf32, #tpu.memory_space<hbm>>
      %dma_wait3A_68 = arith.constant 0 : i32
      %dma_wait3A_69 = arith.constant 0 : i32
      %dma_wait3A_70 = tpu.memref_slice %arg8[%dma_wait3A_68, %dma_wait3A_69] : memref<256x128xf32, #tpu.memory_space<vmem>> -> memref<128x128xf32, #tpu.memory_space<vmem>>
      tpu.wait_dma2 semaphore(%run_scoped3A : memref<!tpu.dma_semaphore, #tpu.memory_space<semaphore_mem>>) src(%dma_wait3A_70 : memref<128x128xf32, #tpu.memory_space<vmem>>) dst(%dma_wait3A_67 : memref<128x128xf32, #tpu.memory_space<hbm>>)
      tpu.yield
    }) : () -> ()
    %add3A_33 = arith.constant 128 : i32
    %add3A_34 = arith.addi %mul3A_0, %add3A_33 : i32
    "tpu.region"() ({
      %run_scoped3A = tpu.sem_alloc : memref<!tpu.dma_semaphore, #tpu.memory_space<semaphore_mem>>
      %dma_start3A = arith.constant 0 : i32
      %dma_start3A_49 = arith.constant 0 : i32
      %dma_start3A_50 = tpu.memref_slice %arg8[%dma_start3A, %dma_start3A_49] : memref<256x128xf32, #tpu.memory_space<vmem>> -> memref<128x128xf32, #tpu.memory_space<vmem>>
      %dma_start3A_51 = arith.constant 0 : i32
      %dma_start3A_52 = tpu.memref_slice %arg9[%add3A_34, %dma_start3A_51] : memref<10240x128xf32, #tpu.memory_space<vmem_shared>> -> memref<128x128xf32, #tpu.memory_space<vmem_shared>>
      %dma_start3A_53 = arith.constant 0 : i32
      %dma_start3A_54 = arith.constant 0 : i32
      %dma_start3A_55 = tpu.memref_slice %arg8[%dma_start3A_53, %dma_start3A_54] : memref<256x128xf32, #tpu.memory_space<vmem>> -> memref<128x128xf32, #tpu.memory_space<vmem>>
      %dma_start3A_56 = arith.constant 0 : i32
      %dma_start3A_57 = tpu.memref_slice %arg9[%add3A_34, %dma_start3A_56] : memref<10240x128xf32, #tpu.memory_space<vmem_shared>> -> memref<128x128xf32, #tpu.memory_space<vmem_shared>>
      tpu.enqueue_dma source(%dma_start3A_57 : memref<128x128xf32, #tpu.memory_space<vmem_shared>>) target(%dma_start3A_55 : memref<128x128xf32, #tpu.memory_space<vmem>>) target_semaphore(%run_scoped3A : memref<!tpu.dma_semaphore, #tpu.memory_space<semaphore_mem>>)
      %dma_wait3A = arith.constant 0 : i32
      %dma_wait3A_58 = arith.constant 0 : i32
      %dma_wait3A_59 = tpu.memref_slice %arg8[%dma_wait3A, %dma_wait3A_58] : memref<256x128xf32, #tpu.memory_space<vmem>> -> memref<128x128xf32, #tpu.memory_space<vmem>>
      %dma_wait3A_60 = arith.constant 0 : i32
      %dma_wait3A_61 = tpu.memref_slice %arg9[%add3A_34, %dma_wait3A_60] : memref<10240x128xf32, #tpu.memory_space<vmem_shared>> -> memref<128x128xf32, #tpu.memory_space<vmem_shared>>
      %dma_wait3A_62 = arith.constant 0 : i32
      %dma_wait3A_63 = arith.constant 0 : i32
      %dma_wait3A_64 = tpu.memref_slice %arg8[%dma_wait3A_62, %dma_wait3A_63] : memref<256x128xf32, #tpu.memory_space<vmem>> -> memref<128x128xf32, #tpu.memory_space<vmem>>
      %dma_wait3A_65 = arith.constant 0 : i32
      %dma_wait3A_66 = tpu.memref_slice %arg9[%add3A_34, %dma_wait3A_65] : memref<10240x128xf32, #tpu.memory_space<vmem_shared>> -> memref<128x128xf32, #tpu.memory_space<vmem_shared>>
      tpu.wait_dma2 semaphore(%run_scoped3A : memref<!tpu.dma_semaphore, #tpu.memory_space<semaphore_mem>>) src(%dma_wait3A_66 : memref<128x128xf32, #tpu.memory_space<vmem_shared>>) dst(%dma_wait3A_64 : memref<128x128xf32, #tpu.memory_space<vmem>>)
      tpu.yield
    }) : () -> ()
    %add3A_35 = arith.constant 128 : i32
    %add3A_36 = arith.addi %mul3A_0, %add3A_35 : i32
    "tpu.region"() ({
      %run_scoped3A = tpu.sem_alloc : memref<!tpu.dma_semaphore, #tpu.memory_space<semaphore_mem>>
      %dma_start3A = arith.constant 0 : i32
      %dma_start3A_49 = arith.constant 0 : i32
      %dma_start3A_50 = tpu.memref_slice %arg8[%dma_start3A, %dma_start3A_49] : memref<256x128xf32, #tpu.memory_space<vmem>> -> memref<128x128xf32, #tpu.memory_space<vmem>>
      %dma_start3A_51 = arith.constant 0 : i32
      %dma_start3A_52 = tpu.memref_slice %arg5[%arg0, %add3A_36, %dma_start3A_51] : memref<2x10240x128xf32, #tpu.memory_space<hbm>> -> memref<1x128x128xf32, #tpu.memory_space<hbm>>
      %dma_start3A_53 = tpu.memref_squeeze %dma_start3A_52 : memref<1x128x128xf32, #tpu.memory_space<hbm>> -> memref<128x128xf32, #tpu.memory_space<hbm>>
      %dma_start3A_54 = arith.constant 0 : i32
      %dma_start3A_55 = tpu.memref_slice %arg5[%arg0, %add3A_36, %dma_start3A_54] : memref<2x10240x128xf32, #tpu.memory_space<hbm>> -> memref<1x128x128xf32, #tpu.memory_space<hbm>>
      %dma_start3A_56 = tpu.memref_squeeze %dma_start3A_55 : memref<1x128x128xf32, #tpu.memory_space<hbm>> -> memref<128x128xf32, #tpu.memory_space<hbm>>
      %dma_start3A_57 = arith.constant 0 : i32
      %dma_start3A_58 = arith.constant 0 : i32
      %dma_start3A_59 = tpu.memref_slice %arg8[%dma_start3A_57, %dma_start3A_58] : memref<256x128xf32, #tpu.memory_space<vmem>> -> memref<128x128xf32, #tpu.memory_space<vmem>>
      tpu.enqueue_dma source(%dma_start3A_59 : memref<128x128xf32, #tpu.memory_space<vmem>>) target(%dma_start3A_56 : memref<128x128xf32, #tpu.memory_space<hbm>>) target_semaphore(%run_scoped3A : memref<!tpu.dma_semaphore, #tpu.memory_space<semaphore_mem>>)
      %dma_wait3A = arith.constant 0 : i32
      %dma_wait3A_60 = arith.constant 0 : i32
      %dma_wait3A_61 = tpu.memref_slice %arg8[%dma_wait3A, %dma_wait3A_60] : memref<256x128xf32, #tpu.memory_space<vmem>> -> memref<128x128xf32, #tpu.memory_space<vmem>>
      %dma_wait3A_62 = arith.constant 0 : i32
      %dma_wait3A_63 = tpu.memref_slice %arg5[%arg0, %add3A_36, %dma_wait3A_62] : memref<2x10240x128xf32, #tpu.memory_space<hbm>> -> memref<1x128x128xf32, #tpu.memory_space<hbm>>
      %dma_wait3A_64 = tpu.memref_squeeze %dma_wait3A_63 : memref<1x128x128xf32, #tpu.memory_space<hbm>> -> memref<128x128xf32, #tpu.memory_space<hbm>>
      %dma_wait3A_65 = arith.constant 0 : i32
      %dma_wait3A_66 = tpu.memref_slice %arg5[%arg0, %add3A_36, %dma_wait3A_65] : memref<2x10240x128xf32, #tpu.memory_space<hbm>> -> memref<1x128x128xf32, #tpu.memory_space<hbm>>
      %dma_wait3A_67 = tpu.memref_squeeze %dma_wait3A_66 : memref<1x128x128xf32, #tpu.memory_space<hbm>> -> memref<128x128xf32, #tpu.memory_space<hbm>>
      %dma_wait3A_68 = arith.constant 0 : i32
      %dma_wait3A_69 = arith.constant 0 : i32
      %dma_wait3A_70 = tpu.memref_slice %arg8[%dma_wait3A_68, %dma_wait3A_69] : memref<256x128xf32, #tpu.memory_space<vmem>> -> memref<128x128xf32, #tpu.memory_space<vmem>>
      tpu.wait_dma2 semaphore(%run_scoped3A : memref<!tpu.dma_semaphore, #tpu.memory_space<semaphore_mem>>) src(%dma_wait3A_70 : memref<128x128xf32, #tpu.memory_space<vmem>>) dst(%dma_wait3A_67 : memref<128x128xf32, #tpu.memory_space<hbm>>)
      tpu.yield
    }) : () -> ()
    %add3A_37 = arith.constant 256 : i32
    %add3A_38 = arith.addi %mul3A_0, %add3A_37 : i32
    "tpu.region"() ({
      %run_scoped3A = tpu.sem_alloc : memref<!tpu.dma_semaphore, #tpu.memory_space<semaphore_mem>>
      %dma_start3A = arith.constant 0 : i32
      %dma_start3A_49 = arith.constant 0 : i32
      %dma_start3A_50 = tpu.memref_slice %arg8[%dma_start3A, %dma_start3A_49] : memref<256x128xf32, #tpu.memory_space<vmem>> -> memref<128x128xf32, #tpu.memory_space<vmem>>
      %dma_start3A_51 = arith.constant 0 : i32
      %dma_start3A_52 = tpu.memref_slice %arg9[%add3A_38, %dma_start3A_51] : memref<10240x128xf32, #tpu.memory_space<vmem_shared>> -> memref<128x128xf32, #tpu.memory_space<vmem_shared>>
      %dma_start3A_53 = arith.constant 0 : i32
      %dma_start3A_54 = arith.constant 0 : i32
      %dma_start3A_55 = tpu.memref_slice %arg8[%dma_start3A_53, %dma_start3A_54] : memref<256x128xf32, #tpu.memory_space<vmem>> -> memref<128x128xf32, #tpu.memory_space<vmem>>
      %dma_start3A_56 = arith.constant 0 : i32
      %dma_start3A_57 = tpu.memref_slice %arg9[%add3A_38, %dma_start3A_56] : memref<10240x128xf32, #tpu.memory_space<vmem_shared>> -> memref<128x128xf32, #tpu.memory_space<vmem_shared>>
      tpu.enqueue_dma source(%dma_start3A_57 : memref<128x128xf32, #tpu.memory_space<vmem_shared>>) target(%dma_start3A_55 : memref<128x128xf32, #tpu.memory_space<vmem>>) target_semaphore(%run_scoped3A : memref<!tpu.dma_semaphore, #tpu.memory_space<semaphore_mem>>)
      %dma_wait3A = arith.constant 0 : i32
      %dma_wait3A_58 = arith.constant 0 : i32
      %dma_wait3A_59 = tpu.memref_slice %arg8[%dma_wait3A, %dma_wait3A_58] : memref<256x128xf32, #tpu.memory_space<vmem>> -> memref<128x128xf32, #tpu.memory_space<vmem>>
      %dma_wait3A_60 = arith.constant 0 : i32
      %dma_wait3A_61 = tpu.memref_slice %arg9[%add3A_38, %dma_wait3A_60] : memref<10240x128xf32, #tpu.memory_space<vmem_shared>> -> memref<128x128xf32, #tpu.memory_space<vmem_shared>>
      %dma_wait3A_62 = arith.constant 0 : i32
      %dma_wait3A_63 = arith.constant 0 : i32
      %dma_wait3A_64 = tpu.memref_slice %arg8[%dma_wait3A_62, %dma_wait3A_63] : memref<256x128xf32, #tpu.memory_space<vmem>> -> memref<128x128xf32, #tpu.memory_space<vmem>>
      %dma_wait3A_65 = arith.constant 0 : i32
      %dma_wait3A_66 = tpu.memref_slice %arg9[%add3A_38, %dma_wait3A_65] : memref<10240x128xf32, #tpu.memory_space<vmem_shared>> -> memref<128x128xf32, #tpu.memory_space<vmem_shared>>
      tpu.wait_dma2 semaphore(%run_scoped3A : memref<!tpu.dma_semaphore, #tpu.memory_space<semaphore_mem>>) src(%dma_wait3A_66 : memref<128x128xf32, #tpu.memory_space<vmem_shared>>) dst(%dma_wait3A_64 : memref<128x128xf32, #tpu.memory_space<vmem>>)
      tpu.yield
    }) : () -> ()
    %add3A_39 = arith.constant 256 : i32
    %add3A_40 = arith.addi %mul3A_0, %add3A_39 : i32
    "tpu.region"() ({
      %run_scoped3A = tpu.sem_alloc : memref<!tpu.dma_semaphore, #tpu.memory_space<semaphore_mem>>
      %dma_start3A = arith.constant 0 : i32
      %dma_start3A_49 = arith.constant 0 : i32
      %dma_start3A_50 = tpu.memref_slice %arg8[%dma_start3A, %dma_start3A_49] : memref<256x128xf32, #tpu.memory_space<vmem>> -> memref<128x128xf32, #tpu.memory_space<vmem>>
      %dma_start3A_51 = arith.constant 0 : i32
      %dma_start3A_52 = tpu.memref_slice %arg5[%arg0, %add3A_40, %dma_start3A_51] : memref<2x10240x128xf32, #tpu.memory_space<hbm>> -> memref<1x128x128xf32, #tpu.memory_space<hbm>>
      %dma_start3A_53 = tpu.memref_squeeze %dma_start3A_52 : memref<1x128x128xf32, #tpu.memory_space<hbm>> -> memref<128x128xf32, #tpu.memory_space<hbm>>
      %dma_start3A_54 = arith.constant 0 : i32
      %dma_start3A_55 = tpu.memref_slice %arg5[%arg0, %add3A_40, %dma_start3A_54] : memref<2x10240x128xf32, #tpu.memory_space<hbm>> -> memref<1x128x128xf32, #tpu.memory_space<hbm>>
      %dma_start3A_56 = tpu.memref_squeeze %dma_start3A_55 : memref<1x128x128xf32, #tpu.memory_space<hbm>> -> memref<128x128xf32, #tpu.memory_space<hbm>>
      %dma_start3A_57 = arith.constant 0 : i32
      %dma_start3A_58 = arith.constant 0 : i32
      %dma_start3A_59 = tpu.memref_slice %arg8[%dma_start3A_57, %dma_start3A_58] : memref<256x128xf32, #tpu.memory_space<vmem>> -> memref<128x128xf32, #tpu.memory_space<vmem>>
      tpu.enqueue_dma source(%dma_start3A_59 : memref<128x128xf32, #tpu.memory_space<vmem>>) target(%dma_start3A_56 : memref<128x128xf32, #tpu.memory_space<hbm>>) target_semaphore(%run_scoped3A : memref<!tpu.dma_semaphore, #tpu.memory_space<semaphore_mem>>)
      %dma_wait3A = arith.constant 0 : i32
      %dma_wait3A_60 = arith.constant 0 : i32
      %dma_wait3A_61 = tpu.memref_slice %arg8[%dma_wait3A, %dma_wait3A_60] : memref<256x128xf32, #tpu.memory_space<vmem>> -> memref<128x128xf32, #tpu.memory_space<vmem>>
      %dma_wait3A_62 = arith.constant 0 : i32
      %dma_wait3A_63 = tpu.memref_slice %arg5[%arg0, %add3A_40, %dma_wait3A_62] : memref<2x10240x128xf32, #tpu.memory_space<hbm>> -> memref<1x128x128xf32, #tpu.memory_space<hbm>>
      %dma_wait3A_64 = tpu.memref_squeeze %dma_wait3A_63 : memref<1x128x128xf32, #tpu.memory_space<hbm>> -> memref<128x128xf32, #tpu.memory_space<hbm>>
      %dma_wait3A_65 = arith.constant 0 : i32
      %dma_wait3A_66 = tpu.memref_slice %arg5[%arg0, %add3A_40, %dma_wait3A_65] : memref<2x10240x128xf32, #tpu.memory_space<hbm>> -> memref<1x128x128xf32, #tpu.memory_space<hbm>>
      %dma_wait3A_67 = tpu.memref_squeeze %dma_wait3A_66 : memref<1x128x128xf32, #tpu.memory_space<hbm>> -> memref<128x128xf32, #tpu.memory_space<hbm>>
      %dma_wait3A_68 = arith.constant 0 : i32
      %dma_wait3A_69 = arith.constant 0 : i32
      %dma_wait3A_70 = tpu.memref_slice %arg8[%dma_wait3A_68, %dma_wait3A_69] : memref<256x128xf32, #tpu.memory_space<vmem>> -> memref<128x128xf32, #tpu.memory_space<vmem>>
      tpu.wait_dma2 semaphore(%run_scoped3A : memref<!tpu.dma_semaphore, #tpu.memory_space<semaphore_mem>>) src(%dma_wait3A_70 : memref<128x128xf32, #tpu.memory_space<vmem>>) dst(%dma_wait3A_67 : memref<128x128xf32, #tpu.memory_space<hbm>>)
      tpu.yield
    }) : () -> ()
    %add3A_41 = arith.constant 384 : i32
    %add3A_42 = arith.addi %mul3A_0, %add3A_41 : i32
    "tpu.region"() ({
      %run_scoped3A = tpu.sem_alloc : memref<!tpu.dma_semaphore, #tpu.memory_space<semaphore_mem>>
      %dma_start3A = arith.constant 0 : i32
      %dma_start3A_49 = arith.constant 0 : i32
      %dma_start3A_50 = tpu.memref_slice %arg8[%dma_start3A, %dma_start3A_49] : memref<256x128xf32, #tpu.memory_space<vmem>> -> memref<128x128xf32, #tpu.memory_space<vmem>>
      %dma_start3A_51 = arith.constant 0 : i32
      %dma_start3A_52 = tpu.memref_slice %arg9[%add3A_42, %dma_start3A_51] : memref<10240x128xf32, #tpu.memory_space<vmem_shared>> -> memref<128x128xf32, #tpu.memory_space<vmem_shared>>
      %dma_start3A_53 = arith.constant 0 : i32
      %dma_start3A_54 = arith.constant 0 : i32
      %dma_start3A_55 = tpu.memref_slice %arg8[%dma_start3A_53, %dma_start3A_54] : memref<256x128xf32, #tpu.memory_space<vmem>> -> memref<128x128xf32, #tpu.memory_space<vmem>>
      %dma_start3A_56 = arith.constant 0 : i32
      %dma_start3A_57 = tpu.memref_slice %arg9[%add3A_42, %dma_start3A_56] : memref<10240x128xf32, #tpu.memory_space<vmem_shared>> -> memref<128x128xf32, #tpu.memory_space<vmem_shared>>
      tpu.enqueue_dma source(%dma_start3A_57 : memref<128x128xf32, #tpu.memory_space<vmem_shared>>) target(%dma_start3A_55 : memref<128x128xf32, #tpu.memory_space<vmem>>) target_semaphore(%run_scoped3A : memref<!tpu.dma_semaphore, #tpu.memory_space<semaphore_mem>>)
      %dma_wait3A = arith.constant 0 : i32
      %dma_wait3A_58 = arith.constant 0 : i32
      %dma_wait3A_59 = tpu.memref_slice %arg8[%dma_wait3A, %dma_wait3A_58] : memref<256x128xf32, #tpu.memory_space<vmem>> -> memref<128x128xf32, #tpu.memory_space<vmem>>
      %dma_wait3A_60 = arith.constant 0 : i32
      %dma_wait3A_61 = tpu.memref_slice %arg9[%add3A_42, %dma_wait3A_60] : memref<10240x128xf32, #tpu.memory_space<vmem_shared>> -> memref<128x128xf32, #tpu.memory_space<vmem_shared>>
      %dma_wait3A_62 = arith.constant 0 : i32
      %dma_wait3A_63 = arith.constant 0 : i32
      %dma_wait3A_64 = tpu.memref_slice %arg8[%dma_wait3A_62, %dma_wait3A_63] : memref<256x128xf32, #tpu.memory_space<vmem>> -> memref<128x128xf32, #tpu.memory_space<vmem>>
      %dma_wait3A_65 = arith.constant 0 : i32
      %dma_wait3A_66 = tpu.memref_slice %arg9[%add3A_42, %dma_wait3A_65] : memref<10240x128xf32, #tpu.memory_space<vmem_shared>> -> memref<128x128xf32, #tpu.memory_space<vmem_shared>>
      tpu.wait_dma2 semaphore(%run_scoped3A : memref<!tpu.dma_semaphore, #tpu.memory_space<semaphore_mem>>) src(%dma_wait3A_66 : memref<128x128xf32, #tpu.memory_space<vmem_shared>>) dst(%dma_wait3A_64 : memref<128x128xf32, #tpu.memory_space<vmem>>)
      tpu.yield
    }) : () -> ()
    %add3A_43 = arith.constant 384 : i32
    %add3A_44 = arith.addi %mul3A_0, %add3A_43 : i32
    "tpu.region"() ({
      %run_scoped3A = tpu.sem_alloc : memref<!tpu.dma_semaphore, #tpu.memory_space<semaphore_mem>>
      %dma_start3A = arith.constant 0 : i32
      %dma_start3A_49 = arith.constant 0 : i32
      %dma_start3A_50 = tpu.memref_slice %arg8[%dma_start3A, %dma_start3A_49] : memref<256x128xf32, #tpu.memory_space<vmem>> -> memref<128x128xf32, #tpu.memory_space<vmem>>
      %dma_start3A_51 = arith.constant 0 : i32
      %dma_start3A_52 = tpu.memref_slice %arg5[%arg0, %add3A_44, %dma_start3A_51] : memref<2x10240x128xf32, #tpu.memory_space<hbm>> -> memref<1x128x128xf32, #tpu.memory_space<hbm>>
      %dma_start3A_53 = tpu.memref_squeeze %dma_start3A_52 : memref<1x128x128xf32, #tpu.memory_space<hbm>> -> memref<128x128xf32, #tpu.memory_space<hbm>>
      %dma_start3A_54 = arith.constant 0 : i32
      %dma_start3A_55 = tpu.memref_slice %arg5[%arg0, %add3A_44, %dma_start3A_54] : memref<2x10240x128xf32, #tpu.memory_space<hbm>> -> memref<1x128x128xf32, #tpu.memory_space<hbm>>
      %dma_start3A_56 = tpu.memref_squeeze %dma_start3A_55 : memref<1x128x128xf32, #tpu.memory_space<hbm>> -> memref<128x128xf32, #tpu.memory_space<hbm>>
      %dma_start3A_57 = arith.constant 0 : i32
      %dma_start3A_58 = arith.constant 0 : i32
      %dma_start3A_59 = tpu.memref_slice %arg8[%dma_start3A_57, %dma_start3A_58] : memref<256x128xf32, #tpu.memory_space<vmem>> -> memref<128x128xf32, #tpu.memory_space<vmem>>
      tpu.enqueue_dma source(%dma_start3A_59 : memref<128x128xf32, #tpu.memory_space<vmem>>) target(%dma_start3A_56 : memref<128x128xf32, #tpu.memory_space<hbm>>) target_semaphore(%run_scoped3A : memref<!tpu.dma_semaphore, #tpu.memory_space<semaphore_mem>>)
      %dma_wait3A = arith.constant 0 : i32
      %dma_wait3A_60 = arith.constant 0 : i32
      %dma_wait3A_61 = tpu.memref_slice %arg8[%dma_wait3A, %dma_wait3A_60] : memref<256x128xf32, #tpu.memory_space<vmem>> -> memref<128x128xf32, #tpu.memory_space<vmem>>
      %dma_wait3A_62 = arith.constant 0 : i32
      %dma_wait3A_63 = tpu.memref_slice %arg5[%arg0, %add3A_44, %dma_wait3A_62] : memref<2x10240x128xf32, #tpu.memory_space<hbm>> -> memref<1x128x128xf32, #tpu.memory_space<hbm>>
      %dma_wait3A_64 = tpu.memref_squeeze %dma_wait3A_63 : memref<1x128x128xf32, #tpu.memory_space<hbm>> -> memref<128x128xf32, #tpu.memory_space<hbm>>
      %dma_wait3A_65 = arith.constant 0 : i32
      %dma_wait3A_66 = tpu.memref_slice %arg5[%arg0, %add3A_44, %dma_wait3A_65] : memref<2x10240x128xf32, #tpu.memory_space<hbm>> -> memref<1x128x128xf32, #tpu.memory_space<hbm>>
      %dma_wait3A_67 = tpu.memref_squeeze %dma_wait3A_66 : memref<1x128x128xf32, #tpu.memory_space<hbm>> -> memref<128x128xf32, #tpu.memory_space<hbm>>
      %dma_wait3A_68 = arith.constant 0 : i32
      %dma_wait3A_69 = arith.constant 0 : i32
      %dma_wait3A_70 = tpu.memref_slice %arg8[%dma_wait3A_68, %dma_wait3A_69] : memref<256x128xf32, #tpu.memory_space<vmem>> -> memref<128x128xf32, #tpu.memory_space<vmem>>
      tpu.wait_dma2 semaphore(%run_scoped3A : memref<!tpu.dma_semaphore, #tpu.memory_space<semaphore_mem>>) src(%dma_wait3A_70 : memref<128x128xf32, #tpu.memory_space<vmem>>) dst(%dma_wait3A_67 : memref<128x128xf32, #tpu.memory_space<hbm>>)
      tpu.yield
    }) : () -> ()
    %add3A_45 = arith.constant 512 : i32
    %add3A_46 = arith.addi %mul3A_0, %add3A_45 : i32
    "tpu.region"() ({
      %run_scoped3A = tpu.sem_alloc : memref<!tpu.dma_semaphore, #tpu.memory_space<semaphore_mem>>
      %dma_start3A = arith.constant 0 : i32
      %dma_start3A_49 = arith.constant 0 : i32
      %dma_start3A_50 = tpu.memref_slice %arg8[%dma_start3A, %dma_start3A_49] : memref<256x128xf32, #tpu.memory_space<vmem>> -> memref<128x128xf32, #tpu.memory_space<vmem>>
      %dma_start3A_51 = arith.constant 0 : i32
      %dma_start3A_52 = tpu.memref_slice %arg9[%add3A_46, %dma_start3A_51] : memref<10240x128xf32, #tpu.memory_space<vmem_shared>> -> memref<128x128xf32, #tpu.memory_space<vmem_shared>>
      %dma_start3A_53 = arith.constant 0 : i32
      %dma_start3A_54 = arith.constant 0 : i32
      %dma_start3A_55 = tpu.memref_slice %arg8[%dma_start3A_53, %dma_start3A_54] : memref<256x128xf32, #tpu.memory_space<vmem>> -> memref<128x128xf32, #tpu.memory_space<vmem>>
      %dma_start3A_56 = arith.constant 0 : i32
      %dma_start3A_57 = tpu.memref_slice %arg9[%add3A_46, %dma_start3A_56] : memref<10240x128xf32, #tpu.memory_space<vmem_shared>> -> memref<128x128xf32, #tpu.memory_space<vmem_shared>>
      tpu.enqueue_dma source(%dma_start3A_57 : memref<128x128xf32, #tpu.memory_space<vmem_shared>>) target(%dma_start3A_55 : memref<128x128xf32, #tpu.memory_space<vmem>>) target_semaphore(%run_scoped3A : memref<!tpu.dma_semaphore, #tpu.memory_space<semaphore_mem>>)
      %dma_wait3A = arith.constant 0 : i32
      %dma_wait3A_58 = arith.constant 0 : i32
      %dma_wait3A_59 = tpu.memref_slice %arg8[%dma_wait3A, %dma_wait3A_58] : memref<256x128xf32, #tpu.memory_space<vmem>> -> memref<128x128xf32, #tpu.memory_space<vmem>>
      %dma_wait3A_60 = arith.constant 0 : i32
      %dma_wait3A_61 = tpu.memref_slice %arg9[%add3A_46, %dma_wait3A_60] : memref<10240x128xf32, #tpu.memory_space<vmem_shared>> -> memref<128x128xf32, #tpu.memory_space<vmem_shared>>
      %dma_wait3A_62 = arith.constant 0 : i32
      %dma_wait3A_63 = arith.constant 0 : i32
      %dma_wait3A_64 = tpu.memref_slice %arg8[%dma_wait3A_62, %dma_wait3A_63] : memref<256x128xf32, #tpu.memory_space<vmem>> -> memref<128x128xf32, #tpu.memory_space<vmem>>
      %dma_wait3A_65 = arith.constant 0 : i32
      %dma_wait3A_66 = tpu.memref_slice %arg9[%add3A_46, %dma_wait3A_65] : memref<10240x128xf32, #tpu.memory_space<vmem_shared>> -> memref<128x128xf32, #tpu.memory_space<vmem_shared>>
      tpu.wait_dma2 semaphore(%run_scoped3A : memref<!tpu.dma_semaphore, #tpu.memory_space<semaphore_mem>>) src(%dma_wait3A_66 : memref<128x128xf32, #tpu.memory_space<vmem_shared>>) dst(%dma_wait3A_64 : memref<128x128xf32, #tpu.memory_space<vmem>>)
      tpu.yield
    }) : () -> ()
    %add3A_47 = arith.constant 512 : i32
    %add3A_48 = arith.addi %mul3A_0, %add3A_47 : i32
    "tpu.region"() ({
      %run_scoped3A = tpu.sem_alloc : memref<!tpu.dma_semaphore, #tpu.memory_space<semaphore_mem>>
      %dma_start3A = arith.constant 0 : i32
      %dma_start3A_49 = arith.constant 0 : i32
      %dma_start3A_50 = tpu.memref_slice %arg8[%dma_start3A, %dma_start3A_49] : memref<256x128xf32, #tpu.memory_space<vmem>> -> memref<128x128xf32, #tpu.memory_space<vmem>>
      %dma_start3A_51 = arith.constant 0 : i32
      %dma_start3A_52 = tpu.memref_slice %arg5[%arg0, %add3A_48, %dma_start3A_51] : memref<2x10240x128xf32, #tpu.memory_space<hbm>> -> memref<1x128x128xf32, #tpu.memory_space<hbm>>
      %dma_start3A_53 = tpu.memref_squeeze %dma_start3A_52 : memref<1x128x128xf32, #tpu.memory_space<hbm>> -> memref<128x128xf32, #tpu.memory_space<hbm>>
      %dma_start3A_54 = arith.constant 0 : i32
      %dma_start3A_55 = tpu.memref_slice %arg5[%arg0, %add3A_48, %dma_start3A_54] : memref<2x10240x128xf32, #tpu.memory_space<hbm>> -> memref<1x128x128xf32, #tpu.memory_space<hbm>>
      %dma_start3A_56 = tpu.memref_squeeze %dma_start3A_55 : memref<1x128x128xf32, #tpu.memory_space<hbm>> -> memref<128x128xf32, #tpu.memory_space<hbm>>
      %dma_start3A_57 = arith.constant 0 : i32
      %dma_start3A_58 = arith.constant 0 : i32
      %dma_start3A_59 = tpu.memref_slice %arg8[%dma_start3A_57, %dma_start3A_58] : memref<256x128xf32, #tpu.memory_space<vmem>> -> memref<128x128xf32, #tpu.memory_space<vmem>>
      tpu.enqueue_dma source(%dma_start3A_59 : memref<128x128xf32, #tpu.memory_space<vmem>>) target(%dma_start3A_56 : memref<128x128xf32, #tpu.memory_space<hbm>>) target_semaphore(%run_scoped3A : memref<!tpu.dma_semaphore, #tpu.memory_space<semaphore_mem>>)
      %dma_wait3A = arith.constant 0 : i32
      %dma_wait3A_60 = arith.constant 0 : i32
      %dma_wait3A_61 = tpu.memref_slice %arg8[%dma_wait3A, %dma_wait3A_60] : memref<256x128xf32, #tpu.memory_space<vmem>> -> memref<128x128xf32, #tpu.memory_space<vmem>>
      %dma_wait3A_62 = arith.constant 0 : i32
      %dma_wait3A_63 = tpu.memref_slice %arg5[%arg0, %add3A_48, %dma_wait3A_62] : memref<2x10240x128xf32, #tpu.memory_space<hbm>> -> memref<1x128x128xf32, #tpu.memory_space<hbm>>
      %dma_wait3A_64 = tpu.memref_squeeze %dma_wait3A_63 : memref<1x128x128xf32, #tpu.memory_space<hbm>> -> memref<128x128xf32, #tpu.memory_space<hbm>>
      %dma_wait3A_65 = arith.constant 0 : i32
      %dma_wait3A_66 = tpu.memref_slice %arg5[%arg0, %add3A_48, %dma_wait3A_65] : memref<2x10240x128xf32, #tpu.memory_space<hbm>> -> memref<1x128x128xf32, #tpu.memory_space<hbm>>
      %dma_wait3A_67 = tpu.memref_squeeze %dma_wait3A_66 : memref<1x128x128xf32, #tpu.memory_space<hbm>> -> memref<128x128xf32, #tpu.memory_space<hbm>>
      %dma_wait3A_68 = arith.constant 0 : i32
      %dma_wait3A_69 = arith.constant 0 : i32
      %dma_wait3A_70 = tpu.memref_slice %arg8[%dma_wait3A_68, %dma_wait3A_69] : memref<256x128xf32, #tpu.memory_space<vmem>> -> memref<128x128xf32, #tpu.memory_space<vmem>>
      tpu.wait_dma2 semaphore(%run_scoped3A : memref<!tpu.dma_semaphore, #tpu.memory_space<semaphore_mem>>) src(%dma_wait3A_70 : memref<128x128xf32, #tpu.memory_space<vmem>>) dst(%dma_wait3A_67 : memref<128x128xf32, #tpu.memory_space<hbm>>)
      tpu.yield
    }) : () -> ()
    return
  }
}

#map = affine_map<(d0, d1) -> (0, 0, 0)>
#map1 = affine_map<(d0, d1) -> (0, 0)>
module attributes {stable_mosaic.version = 14 : i64} {
  func.func @_deg_pass(%arg0: i32, %arg1: i32, %arg2: memref<2x2560x128xi32, #tpu.memory_space<hbm>>, %arg3: memref<128x128xf32, #tpu.memory_space<hbm>>, %arg4: memref<128x128xf32, #tpu.memory_space<hbm>>, %arg5: memref<2x10240x128xf32, #tpu.memory_space<hbm>>, %arg6: memref<80x128xi32, #tpu.memory_space<vmem>>, %arg7: memref<128x128xf32, #tpu.memory_space<vmem>>, %arg8: memref<128x128xf32, #tpu.memory_space<vmem>>, %arg9: memref<10240x128xf32, #tpu.memory_space<vmem_shared>>) attributes {dimension_semantics = [#tpu.dimension_semantics<core_parallel>, #tpu.dimension_semantics<subcore_parallel>], iteration_bounds = array<i64: 2, 16>, scalar_prefetch = 0 : i64, scratch_operands = 4 : i64, tpu.core_type = #tpu.core_type<sc_vector_subcore>, window_params = [{transform_indices = #map}, {transform_indices = #map1}, {transform_indices = #map1}, {transform_indices = #map}]} {
    %mul3A = arith.constant 2 : i32
    %mul3A_0 = arith.muli %arg1, %mul3A : i32
    %add3A = arith.addi %mul3A_0, %arg0 : i32
    %mul3A_1 = arith.constant 640 : i32
    %mul3A_2 = arith.muli %arg1, %mul3A_1 : i32
    "tpu.region"() ({
      %run_scoped3A_41 = tpu.sem_alloc : memref<!tpu.dma_semaphore, #tpu.memory_space<semaphore_mem>>
      tpu.enqueue_dma source(%arg4 : memref<128x128xf32, #tpu.memory_space<hbm>>) target(%arg8 : memref<128x128xf32, #tpu.memory_space<vmem>>) target_semaphore(%run_scoped3A_41 : memref<!tpu.dma_semaphore, #tpu.memory_space<semaphore_mem>>)
      tpu.wait_dma2 semaphore(%run_scoped3A_41 : memref<!tpu.dma_semaphore, #tpu.memory_space<semaphore_mem>>) src(%arg4 : memref<128x128xf32, #tpu.memory_space<hbm>>) dst(%arg8 : memref<128x128xf32, #tpu.memory_space<vmem>>)
      tpu.yield
    }) : () -> ()
    %add3A_3 = arith.constant 0 : i32
    %add3A_4 = arith.addi %mul3A_2, %add3A_3 : i32
    "tpu.region"() ({
      %run_scoped3A_41 = tpu.sem_alloc : memref<!tpu.dma_semaphore, #tpu.memory_space<semaphore_mem>>
      %dma_start3A = arith.constant 0 : i32
      %dma_start3A_42 = tpu.memref_slice %arg9[%add3A_4, %dma_start3A] : memref<10240x128xf32, #tpu.memory_space<vmem_shared>> -> memref<128x128xf32, #tpu.memory_space<vmem_shared>>
      %dma_start3A_43 = arith.constant 0 : i32
      %dma_start3A_44 = tpu.memref_slice %arg9[%add3A_4, %dma_start3A_43] : memref<10240x128xf32, #tpu.memory_space<vmem_shared>> -> memref<128x128xf32, #tpu.memory_space<vmem_shared>>
      tpu.enqueue_dma source(%arg8 : memref<128x128xf32, #tpu.memory_space<vmem>>) target(%dma_start3A_44 : memref<128x128xf32, #tpu.memory_space<vmem_shared>>) target_semaphore(%run_scoped3A_41 : memref<!tpu.dma_semaphore, #tpu.memory_space<semaphore_mem>>)
      %dma_wait3A = arith.constant 0 : i32
      %dma_wait3A_45 = tpu.memref_slice %arg9[%add3A_4, %dma_wait3A] : memref<10240x128xf32, #tpu.memory_space<vmem_shared>> -> memref<128x128xf32, #tpu.memory_space<vmem_shared>>
      %dma_wait3A_46 = arith.constant 0 : i32
      %dma_wait3A_47 = tpu.memref_slice %arg9[%add3A_4, %dma_wait3A_46] : memref<10240x128xf32, #tpu.memory_space<vmem_shared>> -> memref<128x128xf32, #tpu.memory_space<vmem_shared>>
      tpu.wait_dma2 semaphore(%run_scoped3A_41 : memref<!tpu.dma_semaphore, #tpu.memory_space<semaphore_mem>>) src(%arg8 : memref<128x128xf32, #tpu.memory_space<vmem>>) dst(%dma_wait3A_47 : memref<128x128xf32, #tpu.memory_space<vmem_shared>>)
      tpu.yield
    }) : () -> ()
    %add3A_5 = arith.constant 128 : i32
    %add3A_6 = arith.addi %mul3A_2, %add3A_5 : i32
    "tpu.region"() ({
      %run_scoped3A_41 = tpu.sem_alloc : memref<!tpu.dma_semaphore, #tpu.memory_space<semaphore_mem>>
      %dma_start3A = arith.constant 0 : i32
      %dma_start3A_42 = tpu.memref_slice %arg9[%add3A_6, %dma_start3A] : memref<10240x128xf32, #tpu.memory_space<vmem_shared>> -> memref<128x128xf32, #tpu.memory_space<vmem_shared>>
      %dma_start3A_43 = arith.constant 0 : i32
      %dma_start3A_44 = tpu.memref_slice %arg9[%add3A_6, %dma_start3A_43] : memref<10240x128xf32, #tpu.memory_space<vmem_shared>> -> memref<128x128xf32, #tpu.memory_space<vmem_shared>>
      tpu.enqueue_dma source(%arg8 : memref<128x128xf32, #tpu.memory_space<vmem>>) target(%dma_start3A_44 : memref<128x128xf32, #tpu.memory_space<vmem_shared>>) target_semaphore(%run_scoped3A_41 : memref<!tpu.dma_semaphore, #tpu.memory_space<semaphore_mem>>)
      %dma_wait3A = arith.constant 0 : i32
      %dma_wait3A_45 = tpu.memref_slice %arg9[%add3A_6, %dma_wait3A] : memref<10240x128xf32, #tpu.memory_space<vmem_shared>> -> memref<128x128xf32, #tpu.memory_space<vmem_shared>>
      %dma_wait3A_46 = arith.constant 0 : i32
      %dma_wait3A_47 = tpu.memref_slice %arg9[%add3A_6, %dma_wait3A_46] : memref<10240x128xf32, #tpu.memory_space<vmem_shared>> -> memref<128x128xf32, #tpu.memory_space<vmem_shared>>
      tpu.wait_dma2 semaphore(%run_scoped3A_41 : memref<!tpu.dma_semaphore, #tpu.memory_space<semaphore_mem>>) src(%arg8 : memref<128x128xf32, #tpu.memory_space<vmem>>) dst(%dma_wait3A_47 : memref<128x128xf32, #tpu.memory_space<vmem_shared>>)
      tpu.yield
    }) : () -> ()
    %add3A_7 = arith.constant 256 : i32
    %add3A_8 = arith.addi %mul3A_2, %add3A_7 : i32
    "tpu.region"() ({
      %run_scoped3A_41 = tpu.sem_alloc : memref<!tpu.dma_semaphore, #tpu.memory_space<semaphore_mem>>
      %dma_start3A = arith.constant 0 : i32
      %dma_start3A_42 = tpu.memref_slice %arg9[%add3A_8, %dma_start3A] : memref<10240x128xf32, #tpu.memory_space<vmem_shared>> -> memref<128x128xf32, #tpu.memory_space<vmem_shared>>
      %dma_start3A_43 = arith.constant 0 : i32
      %dma_start3A_44 = tpu.memref_slice %arg9[%add3A_8, %dma_start3A_43] : memref<10240x128xf32, #tpu.memory_space<vmem_shared>> -> memref<128x128xf32, #tpu.memory_space<vmem_shared>>
      tpu.enqueue_dma source(%arg8 : memref<128x128xf32, #tpu.memory_space<vmem>>) target(%dma_start3A_44 : memref<128x128xf32, #tpu.memory_space<vmem_shared>>) target_semaphore(%run_scoped3A_41 : memref<!tpu.dma_semaphore, #tpu.memory_space<semaphore_mem>>)
      %dma_wait3A = arith.constant 0 : i32
      %dma_wait3A_45 = tpu.memref_slice %arg9[%add3A_8, %dma_wait3A] : memref<10240x128xf32, #tpu.memory_space<vmem_shared>> -> memref<128x128xf32, #tpu.memory_space<vmem_shared>>
      %dma_wait3A_46 = arith.constant 0 : i32
      %dma_wait3A_47 = tpu.memref_slice %arg9[%add3A_8, %dma_wait3A_46] : memref<10240x128xf32, #tpu.memory_space<vmem_shared>> -> memref<128x128xf32, #tpu.memory_space<vmem_shared>>
      tpu.wait_dma2 semaphore(%run_scoped3A_41 : memref<!tpu.dma_semaphore, #tpu.memory_space<semaphore_mem>>) src(%arg8 : memref<128x128xf32, #tpu.memory_space<vmem>>) dst(%dma_wait3A_47 : memref<128x128xf32, #tpu.memory_space<vmem_shared>>)
      tpu.yield
    }) : () -> ()
    %add3A_9 = arith.constant 384 : i32
    %add3A_10 = arith.addi %mul3A_2, %add3A_9 : i32
    "tpu.region"() ({
      %run_scoped3A_41 = tpu.sem_alloc : memref<!tpu.dma_semaphore, #tpu.memory_space<semaphore_mem>>
      %dma_start3A = arith.constant 0 : i32
      %dma_start3A_42 = tpu.memref_slice %arg9[%add3A_10, %dma_start3A] : memref<10240x128xf32, #tpu.memory_space<vmem_shared>> -> memref<128x128xf32, #tpu.memory_space<vmem_shared>>
      %dma_start3A_43 = arith.constant 0 : i32
      %dma_start3A_44 = tpu.memref_slice %arg9[%add3A_10, %dma_start3A_43] : memref<10240x128xf32, #tpu.memory_space<vmem_shared>> -> memref<128x128xf32, #tpu.memory_space<vmem_shared>>
      tpu.enqueue_dma source(%arg8 : memref<128x128xf32, #tpu.memory_space<vmem>>) target(%dma_start3A_44 : memref<128x128xf32, #tpu.memory_space<vmem_shared>>) target_semaphore(%run_scoped3A_41 : memref<!tpu.dma_semaphore, #tpu.memory_space<semaphore_mem>>)
      %dma_wait3A = arith.constant 0 : i32
      %dma_wait3A_45 = tpu.memref_slice %arg9[%add3A_10, %dma_wait3A] : memref<10240x128xf32, #tpu.memory_space<vmem_shared>> -> memref<128x128xf32, #tpu.memory_space<vmem_shared>>
      %dma_wait3A_46 = arith.constant 0 : i32
      %dma_wait3A_47 = tpu.memref_slice %arg9[%add3A_10, %dma_wait3A_46] : memref<10240x128xf32, #tpu.memory_space<vmem_shared>> -> memref<128x128xf32, #tpu.memory_space<vmem_shared>>
      tpu.wait_dma2 semaphore(%run_scoped3A_41 : memref<!tpu.dma_semaphore, #tpu.memory_space<semaphore_mem>>) src(%arg8 : memref<128x128xf32, #tpu.memory_space<vmem>>) dst(%dma_wait3A_47 : memref<128x128xf32, #tpu.memory_space<vmem_shared>>)
      tpu.yield
    }) : () -> ()
    %add3A_11 = arith.constant 512 : i32
    %add3A_12 = arith.addi %mul3A_2, %add3A_11 : i32
    "tpu.region"() ({
      %run_scoped3A_41 = tpu.sem_alloc : memref<!tpu.dma_semaphore, #tpu.memory_space<semaphore_mem>>
      %dma_start3A = arith.constant 0 : i32
      %dma_start3A_42 = tpu.memref_slice %arg9[%add3A_12, %dma_start3A] : memref<10240x128xf32, #tpu.memory_space<vmem_shared>> -> memref<128x128xf32, #tpu.memory_space<vmem_shared>>
      %dma_start3A_43 = arith.constant 0 : i32
      %dma_start3A_44 = tpu.memref_slice %arg9[%add3A_12, %dma_start3A_43] : memref<10240x128xf32, #tpu.memory_space<vmem_shared>> -> memref<128x128xf32, #tpu.memory_space<vmem_shared>>
      tpu.enqueue_dma source(%arg8 : memref<128x128xf32, #tpu.memory_space<vmem>>) target(%dma_start3A_44 : memref<128x128xf32, #tpu.memory_space<vmem_shared>>) target_semaphore(%run_scoped3A_41 : memref<!tpu.dma_semaphore, #tpu.memory_space<semaphore_mem>>)
      %dma_wait3A = arith.constant 0 : i32
      %dma_wait3A_45 = tpu.memref_slice %arg9[%add3A_12, %dma_wait3A] : memref<10240x128xf32, #tpu.memory_space<vmem_shared>> -> memref<128x128xf32, #tpu.memory_space<vmem_shared>>
      %dma_wait3A_46 = arith.constant 0 : i32
      %dma_wait3A_47 = tpu.memref_slice %arg9[%add3A_12, %dma_wait3A_46] : memref<10240x128xf32, #tpu.memory_space<vmem_shared>> -> memref<128x128xf32, #tpu.memory_space<vmem_shared>>
      tpu.wait_dma2 semaphore(%run_scoped3A_41 : memref<!tpu.dma_semaphore, #tpu.memory_space<semaphore_mem>>) src(%arg8 : memref<128x128xf32, #tpu.memory_space<vmem>>) dst(%dma_wait3A_47 : memref<128x128xf32, #tpu.memory_space<vmem_shared>>)
      tpu.yield
    }) : () -> ()
    "tpu.region"() ({
      %run_scoped3A_41 = tpu.sem_alloc : memref<!tpu.dma_semaphore, #tpu.memory_space<semaphore_mem>>
      tpu.enqueue_dma source(%arg3 : memref<128x128xf32, #tpu.memory_space<hbm>>) target(%arg7 : memref<128x128xf32, #tpu.memory_space<vmem>>) target_semaphore(%run_scoped3A_41 : memref<!tpu.dma_semaphore, #tpu.memory_space<semaphore_mem>>)
      tpu.wait_dma2 semaphore(%run_scoped3A_41 : memref<!tpu.dma_semaphore, #tpu.memory_space<semaphore_mem>>) src(%arg3 : memref<128x128xf32, #tpu.memory_space<hbm>>) dst(%arg7 : memref<128x128xf32, #tpu.memory_space<vmem>>)
      tpu.yield
    }) : () -> ()
    %mul3A_13 = arith.constant 80 : i32
    %mul3A_14 = arith.muli %add3A, %mul3A_13 : i32
    %run_scoped3A = arith.constant 1 : i32
    "tpu.region"() ({
      %run_scoped3A_41 = tpu.sem_alloc : memref<!tpu.dma_semaphore, #tpu.memory_space<semaphore_mem>>
      %dma_start3A = arith.constant 0 : i32
      %dma_start3A_42 = tpu.memref_slice %arg2[%run_scoped3A, %mul3A_14, %dma_start3A] : memref<2x2560x128xi32, #tpu.memory_space<hbm>> -> memref<1x80x128xi32, #tpu.memory_space<hbm>>
      %dma_start3A_43 = tpu.memref_squeeze %dma_start3A_42 : memref<1x80x128xi32, #tpu.memory_space<hbm>> -> memref<80x128xi32, #tpu.memory_space<hbm>>
      %dma_start3A_44 = arith.constant 0 : i32
      %dma_start3A_45 = tpu.memref_slice %arg2[%run_scoped3A, %mul3A_14, %dma_start3A_44] : memref<2x2560x128xi32, #tpu.memory_space<hbm>> -> memref<1x80x128xi32, #tpu.memory_space<hbm>>
      %dma_start3A_46 = tpu.memref_squeeze %dma_start3A_45 : memref<1x80x128xi32, #tpu.memory_space<hbm>> -> memref<80x128xi32, #tpu.memory_space<hbm>>
      tpu.enqueue_dma source(%dma_start3A_46 : memref<80x128xi32, #tpu.memory_space<hbm>>) target(%arg6 : memref<80x128xi32, #tpu.memory_space<vmem>>) target_semaphore(%run_scoped3A_41 : memref<!tpu.dma_semaphore, #tpu.memory_space<semaphore_mem>>)
      %dma_wait3A = arith.constant 0 : i32
      %dma_wait3A_47 = tpu.memref_slice %arg2[%run_scoped3A, %mul3A_14, %dma_wait3A] : memref<2x2560x128xi32, #tpu.memory_space<hbm>> -> memref<1x80x128xi32, #tpu.memory_space<hbm>>
      %dma_wait3A_48 = tpu.memref_squeeze %dma_wait3A_47 : memref<1x80x128xi32, #tpu.memory_space<hbm>> -> memref<80x128xi32, #tpu.memory_space<hbm>>
      %dma_wait3A_49 = arith.constant 0 : i32
      %dma_wait3A_50 = tpu.memref_slice %arg2[%run_scoped3A, %mul3A_14, %dma_wait3A_49] : memref<2x2560x128xi32, #tpu.memory_space<hbm>> -> memref<1x80x128xi32, #tpu.memory_space<hbm>>
      %dma_wait3A_51 = tpu.memref_squeeze %dma_wait3A_50 : memref<1x80x128xi32, #tpu.memory_space<hbm>> -> memref<80x128xi32, #tpu.memory_space<hbm>>
      tpu.wait_dma2 semaphore(%run_scoped3A_41 : memref<!tpu.dma_semaphore, #tpu.memory_space<semaphore_mem>>) src(%dma_wait3A_51 : memref<80x128xi32, #tpu.memory_space<hbm>>) dst(%arg6 : memref<80x128xi32, #tpu.memory_space<vmem>>)
      tpu.yield
    }) : () -> ()
    %barrier3A = arith.constant 0 : index
    tpu.barrier barrier_id(%barrier3A)
    %scan3A = arith.constant 0 : i32
    %scan3A_15 = arith.constant 0 : i32
    %scan3A_16 = arith.constant 80 : i32
    %scan3A_17 = arith.addi %scan3A_15, %scan3A_16 : i32
    %scan3A_18 = arith.constant 1 : i32
    scf.for %scan3A_41 = %scan3A_15 to %scan3A_17 step %scan3A_18  : i32 {
      "tpu.region"() ({
        %run_scoped3A_42 = tpu.sem_alloc : memref<!tpu.dma_semaphore, #tpu.memory_space<semaphore_mem>>
        %dma_start3A = arith.constant 0 : i32
        %dma_start3A_43 = tpu.memref_slice %arg6[%scan3A_41, %dma_start3A] : memref<80x128xi32, #tpu.memory_space<vmem>> -> memref<1x128xi32, #tpu.memory_space<vmem>>
        %dma_start3A_44 = tpu.memref_squeeze %dma_start3A_43 : memref<1x128xi32, #tpu.memory_space<vmem>> -> memref<128xi32, #tpu.memory_space<vmem>>
        %dma_start3A_45 = arith.constant 0 : i32
        %dma_start3A_46 = arith.constant 0 : i32
        %dma_start3A_47 = tpu.memref_slice %arg9[%dma_start3A_45, %dma_start3A_46] : memref<10240x128xf32, #tpu.memory_space<vmem_shared>> -> memref<10240x128xf32, #tpu.memory_space<vmem_shared>>
        tpu.enqueue_indirect_dma source(%arg7 : memref<128x128xf32, #tpu.memory_space<vmem>>) target(%dma_start3A_47 : memref<10240x128xf32, #tpu.memory_space<vmem_shared>>) offsets(%dma_start3A_44 : memref<128xi32, #tpu.memory_space<vmem>>) semaphore(%run_scoped3A_42 : memref<!tpu.dma_semaphore, #tpu.memory_space<semaphore_mem>>) {add = true}
        %dma_wait3A = arith.constant 0 : i32
        %dma_wait3A_48 = tpu.memref_slice %arg6[%scan3A_41, %dma_wait3A] : memref<80x128xi32, #tpu.memory_space<vmem>> -> memref<1x128xi32, #tpu.memory_space<vmem>>
        %dma_wait3A_49 = tpu.memref_squeeze %dma_wait3A_48 : memref<1x128xi32, #tpu.memory_space<vmem>> -> memref<128xi32, #tpu.memory_space<vmem>>
        %dma_wait3A_50 = arith.constant 0 : i32
        %dma_wait3A_51 = arith.constant 0 : i32
        %dma_wait3A_52 = tpu.memref_slice %arg9[%dma_wait3A_50, %dma_wait3A_51] : memref<10240x128xf32, #tpu.memory_space<vmem_shared>> -> memref<10240x128xf32, #tpu.memory_space<vmem_shared>>
        tpu.wait_indirect_dma semaphore(%run_scoped3A_42 : memref<!tpu.dma_semaphore, #tpu.memory_space<semaphore_mem>>) src(%arg7 : memref<128x128xf32, #tpu.memory_space<vmem>>) dst(%dma_wait3A_52 : memref<10240x128xf32, #tpu.memory_space<vmem_shared>>)
        tpu.yield
      }) : () -> ()
    }
    %scan3A_19 = arith.constant 80 : i32
    %barrier3A_20 = arith.constant 0 : index
    tpu.barrier barrier_id(%barrier3A_20)
    %add3A_21 = arith.constant 0 : i32
    %add3A_22 = arith.addi %mul3A_2, %add3A_21 : i32
    "tpu.region"() ({
      %run_scoped3A_41 = tpu.sem_alloc : memref<!tpu.dma_semaphore, #tpu.memory_space<semaphore_mem>>
      %dma_start3A = arith.constant 0 : i32
      %dma_start3A_42 = tpu.memref_slice %arg9[%add3A_22, %dma_start3A] : memref<10240x128xf32, #tpu.memory_space<vmem_shared>> -> memref<128x128xf32, #tpu.memory_space<vmem_shared>>
      %dma_start3A_43 = arith.constant 0 : i32
      %dma_start3A_44 = tpu.memref_slice %arg9[%add3A_22, %dma_start3A_43] : memref<10240x128xf32, #tpu.memory_space<vmem_shared>> -> memref<128x128xf32, #tpu.memory_space<vmem_shared>>
      tpu.enqueue_dma source(%dma_start3A_44 : memref<128x128xf32, #tpu.memory_space<vmem_shared>>) target(%arg8 : memref<128x128xf32, #tpu.memory_space<vmem>>) target_semaphore(%run_scoped3A_41 : memref<!tpu.dma_semaphore, #tpu.memory_space<semaphore_mem>>)
      %dma_wait3A = arith.constant 0 : i32
      %dma_wait3A_45 = tpu.memref_slice %arg9[%add3A_22, %dma_wait3A] : memref<10240x128xf32, #tpu.memory_space<vmem_shared>> -> memref<128x128xf32, #tpu.memory_space<vmem_shared>>
      %dma_wait3A_46 = arith.constant 0 : i32
      %dma_wait3A_47 = tpu.memref_slice %arg9[%add3A_22, %dma_wait3A_46] : memref<10240x128xf32, #tpu.memory_space<vmem_shared>> -> memref<128x128xf32, #tpu.memory_space<vmem_shared>>
      tpu.wait_dma2 semaphore(%run_scoped3A_41 : memref<!tpu.dma_semaphore, #tpu.memory_space<semaphore_mem>>) src(%dma_wait3A_47 : memref<128x128xf32, #tpu.memory_space<vmem_shared>>) dst(%arg8 : memref<128x128xf32, #tpu.memory_space<vmem>>)
      tpu.yield
    }) : () -> ()
    %add3A_23 = arith.constant 0 : i32
    %add3A_24 = arith.addi %mul3A_2, %add3A_23 : i32
    "tpu.region"() ({
      %run_scoped3A_41 = tpu.sem_alloc : memref<!tpu.dma_semaphore, #tpu.memory_space<semaphore_mem>>
      %dma_start3A = arith.constant 0 : i32
      %dma_start3A_42 = tpu.memref_slice %arg5[%arg0, %add3A_24, %dma_start3A] : memref<2x10240x128xf32, #tpu.memory_space<hbm>> -> memref<1x128x128xf32, #tpu.memory_space<hbm>>
      %dma_start3A_43 = tpu.memref_squeeze %dma_start3A_42 : memref<1x128x128xf32, #tpu.memory_space<hbm>> -> memref<128x128xf32, #tpu.memory_space<hbm>>
      %dma_start3A_44 = arith.constant 0 : i32
      %dma_start3A_45 = tpu.memref_slice %arg5[%arg0, %add3A_24, %dma_start3A_44] : memref<2x10240x128xf32, #tpu.memory_space<hbm>> -> memref<1x128x128xf32, #tpu.memory_space<hbm>>
      %dma_start3A_46 = tpu.memref_squeeze %dma_start3A_45 : memref<1x128x128xf32, #tpu.memory_space<hbm>> -> memref<128x128xf32, #tpu.memory_space<hbm>>
      tpu.enqueue_dma source(%arg8 : memref<128x128xf32, #tpu.memory_space<vmem>>) target(%dma_start3A_46 : memref<128x128xf32, #tpu.memory_space<hbm>>) target_semaphore(%run_scoped3A_41 : memref<!tpu.dma_semaphore, #tpu.memory_space<semaphore_mem>>)
      %dma_wait3A = arith.constant 0 : i32
      %dma_wait3A_47 = tpu.memref_slice %arg5[%arg0, %add3A_24, %dma_wait3A] : memref<2x10240x128xf32, #tpu.memory_space<hbm>> -> memref<1x128x128xf32, #tpu.memory_space<hbm>>
      %dma_wait3A_48 = tpu.memref_squeeze %dma_wait3A_47 : memref<1x128x128xf32, #tpu.memory_space<hbm>> -> memref<128x128xf32, #tpu.memory_space<hbm>>
      %dma_wait3A_49 = arith.constant 0 : i32
      %dma_wait3A_50 = tpu.memref_slice %arg5[%arg0, %add3A_24, %dma_wait3A_49] : memref<2x10240x128xf32, #tpu.memory_space<hbm>> -> memref<1x128x128xf32, #tpu.memory_space<hbm>>
      %dma_wait3A_51 = tpu.memref_squeeze %dma_wait3A_50 : memref<1x128x128xf32, #tpu.memory_space<hbm>> -> memref<128x128xf32, #tpu.memory_space<hbm>>
      tpu.wait_dma2 semaphore(%run_scoped3A_41 : memref<!tpu.dma_semaphore, #tpu.memory_space<semaphore_mem>>) src(%arg8 : memref<128x128xf32, #tpu.memory_space<vmem>>) dst(%dma_wait3A_51 : memref<128x128xf32, #tpu.memory_space<hbm>>)
      tpu.yield
    }) : () -> ()
    %add3A_25 = arith.constant 128 : i32
    %add3A_26 = arith.addi %mul3A_2, %add3A_25 : i32
    "tpu.region"() ({
      %run_scoped3A_41 = tpu.sem_alloc : memref<!tpu.dma_semaphore, #tpu.memory_space<semaphore_mem>>
      %dma_start3A = arith.constant 0 : i32
      %dma_start3A_42 = tpu.memref_slice %arg9[%add3A_26, %dma_start3A] : memref<10240x128xf32, #tpu.memory_space<vmem_shared>> -> memref<128x128xf32, #tpu.memory_space<vmem_shared>>
      %dma_start3A_43 = arith.constant 0 : i32
      %dma_start3A_44 = tpu.memref_slice %arg9[%add3A_26, %dma_start3A_43] : memref<10240x128xf32, #tpu.memory_space<vmem_shared>> -> memref<128x128xf32, #tpu.memory_space<vmem_shared>>
      tpu.enqueue_dma source(%dma_start3A_44 : memref<128x128xf32, #tpu.memory_space<vmem_shared>>) target(%arg8 : memref<128x128xf32, #tpu.memory_space<vmem>>) target_semaphore(%run_scoped3A_41 : memref<!tpu.dma_semaphore, #tpu.memory_space<semaphore_mem>>)
      %dma_wait3A = arith.constant 0 : i32
      %dma_wait3A_45 = tpu.memref_slice %arg9[%add3A_26, %dma_wait3A] : memref<10240x128xf32, #tpu.memory_space<vmem_shared>> -> memref<128x128xf32, #tpu.memory_space<vmem_shared>>
      %dma_wait3A_46 = arith.constant 0 : i32
      %dma_wait3A_47 = tpu.memref_slice %arg9[%add3A_26, %dma_wait3A_46] : memref<10240x128xf32, #tpu.memory_space<vmem_shared>> -> memref<128x128xf32, #tpu.memory_space<vmem_shared>>
      tpu.wait_dma2 semaphore(%run_scoped3A_41 : memref<!tpu.dma_semaphore, #tpu.memory_space<semaphore_mem>>) src(%dma_wait3A_47 : memref<128x128xf32, #tpu.memory_space<vmem_shared>>) dst(%arg8 : memref<128x128xf32, #tpu.memory_space<vmem>>)
      tpu.yield
    }) : () -> ()
    %add3A_27 = arith.constant 128 : i32
    %add3A_28 = arith.addi %mul3A_2, %add3A_27 : i32
    "tpu.region"() ({
      %run_scoped3A_41 = tpu.sem_alloc : memref<!tpu.dma_semaphore, #tpu.memory_space<semaphore_mem>>
      %dma_start3A = arith.constant 0 : i32
      %dma_start3A_42 = tpu.memref_slice %arg5[%arg0, %add3A_28, %dma_start3A] : memref<2x10240x128xf32, #tpu.memory_space<hbm>> -> memref<1x128x128xf32, #tpu.memory_space<hbm>>
      %dma_start3A_43 = tpu.memref_squeeze %dma_start3A_42 : memref<1x128x128xf32, #tpu.memory_space<hbm>> -> memref<128x128xf32, #tpu.memory_space<hbm>>
      %dma_start3A_44 = arith.constant 0 : i32
      %dma_start3A_45 = tpu.memref_slice %arg5[%arg0, %add3A_28, %dma_start3A_44] : memref<2x10240x128xf32, #tpu.memory_space<hbm>> -> memref<1x128x128xf32, #tpu.memory_space<hbm>>
      %dma_start3A_46 = tpu.memref_squeeze %dma_start3A_45 : memref<1x128x128xf32, #tpu.memory_space<hbm>> -> memref<128x128xf32, #tpu.memory_space<hbm>>
      tpu.enqueue_dma source(%arg8 : memref<128x128xf32, #tpu.memory_space<vmem>>) target(%dma_start3A_46 : memref<128x128xf32, #tpu.memory_space<hbm>>) target_semaphore(%run_scoped3A_41 : memref<!tpu.dma_semaphore, #tpu.memory_space<semaphore_mem>>)
      %dma_wait3A = arith.constant 0 : i32
      %dma_wait3A_47 = tpu.memref_slice %arg5[%arg0, %add3A_28, %dma_wait3A] : memref<2x10240x128xf32, #tpu.memory_space<hbm>> -> memref<1x128x128xf32, #tpu.memory_space<hbm>>
      %dma_wait3A_48 = tpu.memref_squeeze %dma_wait3A_47 : memref<1x128x128xf32, #tpu.memory_space<hbm>> -> memref<128x128xf32, #tpu.memory_space<hbm>>
      %dma_wait3A_49 = arith.constant 0 : i32
      %dma_wait3A_50 = tpu.memref_slice %arg5[%arg0, %add3A_28, %dma_wait3A_49] : memref<2x10240x128xf32, #tpu.memory_space<hbm>> -> memref<1x128x128xf32, #tpu.memory_space<hbm>>
      %dma_wait3A_51 = tpu.memref_squeeze %dma_wait3A_50 : memref<1x128x128xf32, #tpu.memory_space<hbm>> -> memref<128x128xf32, #tpu.memory_space<hbm>>
      tpu.wait_dma2 semaphore(%run_scoped3A_41 : memref<!tpu.dma_semaphore, #tpu.memory_space<semaphore_mem>>) src(%arg8 : memref<128x128xf32, #tpu.memory_space<vmem>>) dst(%dma_wait3A_51 : memref<128x128xf32, #tpu.memory_space<hbm>>)
      tpu.yield
    }) : () -> ()
    %add3A_29 = arith.constant 256 : i32
    %add3A_30 = arith.addi %mul3A_2, %add3A_29 : i32
    "tpu.region"() ({
      %run_scoped3A_41 = tpu.sem_alloc : memref<!tpu.dma_semaphore, #tpu.memory_space<semaphore_mem>>
      %dma_start3A = arith.constant 0 : i32
      %dma_start3A_42 = tpu.memref_slice %arg9[%add3A_30, %dma_start3A] : memref<10240x128xf32, #tpu.memory_space<vmem_shared>> -> memref<128x128xf32, #tpu.memory_space<vmem_shared>>
      %dma_start3A_43 = arith.constant 0 : i32
      %dma_start3A_44 = tpu.memref_slice %arg9[%add3A_30, %dma_start3A_43] : memref<10240x128xf32, #tpu.memory_space<vmem_shared>> -> memref<128x128xf32, #tpu.memory_space<vmem_shared>>
      tpu.enqueue_dma source(%dma_start3A_44 : memref<128x128xf32, #tpu.memory_space<vmem_shared>>) target(%arg8 : memref<128x128xf32, #tpu.memory_space<vmem>>) target_semaphore(%run_scoped3A_41 : memref<!tpu.dma_semaphore, #tpu.memory_space<semaphore_mem>>)
      %dma_wait3A = arith.constant 0 : i32
      %dma_wait3A_45 = tpu.memref_slice %arg9[%add3A_30, %dma_wait3A] : memref<10240x128xf32, #tpu.memory_space<vmem_shared>> -> memref<128x128xf32, #tpu.memory_space<vmem_shared>>
      %dma_wait3A_46 = arith.constant 0 : i32
      %dma_wait3A_47 = tpu.memref_slice %arg9[%add3A_30, %dma_wait3A_46] : memref<10240x128xf32, #tpu.memory_space<vmem_shared>> -> memref<128x128xf32, #tpu.memory_space<vmem_shared>>
      tpu.wait_dma2 semaphore(%run_scoped3A_41 : memref<!tpu.dma_semaphore, #tpu.memory_space<semaphore_mem>>) src(%dma_wait3A_47 : memref<128x128xf32, #tpu.memory_space<vmem_shared>>) dst(%arg8 : memref<128x128xf32, #tpu.memory_space<vmem>>)
      tpu.yield
    }) : () -> ()
    %add3A_31 = arith.constant 256 : i32
    %add3A_32 = arith.addi %mul3A_2, %add3A_31 : i32
    "tpu.region"() ({
      %run_scoped3A_41 = tpu.sem_alloc : memref<!tpu.dma_semaphore, #tpu.memory_space<semaphore_mem>>
      %dma_start3A = arith.constant 0 : i32
      %dma_start3A_42 = tpu.memref_slice %arg5[%arg0, %add3A_32, %dma_start3A] : memref<2x10240x128xf32, #tpu.memory_space<hbm>> -> memref<1x128x128xf32, #tpu.memory_space<hbm>>
      %dma_start3A_43 = tpu.memref_squeeze %dma_start3A_42 : memref<1x128x128xf32, #tpu.memory_space<hbm>> -> memref<128x128xf32, #tpu.memory_space<hbm>>
      %dma_start3A_44 = arith.constant 0 : i32
      %dma_start3A_45 = tpu.memref_slice %arg5[%arg0, %add3A_32, %dma_start3A_44] : memref<2x10240x128xf32, #tpu.memory_space<hbm>> -> memref<1x128x128xf32, #tpu.memory_space<hbm>>
      %dma_start3A_46 = tpu.memref_squeeze %dma_start3A_45 : memref<1x128x128xf32, #tpu.memory_space<hbm>> -> memref<128x128xf32, #tpu.memory_space<hbm>>
      tpu.enqueue_dma source(%arg8 : memref<128x128xf32, #tpu.memory_space<vmem>>) target(%dma_start3A_46 : memref<128x128xf32, #tpu.memory_space<hbm>>) target_semaphore(%run_scoped3A_41 : memref<!tpu.dma_semaphore, #tpu.memory_space<semaphore_mem>>)
      %dma_wait3A = arith.constant 0 : i32
      %dma_wait3A_47 = tpu.memref_slice %arg5[%arg0, %add3A_32, %dma_wait3A] : memref<2x10240x128xf32, #tpu.memory_space<hbm>> -> memref<1x128x128xf32, #tpu.memory_space<hbm>>
      %dma_wait3A_48 = tpu.memref_squeeze %dma_wait3A_47 : memref<1x128x128xf32, #tpu.memory_space<hbm>> -> memref<128x128xf32, #tpu.memory_space<hbm>>
      %dma_wait3A_49 = arith.constant 0 : i32
      %dma_wait3A_50 = tpu.memref_slice %arg5[%arg0, %add3A_32, %dma_wait3A_49] : memref<2x10240x128xf32, #tpu.memory_space<hbm>> -> memref<1x128x128xf32, #tpu.memory_space<hbm>>
      %dma_wait3A_51 = tpu.memref_squeeze %dma_wait3A_50 : memref<1x128x128xf32, #tpu.memory_space<hbm>> -> memref<128x128xf32, #tpu.memory_space<hbm>>
      tpu.wait_dma2 semaphore(%run_scoped3A_41 : memref<!tpu.dma_semaphore, #tpu.memory_space<semaphore_mem>>) src(%arg8 : memref<128x128xf32, #tpu.memory_space<vmem>>) dst(%dma_wait3A_51 : memref<128x128xf32, #tpu.memory_space<hbm>>)
      tpu.yield
    }) : () -> ()
    %add3A_33 = arith.constant 384 : i32
    %add3A_34 = arith.addi %mul3A_2, %add3A_33 : i32
    "tpu.region"() ({
      %run_scoped3A_41 = tpu.sem_alloc : memref<!tpu.dma_semaphore, #tpu.memory_space<semaphore_mem>>
      %dma_start3A = arith.constant 0 : i32
      %dma_start3A_42 = tpu.memref_slice %arg9[%add3A_34, %dma_start3A] : memref<10240x128xf32, #tpu.memory_space<vmem_shared>> -> memref<128x128xf32, #tpu.memory_space<vmem_shared>>
      %dma_start3A_43 = arith.constant 0 : i32
      %dma_start3A_44 = tpu.memref_slice %arg9[%add3A_34, %dma_start3A_43] : memref<10240x128xf32, #tpu.memory_space<vmem_shared>> -> memref<128x128xf32, #tpu.memory_space<vmem_shared>>
      tpu.enqueue_dma source(%dma_start3A_44 : memref<128x128xf32, #tpu.memory_space<vmem_shared>>) target(%arg8 : memref<128x128xf32, #tpu.memory_space<vmem>>) target_semaphore(%run_scoped3A_41 : memref<!tpu.dma_semaphore, #tpu.memory_space<semaphore_mem>>)
      %dma_wait3A = arith.constant 0 : i32
      %dma_wait3A_45 = tpu.memref_slice %arg9[%add3A_34, %dma_wait3A] : memref<10240x128xf32, #tpu.memory_space<vmem_shared>> -> memref<128x128xf32, #tpu.memory_space<vmem_shared>>
      %dma_wait3A_46 = arith.constant 0 : i32
      %dma_wait3A_47 = tpu.memref_slice %arg9[%add3A_34, %dma_wait3A_46] : memref<10240x128xf32, #tpu.memory_space<vmem_shared>> -> memref<128x128xf32, #tpu.memory_space<vmem_shared>>
      tpu.wait_dma2 semaphore(%run_scoped3A_41 : memref<!tpu.dma_semaphore, #tpu.memory_space<semaphore_mem>>) src(%dma_wait3A_47 : memref<128x128xf32, #tpu.memory_space<vmem_shared>>) dst(%arg8 : memref<128x128xf32, #tpu.memory_space<vmem>>)
      tpu.yield
    }) : () -> ()
    %add3A_35 = arith.constant 384 : i32
    %add3A_36 = arith.addi %mul3A_2, %add3A_35 : i32
    "tpu.region"() ({
      %run_scoped3A_41 = tpu.sem_alloc : memref<!tpu.dma_semaphore, #tpu.memory_space<semaphore_mem>>
      %dma_start3A = arith.constant 0 : i32
      %dma_start3A_42 = tpu.memref_slice %arg5[%arg0, %add3A_36, %dma_start3A] : memref<2x10240x128xf32, #tpu.memory_space<hbm>> -> memref<1x128x128xf32, #tpu.memory_space<hbm>>
      %dma_start3A_43 = tpu.memref_squeeze %dma_start3A_42 : memref<1x128x128xf32, #tpu.memory_space<hbm>> -> memref<128x128xf32, #tpu.memory_space<hbm>>
      %dma_start3A_44 = arith.constant 0 : i32
      %dma_start3A_45 = tpu.memref_slice %arg5[%arg0, %add3A_36, %dma_start3A_44] : memref<2x10240x128xf32, #tpu.memory_space<hbm>> -> memref<1x128x128xf32, #tpu.memory_space<hbm>>
      %dma_start3A_46 = tpu.memref_squeeze %dma_start3A_45 : memref<1x128x128xf32, #tpu.memory_space<hbm>> -> memref<128x128xf32, #tpu.memory_space<hbm>>
      tpu.enqueue_dma source(%arg8 : memref<128x128xf32, #tpu.memory_space<vmem>>) target(%dma_start3A_46 : memref<128x128xf32, #tpu.memory_space<hbm>>) target_semaphore(%run_scoped3A_41 : memref<!tpu.dma_semaphore, #tpu.memory_space<semaphore_mem>>)
      %dma_wait3A = arith.constant 0 : i32
      %dma_wait3A_47 = tpu.memref_slice %arg5[%arg0, %add3A_36, %dma_wait3A] : memref<2x10240x128xf32, #tpu.memory_space<hbm>> -> memref<1x128x128xf32, #tpu.memory_space<hbm>>
      %dma_wait3A_48 = tpu.memref_squeeze %dma_wait3A_47 : memref<1x128x128xf32, #tpu.memory_space<hbm>> -> memref<128x128xf32, #tpu.memory_space<hbm>>
      %dma_wait3A_49 = arith.constant 0 : i32
      %dma_wait3A_50 = tpu.memref_slice %arg5[%arg0, %add3A_36, %dma_wait3A_49] : memref<2x10240x128xf32, #tpu.memory_space<hbm>> -> memref<1x128x128xf32, #tpu.memory_space<hbm>>
      %dma_wait3A_51 = tpu.memref_squeeze %dma_wait3A_50 : memref<1x128x128xf32, #tpu.memory_space<hbm>> -> memref<128x128xf32, #tpu.memory_space<hbm>>
      tpu.wait_dma2 semaphore(%run_scoped3A_41 : memref<!tpu.dma_semaphore, #tpu.memory_space<semaphore_mem>>) src(%arg8 : memref<128x128xf32, #tpu.memory_space<vmem>>) dst(%dma_wait3A_51 : memref<128x128xf32, #tpu.memory_space<hbm>>)
      tpu.yield
    }) : () -> ()
    %add3A_37 = arith.constant 512 : i32
    %add3A_38 = arith.addi %mul3A_2, %add3A_37 : i32
    "tpu.region"() ({
      %run_scoped3A_41 = tpu.sem_alloc : memref<!tpu.dma_semaphore, #tpu.memory_space<semaphore_mem>>
      %dma_start3A = arith.constant 0 : i32
      %dma_start3A_42 = tpu.memref_slice %arg9[%add3A_38, %dma_start3A] : memref<10240x128xf32, #tpu.memory_space<vmem_shared>> -> memref<128x128xf32, #tpu.memory_space<vmem_shared>>
      %dma_start3A_43 = arith.constant 0 : i32
      %dma_start3A_44 = tpu.memref_slice %arg9[%add3A_38, %dma_start3A_43] : memref<10240x128xf32, #tpu.memory_space<vmem_shared>> -> memref<128x128xf32, #tpu.memory_space<vmem_shared>>
      tpu.enqueue_dma source(%dma_start3A_44 : memref<128x128xf32, #tpu.memory_space<vmem_shared>>) target(%arg8 : memref<128x128xf32, #tpu.memory_space<vmem>>) target_semaphore(%run_scoped3A_41 : memref<!tpu.dma_semaphore, #tpu.memory_space<semaphore_mem>>)
      %dma_wait3A = arith.constant 0 : i32
      %dma_wait3A_45 = tpu.memref_slice %arg9[%add3A_38, %dma_wait3A] : memref<10240x128xf32, #tpu.memory_space<vmem_shared>> -> memref<128x128xf32, #tpu.memory_space<vmem_shared>>
      %dma_wait3A_46 = arith.constant 0 : i32
      %dma_wait3A_47 = tpu.memref_slice %arg9[%add3A_38, %dma_wait3A_46] : memref<10240x128xf32, #tpu.memory_space<vmem_shared>> -> memref<128x128xf32, #tpu.memory_space<vmem_shared>>
      tpu.wait_dma2 semaphore(%run_scoped3A_41 : memref<!tpu.dma_semaphore, #tpu.memory_space<semaphore_mem>>) src(%dma_wait3A_47 : memref<128x128xf32, #tpu.memory_space<vmem_shared>>) dst(%arg8 : memref<128x128xf32, #tpu.memory_space<vmem>>)
      tpu.yield
    }) : () -> ()
    %add3A_39 = arith.constant 512 : i32
    %add3A_40 = arith.addi %mul3A_2, %add3A_39 : i32
    "tpu.region"() ({
      %run_scoped3A_41 = tpu.sem_alloc : memref<!tpu.dma_semaphore, #tpu.memory_space<semaphore_mem>>
      %dma_start3A = arith.constant 0 : i32
      %dma_start3A_42 = tpu.memref_slice %arg5[%arg0, %add3A_40, %dma_start3A] : memref<2x10240x128xf32, #tpu.memory_space<hbm>> -> memref<1x128x128xf32, #tpu.memory_space<hbm>>
      %dma_start3A_43 = tpu.memref_squeeze %dma_start3A_42 : memref<1x128x128xf32, #tpu.memory_space<hbm>> -> memref<128x128xf32, #tpu.memory_space<hbm>>
      %dma_start3A_44 = arith.constant 0 : i32
      %dma_start3A_45 = tpu.memref_slice %arg5[%arg0, %add3A_40, %dma_start3A_44] : memref<2x10240x128xf32, #tpu.memory_space<hbm>> -> memref<1x128x128xf32, #tpu.memory_space<hbm>>
      %dma_start3A_46 = tpu.memref_squeeze %dma_start3A_45 : memref<1x128x128xf32, #tpu.memory_space<hbm>> -> memref<128x128xf32, #tpu.memory_space<hbm>>
      tpu.enqueue_dma source(%arg8 : memref<128x128xf32, #tpu.memory_space<vmem>>) target(%dma_start3A_46 : memref<128x128xf32, #tpu.memory_space<hbm>>) target_semaphore(%run_scoped3A_41 : memref<!tpu.dma_semaphore, #tpu.memory_space<semaphore_mem>>)
      %dma_wait3A = arith.constant 0 : i32
      %dma_wait3A_47 = tpu.memref_slice %arg5[%arg0, %add3A_40, %dma_wait3A] : memref<2x10240x128xf32, #tpu.memory_space<hbm>> -> memref<1x128x128xf32, #tpu.memory_space<hbm>>
      %dma_wait3A_48 = tpu.memref_squeeze %dma_wait3A_47 : memref<1x128x128xf32, #tpu.memory_space<hbm>> -> memref<128x128xf32, #tpu.memory_space<hbm>>
      %dma_wait3A_49 = arith.constant 0 : i32
      %dma_wait3A_50 = tpu.memref_slice %arg5[%arg0, %add3A_40, %dma_wait3A_49] : memref<2x10240x128xf32, #tpu.memory_space<hbm>> -> memref<1x128x128xf32, #tpu.memory_space<hbm>>
      %dma_wait3A_51 = tpu.memref_squeeze %dma_wait3A_50 : memref<1x128x128xf32, #tpu.memory_space<hbm>> -> memref<128x128xf32, #tpu.memory_space<hbm>>
      tpu.wait_dma2 semaphore(%run_scoped3A_41 : memref<!tpu.dma_semaphore, #tpu.memory_space<semaphore_mem>>) src(%arg8 : memref<128x128xf32, #tpu.memory_space<vmem>>) dst(%dma_wait3A_51 : memref<128x128xf32, #tpu.memory_space<hbm>>)
      tpu.yield
    }) : () -> ()
    return
  }
}

module attributes {stable_mosaic.version = 14 : i64} {
  func.func @body(%arg0: i32, %arg1: memref<512x128xf32, #tpu.memory_space<vmem>>, %arg2: memref<128x128xf32, #tpu.memory_space<vmem>>, %arg3: memref<1x512x128xf32, #tpu.memory_space<vmem>>, %arg4: memref<1x512x128xf32, #tpu.memory_space<vmem>>, %arg5: memref<512x128xf32, #tpu.memory_space<vmem>>) attributes {dimension_semantics = [#tpu.dimension_semantics<arbitrary>], iteration_bounds = array<i64: 20>, scalar_prefetch = 0 : i64, scratch_operands = 0 : i64, tpu.core_type = #tpu.core_type<tc>, window_params = [{transform_indices = @transform_0, window_bounds = array<i64: 512, 128>}, {pipeline_mode = #tpu.pipeline_mode<synchronous>, transform_indices = @transform_1, window_bounds = array<i64: 128, 128>}, {transform_indices = @transform_2, window_bounds = array<i64: 1, 512, 128>}, {transform_indices = @transform_3, window_bounds = array<i64: 1, 512, 128>}, {transform_indices = @transform_4, window_bounds = array<i64: 512, 128>}]} {
    %get3A = arith.constant 0 : index
    %get3A_0 = arith.constant 0 : index
    %get3A_1 = arith.constant 0 : index
    %get3A_2 = vector.load %arg3[%get3A, %get3A_0, %get3A_1] : memref<1x512x128xf32, #tpu.memory_space<vmem>>, vector<1x512x128xf32>
    %get3A_3 = vector.shape_cast %get3A_2 : vector<1x512x128xf32> to vector<512x128xf32>
    %slice3A = vector.extract_strided_slice %get3A_3 {offsets = [0, 0], sizes = [512, 1], strides = [1, 1]} : vector<512x128xf32> to vector<512x1xf32>
    %get3A_4 = arith.constant 0 : index
    %get3A_5 = arith.constant 0 : index
    %get3A_6 = arith.constant 0 : index
    %get3A_7 = vector.load %arg4[%get3A_4, %get3A_5, %get3A_6] : memref<1x512x128xf32, #tpu.memory_space<vmem>>, vector<1x512x128xf32>
    %get3A_8 = vector.shape_cast %get3A_7 : vector<1x512x128xf32> to vector<512x128xf32>
    %slice3A_9 = vector.extract_strided_slice %get3A_8 {offsets = [0, 0], sizes = [512, 1], strides = [1, 1]} : vector<512x128xf32> to vector<512x1xf32>
    %add3A = arith.addf %slice3A, %slice3A_9 : vector<512x1xf32>
    %add3A_10 = arith.constant 1.000000e+00 : f32
    %add3A_11 = vector.broadcast %add3A_10 : f32 to vector<512x1xf32>
    %add3A_12 = arith.addf %add3A, %add3A_11 : vector<512x1xf32>
    %rsqrt3A = math.rsqrt %add3A_12 : vector<512x1xf32>
    %get3A_13 = arith.constant 0 : index
    %get3A_14 = arith.constant 0 : index
    %get3A_15 = vector.load %arg1[%get3A_13, %get3A_14] : memref<512x128xf32, #tpu.memory_space<vmem>>, vector<512x128xf32>
    %get3A_16 = arith.constant 0 : index
    %get3A_17 = arith.constant 0 : index
    %get3A_18 = vector.load %arg2[%get3A_16, %get3A_17] : memref<128x128xf32, #tpu.memory_space<vmem>>, vector<128x128xf32>
    %dot_general3A = arith.constant dense<0.000000e+00> : vector<512x128xf32>
    %dot_general3A_19 = tpu.matmul %get3A_15, %get3A_18, %dot_general3A {dimension_numbers = #tpu.dot_dimension_numbers<[1], [0], [0], [1], [0, 0, 1, 1], [], []>, transpose_lhs_hint = false} : vector<512x128xf32>, vector<128x128xf32>, vector<512x128xf32> -> vector<512x128xf32>
    %mul3A = vector.broadcast %rsqrt3A : vector<512x1xf32> to vector<512x128xf32>
    %mul3A_20 = arith.mulf %dot_general3A_19, %mul3A : vector<512x128xf32>
    %swap3A = arith.constant 0 : index
    %swap3A_21 = arith.constant 0 : index
    %swap3A_22 = vector.load %arg5[%swap3A, %swap3A_21] : memref<512x128xf32, #tpu.memory_space<vmem>>, vector<512x128xf32>
    tpu.vector_store %arg5[%swap3A, %swap3A_21], %mul3A_20 {strides = array<i32>} : memref<512x128xf32, #tpu.memory_space<vmem>>, vector<512x128xf32>,
    return
  }
  func.func @transform_0(%arg0: i32) -> (i32, i32) {
    %c0_i32 = arith.constant 0 : i32
    %c0_i32_0 = arith.constant 0 : i32
    return %arg0, %c0_i32 : i32, i32
  }
  func.func @transform_1(%arg0: i32) -> (i32, i32) {
    %c0_i32 = arith.constant 0 : i32
    %c0_i32_0 = arith.constant 0 : i32
    %c0_i32_1 = arith.constant 0 : i32
    return %c0_i32, %c0_i32_0 : i32, i32
  }
  func.func @transform_2(%arg0: i32) -> (i32, i32, i32) {
    %c0_i32 = arith.constant 0 : i32
    %c0_i32_0 = arith.constant 0 : i32
    %c0_i32_1 = arith.constant 0 : i32
    return %c0_i32, %arg0, %c0_i32_0 : i32, i32, i32
  }
  func.func @transform_3(%arg0: i32) -> (i32, i32, i32) {
    %c1_i32 = arith.constant 1 : i32
    %c0_i32 = arith.constant 0 : i32
    %c0_i32_0 = arith.constant 0 : i32
    return %c1_i32, %arg0, %c0_i32 : i32, i32, i32
  }
  func.func @transform_4(%arg0: i32) -> (i32, i32) {
    %c0_i32 = arith.constant 0 : i32
    %c0_i32_0 = arith.constant 0 : i32
    return %arg0, %c0_i32 : i32, i32
  }
}

module attributes {stable_mosaic.version = 14 : i64} {
  func.func @body(%arg0: i32, %arg1: memref<1x512x128xf32, #tpu.memory_space<vmem>>, %arg2: memref<1x512x128xf32, #tpu.memory_space<vmem>>, %arg3: memref<512x128xf32, #tpu.memory_space<vmem>>, %arg4: memref<1x512x128xf32, #tpu.memory_space<vmem>>, %arg5: memref<1x512x128xf32, #tpu.memory_space<vmem>>, %arg6: memref<1x128xf32, #tpu.memory_space<vmem>>, %arg7: memref<128x128xf32, #tpu.memory_space<vmem>>, %arg8: memref<512x128xf32, #tpu.memory_space<vmem>>) attributes {dimension_semantics = [#tpu.dimension_semantics<arbitrary>], iteration_bounds = array<i64: 20>, scalar_prefetch = 0 : i64, scratch_operands = 0 : i64, tpu.core_type = #tpu.core_type<tc>, window_params = [{transform_indices = @transform_0, window_bounds = array<i64: 1, 512, 128>}, {transform_indices = @transform_1, window_bounds = array<i64: 1, 512, 128>}, {transform_indices = @transform_2, window_bounds = array<i64: 512, 128>}, {transform_indices = @transform_3, window_bounds = array<i64: 1, 512, 128>}, {transform_indices = @transform_4, window_bounds = array<i64: 1, 512, 128>}, {pipeline_mode = #tpu.pipeline_mode<synchronous>, transform_indices = @transform_5, window_bounds = array<i64: 1, 128>}, {pipeline_mode = #tpu.pipeline_mode<synchronous>, transform_indices = @transform_6, window_bounds = array<i64: 128, 128>}, {transform_indices = @transform_7, window_bounds = array<i64: 512, 128>}]} {
    %get3A = arith.constant 0 : index
    %get3A_0 = arith.constant 0 : index
    %get3A_1 = arith.constant 0 : index
    %get3A_2 = vector.load %arg4[%get3A, %get3A_0, %get3A_1] : memref<1x512x128xf32, #tpu.memory_space<vmem>>, vector<1x512x128xf32>
    %get3A_3 = vector.shape_cast %get3A_2 : vector<1x512x128xf32> to vector<512x128xf32>
    %slice3A = vector.extract_strided_slice %get3A_3 {offsets = [0, 0], sizes = [512, 1], strides = [1, 1]} : vector<512x128xf32> to vector<512x1xf32>
    %get3A_4 = arith.constant 0 : index
    %get3A_5 = arith.constant 0 : index
    %get3A_6 = arith.constant 0 : index
    %get3A_7 = vector.load %arg5[%get3A_4, %get3A_5, %get3A_6] : memref<1x512x128xf32, #tpu.memory_space<vmem>>, vector<1x512x128xf32>
    %get3A_8 = vector.shape_cast %get3A_7 : vector<1x512x128xf32> to vector<512x128xf32>
    %slice3A_9 = vector.extract_strided_slice %get3A_8 {offsets = [0, 0], sizes = [512, 1], strides = [1, 1]} : vector<512x128xf32> to vector<512x1xf32>
    %add3A = arith.addf %slice3A, %slice3A_9 : vector<512x1xf32>
    %add3A_10 = arith.constant 1.000000e+00 : f32
    %add3A_11 = vector.broadcast %add3A_10 : f32 to vector<512x1xf32>
    %add3A_12 = arith.addf %add3A, %add3A_11 : vector<512x1xf32>
    %rsqrt3A = math.rsqrt %add3A_12 : vector<512x1xf32>
    %get3A_13 = arith.constant 0 : index
    %get3A_14 = arith.constant 0 : index
    %get3A_15 = arith.constant 0 : index
    %get3A_16 = vector.load %arg1[%get3A_13, %get3A_14, %get3A_15] : memref<1x512x128xf32, #tpu.memory_space<vmem>>, vector<1x512x128xf32>
    %get3A_17 = vector.shape_cast %get3A_16 : vector<1x512x128xf32> to vector<512x128xf32>
    %get3A_18 = arith.constant 0 : index
    %get3A_19 = arith.constant 0 : index
    %get3A_20 = arith.constant 0 : index
    %get3A_21 = vector.load %arg2[%get3A_18, %get3A_19, %get3A_20] : memref<1x512x128xf32, #tpu.memory_space<vmem>>, vector<1x512x128xf32>
    %get3A_22 = vector.shape_cast %get3A_21 : vector<1x512x128xf32> to vector<512x128xf32>
    %add3A_23 = arith.addf %get3A_17, %get3A_22 : vector<512x128xf32>
    %get3A_24 = arith.constant 0 : index
    %get3A_25 = arith.constant 0 : index
    %get3A_26 = vector.load %arg3[%get3A_24, %get3A_25] : memref<512x128xf32, #tpu.memory_space<vmem>>, vector<512x128xf32>
    %add3A_27 = arith.addf %add3A_23, %get3A_26 : vector<512x128xf32>
    %mul3A = vector.broadcast %rsqrt3A : vector<512x1xf32> to vector<512x128xf32>
    %mul3A_28 = arith.mulf %mul3A, %add3A_27 : vector<512x128xf32>
    %get3A_29 = arith.constant 0 : index
    %get3A_30 = arith.constant 0 : index
    %get3A_31 = vector.load %arg6[%get3A_29, %get3A_30] : memref<1x128xf32, #tpu.memory_space<vmem>>, vector<1x128xf32>
    %add3A_32 = vector.broadcast %get3A_31 : vector<1x128xf32> to vector<512x128xf32>
    %add3A_33 = arith.addf %mul3A_28, %add3A_32 : vector<512x128xf32>
    %max3A = arith.constant 0.000000e+00 : f32
    %max3A_34 = vector.broadcast %max3A : f32 to vector<512x128xf32>
    %max3A_35 = arith.maximumf %add3A_33, %max3A_34 : vector<512x128xf32>
    %get3A_36 = arith.constant 0 : index
    %get3A_37 = arith.constant 0 : index
    %get3A_38 = vector.load %arg7[%get3A_36, %get3A_37] : memref<128x128xf32, #tpu.memory_space<vmem>>, vector<128x128xf32>
    %dot_general3A = arith.constant dense<0.000000e+00> : vector<512x128xf32>
    %dot_general3A_39 = tpu.matmul %max3A_35, %get3A_38, %dot_general3A {dimension_numbers = #tpu.dot_dimension_numbers<[1], [0], [0], [1], [0, 0, 1, 1], [], []>, transpose_lhs_hint = false} : vector<512x128xf32>, vector<128x128xf32>, vector<512x128xf32> -> vector<512x128xf32>
    %mul3A_40 = vector.broadcast %rsqrt3A : vector<512x1xf32> to vector<512x128xf32>
    %mul3A_41 = arith.mulf %dot_general3A_39, %mul3A_40 : vector<512x128xf32>
    %swap3A = arith.constant 0 : index
    %swap3A_42 = arith.constant 0 : index
    %swap3A_43 = vector.load %arg8[%swap3A, %swap3A_42] : memref<512x128xf32, #tpu.memory_space<vmem>>, vector<512x128xf32>
    tpu.vector_store %arg8[%swap3A, %swap3A_42], %mul3A_41 {strides = array<i32>} : memref<512x128xf32, #tpu.memory_space<vmem>>, vector<512x128xf32>,
    return
  }
  func.func @transform_0(%arg0: i32) -> (i32, i32, i32) {
    %c0_i32 = arith.constant 0 : i32
    %c0_i32_0 = arith.constant 0 : i32
    %c0_i32_1 = arith.constant 0 : i32
    return %c0_i32, %arg0, %c0_i32_0 : i32, i32, i32
  }
  func.func @transform_1(%arg0: i32) -> (i32, i32, i32) {
    %c1_i32 = arith.constant 1 : i32
    %c0_i32 = arith.constant 0 : i32
    %c0_i32_0 = arith.constant 0 : i32
    return %c1_i32, %arg0, %c0_i32 : i32, i32, i32
  }
  func.func @transform_2(%arg0: i32) -> (i32, i32) {
    %c0_i32 = arith.constant 0 : i32
    %c0_i32_0 = arith.constant 0 : i32
    return %arg0, %c0_i32 : i32, i32
  }
  func.func @transform_3(%arg0: i32) -> (i32, i32, i32) {
    %c0_i32 = arith.constant 0 : i32
    %c0_i32_0 = arith.constant 0 : i32
    %c0_i32_1 = arith.constant 0 : i32
    return %c0_i32, %arg0, %c0_i32_0 : i32, i32, i32
  }
  func.func @transform_4(%arg0: i32) -> (i32, i32, i32) {
    %c1_i32 = arith.constant 1 : i32
    %c0_i32 = arith.constant 0 : i32
    %c0_i32_0 = arith.constant 0 : i32
    return %c1_i32, %arg0, %c0_i32 : i32, i32, i32
  }
  func.func @transform_5(%arg0: i32) -> (i32, i32) {
    %c0_i32 = arith.constant 0 : i32
    %c0_i32_0 = arith.constant 0 : i32
    %c0_i32_1 = arith.constant 0 : i32
    return %c0_i32, %c0_i32_0 : i32, i32
  }
  func.func @transform_6(%arg0: i32) -> (i32, i32) {
    %c0_i32 = arith.constant 0 : i32
    %c0_i32_0 = arith.constant 0 : i32
    %c0_i32_1 = arith.constant 0 : i32
    return %c0_i32, %c0_i32_0 : i32, i32
  }
  func.func @transform_7(%arg0: i32) -> (i32, i32) {
    %c0_i32 = arith.constant 0 : i32
    %c0_i32_0 = arith.constant 0 : i32
    return %arg0, %c0_i32 : i32, i32
  }
}

module attributes {stable_mosaic.version = 14 : i64} {
  func.func @body(%arg0: i32, %arg1: memref<1x512x128xf32, #tpu.memory_space<vmem>>, %arg2: memref<1x512x128xf32, #tpu.memory_space<vmem>>, %arg3: memref<512x128xf32, #tpu.memory_space<vmem>>, %arg4: memref<1x512x128xf32, #tpu.memory_space<vmem>>, %arg5: memref<1x512x128xf32, #tpu.memory_space<vmem>>, %arg6: memref<1x128xf32, #tpu.memory_space<vmem>>, %arg7: memref<128x128xf32, #tpu.memory_space<vmem>>, %arg8: memref<1x128xf32, #tpu.memory_space<vmem>>, %arg9: memref<128x128xf32, #tpu.memory_space<vmem>>, %arg10: memref<1x128xf32, #tpu.memory_space<vmem>>, %arg11: memref<512x128xf32, #tpu.memory_space<vmem>>) attributes {dimension_semantics = [#tpu.dimension_semantics<arbitrary>], iteration_bounds = array<i64: 20>, scalar_prefetch = 0 : i64, scratch_operands = 0 : i64, tpu.core_type = #tpu.core_type<tc>, window_params = [{transform_indices = @transform_0, window_bounds = array<i64: 1, 512, 128>}, {transform_indices = @transform_1, window_bounds = array<i64: 1, 512, 128>}, {transform_indices = @transform_2, window_bounds = array<i64: 512, 128>}, {transform_indices = @transform_3, window_bounds = array<i64: 1, 512, 128>}, {transform_indices = @transform_4, window_bounds = array<i64: 1, 512, 128>}, {pipeline_mode = #tpu.pipeline_mode<synchronous>, transform_indices = @transform_5, window_bounds = array<i64: 1, 128>}, {pipeline_mode = #tpu.pipeline_mode<synchronous>, transform_indices = @transform_6, window_bounds = array<i64: 128, 128>}, {pipeline_mode = #tpu.pipeline_mode<synchronous>, transform_indices = @transform_7, window_bounds = array<i64: 1, 128>}, {pipeline_mode = #tpu.pipeline_mode<synchronous>, transform_indices = @transform_8, window_bounds = array<i64: 128, 128>}, {pipeline_mode = #tpu.pipeline_mode<synchronous>, transform_indices = @transform_9, window_bounds = array<i64: 1, 128>}, {transform_indices = @transform_10, window_bounds = array<i64: 512, 128>}]} {
    %get3A = arith.constant 0 : index
    %get3A_0 = arith.constant 0 : index
    %get3A_1 = arith.constant 0 : index
    %get3A_2 = vector.load %arg4[%get3A, %get3A_0, %get3A_1] : memref<1x512x128xf32, #tpu.memory_space<vmem>>, vector<1x512x128xf32>
    %get3A_3 = vector.shape_cast %get3A_2 : vector<1x512x128xf32> to vector<512x128xf32>
    %slice3A = vector.extract_strided_slice %get3A_3 {offsets = [0, 0], sizes = [512, 1], strides = [1, 1]} : vector<512x128xf32> to vector<512x1xf32>
    %get3A_4 = arith.constant 0 : index
    %get3A_5 = arith.constant 0 : index
    %get3A_6 = arith.constant 0 : index
    %get3A_7 = vector.load %arg5[%get3A_4, %get3A_5, %get3A_6] : memref<1x512x128xf32, #tpu.memory_space<vmem>>, vector<1x512x128xf32>
    %get3A_8 = vector.shape_cast %get3A_7 : vector<1x512x128xf32> to vector<512x128xf32>
    %slice3A_9 = vector.extract_strided_slice %get3A_8 {offsets = [0, 0], sizes = [512, 1], strides = [1, 1]} : vector<512x128xf32> to vector<512x1xf32>
    %add3A = arith.addf %slice3A, %slice3A_9 : vector<512x1xf32>
    %add3A_10 = arith.constant 1.000000e+00 : f32
    %add3A_11 = vector.broadcast %add3A_10 : f32 to vector<512x1xf32>
    %add3A_12 = arith.addf %add3A, %add3A_11 : vector<512x1xf32>
    %rsqrt3A = math.rsqrt %add3A_12 : vector<512x1xf32>
    %get3A_13 = arith.constant 0 : index
    %get3A_14 = arith.constant 0 : index
    %get3A_15 = arith.constant 0 : index
    %get3A_16 = vector.load %arg1[%get3A_13, %get3A_14, %get3A_15] : memref<1x512x128xf32, #tpu.memory_space<vmem>>, vector<1x512x128xf32>
    %get3A_17 = vector.shape_cast %get3A_16 : vector<1x512x128xf32> to vector<512x128xf32>
    %get3A_18 = arith.constant 0 : index
    %get3A_19 = arith.constant 0 : index
    %get3A_20 = arith.constant 0 : index
    %get3A_21 = vector.load %arg2[%get3A_18, %get3A_19, %get3A_20] : memref<1x512x128xf32, #tpu.memory_space<vmem>>, vector<1x512x128xf32>
    %get3A_22 = vector.shape_cast %get3A_21 : vector<1x512x128xf32> to vector<512x128xf32>
    %add3A_23 = arith.addf %get3A_17, %get3A_22 : vector<512x128xf32>
    %get3A_24 = arith.constant 0 : index
    %get3A_25 = arith.constant 0 : index
    %get3A_26 = vector.load %arg3[%get3A_24, %get3A_25] : memref<512x128xf32, #tpu.memory_space<vmem>>, vector<512x128xf32>
    %add3A_27 = arith.addf %add3A_23, %get3A_26 : vector<512x128xf32>
    %mul3A = vector.broadcast %rsqrt3A : vector<512x1xf32> to vector<512x128xf32>
    %mul3A_28 = arith.mulf %mul3A, %add3A_27 : vector<512x128xf32>
    %get3A_29 = arith.constant 0 : index
    %get3A_30 = arith.constant 0 : index
    %get3A_31 = vector.load %arg6[%get3A_29, %get3A_30] : memref<1x128xf32, #tpu.memory_space<vmem>>, vector<1x128xf32>
    %add3A_32 = vector.broadcast %get3A_31 : vector<1x128xf32> to vector<512x128xf32>
    %add3A_33 = arith.addf %mul3A_28, %add3A_32 : vector<512x128xf32>
    %max3A = arith.constant 0.000000e+00 : f32
    %max3A_34 = vector.broadcast %max3A : f32 to vector<512x128xf32>
    %max3A_35 = arith.maximumf %add3A_33, %max3A_34 : vector<512x128xf32>
    %get3A_36 = arith.constant 0 : index
    %get3A_37 = arith.constant 0 : index
    %get3A_38 = vector.load %arg7[%get3A_36, %get3A_37] : memref<128x128xf32, #tpu.memory_space<vmem>>, vector<128x128xf32>
    %dot_general3A = arith.constant dense<0.000000e+00> : vector<512x128xf32>
    %dot_general3A_39 = tpu.matmul %max3A_35, %get3A_38, %dot_general3A {dimension_numbers = #tpu.dot_dimension_numbers<[1], [0], [0], [1], [0, 0, 1, 1], [], []>, transpose_lhs_hint = false} : vector<512x128xf32>, vector<128x128xf32>, vector<512x128xf32> -> vector<512x128xf32>
    %get3A_40 = arith.constant 0 : index
    %get3A_41 = arith.constant 0 : index
    %get3A_42 = vector.load %arg8[%get3A_40, %get3A_41] : memref<1x128xf32, #tpu.memory_space<vmem>>, vector<1x128xf32>
    %add3A_43 = vector.broadcast %get3A_42 : vector<1x128xf32> to vector<512x128xf32>
    %add3A_44 = arith.addf %dot_general3A_39, %add3A_43 : vector<512x128xf32>
    %max3A_45 = arith.constant 0.000000e+00 : f32
    %max3A_46 = vector.broadcast %max3A_45 : f32 to vector<512x128xf32>
    %max3A_47 = arith.maximumf %add3A_44, %max3A_46 : vector<512x128xf32>
    %get3A_48 = arith.constant 0 : index
    %get3A_49 = arith.constant 0 : index
    %get3A_50 = vector.load %arg9[%get3A_48, %get3A_49] : memref<128x128xf32, #tpu.memory_space<vmem>>, vector<128x128xf32>
    %dot_general3A_51 = arith.constant dense<0.000000e+00> : vector<512x128xf32>
    %dot_general3A_52 = tpu.matmul %max3A_47, %get3A_50, %dot_general3A_51 {dimension_numbers = #tpu.dot_dimension_numbers<[1], [0], [0], [1], [0, 0, 1, 1], [], []>, transpose_lhs_hint = false} : vector<512x128xf32>, vector<128x128xf32>, vector<512x128xf32> -> vector<512x128xf32>
    %get3A_53 = arith.constant 0 : index
    %get3A_54 = arith.constant 0 : index
    %get3A_55 = vector.load %arg10[%get3A_53, %get3A_54] : memref<1x128xf32, #tpu.memory_space<vmem>>, vector<1x128xf32>
    %add3A_56 = vector.broadcast %get3A_55 : vector<1x128xf32> to vector<512x128xf32>
    %add3A_57 = arith.addf %dot_general3A_52, %add3A_56 : vector<512x128xf32>
    %swap3A = arith.constant 0 : index
    %swap3A_58 = arith.constant 0 : index
    %swap3A_59 = vector.load %arg11[%swap3A, %swap3A_58] : memref<512x128xf32, #tpu.memory_space<vmem>>, vector<512x128xf32>
    tpu.vector_store %arg11[%swap3A, %swap3A_58], %add3A_57 {strides = array<i32>} : memref<512x128xf32, #tpu.memory_space<vmem>>, vector<512x128xf32>,
    return
  }
  func.func @transform_0(%arg0: i32) -> (i32, i32, i32) {
    %c0_i32 = arith.constant 0 : i32
    %c0_i32_0 = arith.constant 0 : i32
    %c0_i32_1 = arith.constant 0 : i32
    return %c0_i32, %arg0, %c0_i32_0 : i32, i32, i32
  }
  func.func @transform_1(%arg0: i32) -> (i32, i32, i32) {
    %c1_i32 = arith.constant 1 : i32
    %c0_i32 = arith.constant 0 : i32
    %c0_i32_0 = arith.constant 0 : i32
    return %c1_i32, %arg0, %c0_i32 : i32, i32, i32
  }
  func.func @transform_2(%arg0: i32) -> (i32, i32) {
    %c0_i32 = arith.constant 0 : i32
    %c0_i32_0 = arith.constant 0 : i32
    return %arg0, %c0_i32 : i32, i32
  }
  func.func @transform_3(%arg0: i32) -> (i32, i32, i32) {
    %c0_i32 = arith.constant 0 : i32
    %c0_i32_0 = arith.constant 0 : i32
    %c0_i32_1 = arith.constant 0 : i32
    return %c0_i32, %arg0, %c0_i32_0 : i32, i32, i32
  }
  func.func @transform_4(%arg0: i32) -> (i32, i32, i32) {
    %c1_i32 = arith.constant 1 : i32
    %c0_i32 = arith.constant 0 : i32
    %c0_i32_0 = arith.constant 0 : i32
    return %c1_i32, %arg0, %c0_i32 : i32, i32, i32
  }
  func.func @transform_5(%arg0: i32) -> (i32, i32) {
    %c0_i32 = arith.constant 0 : i32
    %c0_i32_0 = arith.constant 0 : i32
    %c0_i32_1 = arith.constant 0 : i32
    return %c0_i32, %c0_i32_0 : i32, i32
  }
  func.func @transform_6(%arg0: i32) -> (i32, i32) {
    %c0_i32 = arith.constant 0 : i32
    %c0_i32_0 = arith.constant 0 : i32
    %c0_i32_1 = arith.constant 0 : i32
    return %c0_i32, %c0_i32_0 : i32, i32
  }
  func.func @transform_7(%arg0: i32) -> (i32, i32) {
    %c0_i32 = arith.constant 0 : i32
    %c0_i32_0 = arith.constant 0 : i32
    %c0_i32_1 = arith.constant 0 : i32
    return %c0_i32, %c0_i32_0 : i32, i32
  }
  func.func @transform_8(%arg0: i32) -> (i32, i32) {
    %c0_i32 = arith.constant 0 : i32
    %c0_i32_0 = arith.constant 0 : i32
    %c0_i32_1 = arith.constant 0 : i32
    return %c0_i32, %c0_i32_0 : i32, i32
  }
  func.func @transform_9(%arg0: i32) -> (i32, i32) {
    %c0_i32 = arith.constant 0 : i32
    %c0_i32_0 = arith.constant 0 : i32
    %c0_i32_1 = arith.constant 0 : i32
    return %c0_i32, %c0_i32_0 : i32, i32
  }
  func.func @transform_10(%arg0: i32) -> (i32, i32) {
    %c0_i32 = arith.constant 0 : i32
    %c0_i32_0 = arith.constant 0 : i32
    return %arg0, %c0_i32 : i32, i32
  }
}

</mosaic_0001>

<sc_bundles>
// kernel: kernel.11.cloned.1.call-start
scs
__scs_entry_jumppad:
0x0: {  	(pc) =	sbr.rel $0x88, $3  }
0x1: {  	(tag) =	ssettag $0x0;
	lr =	simm.s32 $0x1  }
0x2: {  	[smem:$0x3F97] =	sst lr;
	_ =	strace $0xD0000000  }
0x3: {  	_ = 	snop  }
0x4: {  	_ = 	snop  }
0x5: {  	_ = 	snop  }
0x6: {  	_ = 	snop  }
0x7: {  	_ = 	snop  }
__scs_overlays_trampoline_lowered:
0x8: {  	[smem:$0x3FA6] =	sst s0  }
0x9: {  	[smem:$0x3FA7] =	sst s1  }
0xa: {  	[smem:$0x3FA8] =	sst s2  }
0xb: {  	[smem:$0x3FA9] =	sst s3  }
0xc: {  	[smem:$0x3FAA] =	sst s4  }
0xd: {  	[smem:$0x3FAB] =	sst s5  }
0xe: {  	[smem:$0x3FAC] =	sst s6  }
0xf: {  	[smem:$0x3FAD] =	sst s7  }
0x10: {  	[smem:$0x3FAE] =	sst s8  }
0x11: {  	[smem:$0x3FAF] =	sst s9;
	s0 =	simm.s32 @!p0 $0x0  }
0x12: {  	s1 =	sld [smem:$0x3F95];
	s0 =	simm.s32 @p0 $0x1  }
0x13: {  	[smem:$0x3FB0] =	sst s0;
	s0 =	simm.s32 @!p1 $0x0  }
0x14: {  	s2 =	sld [smem:$0x3F94];
	s0 =	simm.s32 @p1 $0x1  }
0x15: {  	[smem:$0x3FB1] =	sst s0;
	s0 =	simm.s32 @!p2 $0x0  }
0x16: {  	s3 =	sld [smem:$0x3FDB];
	s0 =	simm.s32 @p2 $0x1  }
0x17: {  	s4 =	simm.s32 $0x1BF5;
	[smem:$0x3FB3] =	sst s0  }
0x18: {  	s0 =	sld [smem:$0x3F96];
	_ =	swait.ge [sflag:s4], $0x0  }
0x19: {  	s7 =	sld [smem:$0x3F97]  }
0x1a: {  	s8 =	sadd.s32 $0xFFFFE003, lr  }
0x1b: {  	s9 =	sadd.s32 $0xFFFFFEF7, lr;
	s5 =	simm.s32 $0xFFFFFFFF;
	p2 =	slt.u32 s8, $0xFFFFF086  }
0x1c: {  	p1 =	slt.u32 s9, $0xF7A;
	s5 =	simm.s32 @!p2 $0x0  }
0x1d: {  	s5 =	simm.s32 @p1 $0x1;
	p0 =	seq.s32 s7, s2  }
0x1e: {  	s7 =	smul.u32 @!p0 $0xF7A, s2;
	p2 =	seq.s32 @!p0 s5, $0x0  }
0x1f: {  	s9 =	smul.u32 $0xF7A, s1;
	s8 =	simm.s32 @!p0 $0x1BF5;
	p2 =	por !p2, p0  }
0x20: {  	[sflag:s8] =	ssyncset.s32 @!p0 $0xFFFFF086;
	s6 =	sadd.s32 @!p0 s3, s7;
	s7 =	simm.s32 @!p0 $0x108  }
0x21: {  	s3 =	sadd.s32 s3, s9;
	s6 =	sadd.s32 @!p0 $0x88, s6;
	s7 =	simm.s32 @p2 $0x1082  }
0x22: {  	[simem:s7], [sflag:s8] =	dma.local @!p0 [hbm:s6], $0xF7A  }
0x23: {  	s9 =	sor.u32 $0xD0000000, s2;
	s6 =	simm.s32 $0x108;
	_ =	swait.ge @!p0 [sflag:s8], $0x0  }
0x24: {  	s3 =	sadd.s32 $0x88, s3;
	s6 =	simm.s32 @!p1 $0x1082;
	[sflag:s4] =	ssyncset.s32 $0xFFFFF086  }
0x25: {  	[simem:s6], [sflag:s4] =	dma.local [hbm:s3], $0xF7A  }
0x26: {  	[smem:$0x3F97] =	sst s1;
	(tag) =	ssettag s2;
	_ =	strace s9  }
0x27: {  	s1 =	sld [smem:$0x3FA7]  }
0x28: {  	s2 =	sld [smem:$0x3FA8]  }
0x29: {  	s4 =	sld [smem:$0x3FAA]  }
0x2a: {  	p0 =	seq.s32 s5, $0x0;
	s5 =	sld [smem:$0x3FAB]  }
0x2b: {  	s6 =	sld [smem:$0x3FAC]  }
0x2c: {  	s7 =	sld [smem:$0x3FAD]  }
0x2d: {  	s3 =	simm.s32 $0x108;
	s8 =	sld [smem:$0x3FAE]  }
0x2e: {  	s3 =	simm.s32 @!p0 $0x1082;
	s9 =	sld [smem:$0x3FAF]  }
0x2f: {  	lr =	sadd.s32 s0, s3;
	s0 =	sld [smem:$0x3FA6]  }
0x30: {  	s3 =	sld [smem:$0x3FA9]  }
0x31: {  	[smem:$0x3FB2] =	sst s10  }
0x32: {  	s10 =	sld [smem:$0x3FB0];
	_ =	sdelay $0x3  }
0x33: {  	p0 =	seq.s32 s10, $0x1;
	s10 =	sld [smem:$0x3FB2];
	_ =	sdelay $0x3  }
0x34: {  	[smem:$0x3FB2] =	sst s10  }
0x35: {  	s10 =	sld [smem:$0x3FB1];
	_ =	sdelay $0x3  }
0x36: {  	p1 =	seq.s32 s10, $0x1;
	s10 =	sld [smem:$0x3FB2];
	_ =	sdelay $0x3  }
0x37: {  	[smem:$0x3FB2] =	sst s10  }
0x38: {  	s10 =	sld [smem:$0x3FB3]  }
0x39: {  	_ = 	snop;
	(pc) =	sbr.ind lr, $3  }
0x3a: {  	_ = 	snop  }
0x3b: {  	_ = 	snop  }
0x3c: {  	p2 =	seq.s32 s10, $0x1;
	s10 =	sld [smem:$0x3FB2]  }
0x3d: {  	_ =	shalt  }
0x3e: {  	_ =	shalt  }
0x3f: {  	_ =	shalt  }
0x40: {  	_ =	shalt  }
0x41: {  	_ =	shalt  }
0x42: {  	_ =	shalt  }
0x43: {  	_ =	shalt  }
0x44: {  	_ =	shalt  }
0x45: {  	_ =	shalt  }
0x46: {  	_ =	shalt  }
0x47: {  	_ =	shalt  }
0x48: {  	_ =	shalt  }
0x49: {  	_ =	shalt  }
0x4a: {  	_ =	shalt  }
0x4b: {  	_ =	shalt  }
0x4c: {  	_ =	shalt  }
0x4d: {  	_ =	shalt  }
0x4e: {  	_ =	shalt  }
0x4f: {  	_ =	shalt  }
0x50: {  	_ =	shalt  }
0x51: {  	_ =	shalt  }
0x52: {  	_ =	shalt  }
0x53: {  	_ =	shalt  }
0x54: {  	_ =	shalt  }
0x55: {  	_ =	shalt  }
0x56: {  	_ =	shalt  }
0x57: {  	_ =	shalt  }
0x58: {  	_ =	shalt  }
0x59: {  	_ =	shalt  }
0x5a: {  	_ =	shalt  }
0x5b: {  	_ =	shalt  }
0x5c: {  	_ =	shalt  }
0x5d: {  	_ =	shalt  }
0x5e: {  	_ =	shalt  }
0x5f: {  	_ =	shalt  }
0x60: {  	_ =	shalt  }
0x61: {  	_ =	shalt  }
0x62: {  	_ =	shalt  }
0x63: {  	_ =	shalt  }
0x64: {  	_ =	shalt  }
0x65: {  	_ =	shalt  }
0x66: {  	_ =	shalt  }
0x67: {  	_ =	shalt  }
0x68: {  	_ =	shalt  }
0x69: {  	_ =	shalt  }
0x6a: {  	_ =	shalt  }
0x6b: {  	_ =	shalt  }
0x6c: {  	_ =	shalt  }
0x6d: {  	_ =	shalt  }
0x6e: {  	_ =	shalt  }
0x6f: {  	_ =	shalt  }
0x70: {  	_ =	shalt  }
0x71: {  	_ =	shalt  }
0x72: {  	_ =	shalt  }
0x73: {  	_ =	shalt  }
0x74: {  	_ =	shalt  }
0x75: {  	_ =	shalt  }
0x76: {  	_ =	shalt  }
0x77: {  	_ =	shalt  }
0x78: {  	_ =	shalt  }
0x79: {  	_ =	shalt  }
0x7a: {  	_ =	shalt  }
0x7b: {  	_ =	shalt  }
0x7c: {  	_ =	shalt  }
0x7d: {  	_ =	shalt  }
0x7e: {  	_ =	shalt  }
0x7f: {  	_ =	shalt  }
0x80: {  	_ =	shalt  }
0x81: {  	_ =	shalt  }
0x82: {  	_ =	shalt  }
0x83: {  	_ =	shalt  }
0x84: {  	_ =	shalt  }
0x85: {  	_ =	shalt  }
0x86: {  	_ =	shalt  }
0x87: {  	_ =	shalt  }
.Lfunc_end0:
.L_simem_size_0:
called_computation.1_lowered:
.L_overlay_start_0:
0x88: {  	s2 =	sld [smem:$0x3FD9]  }
0x89: {  	s3 =	sld [smem:$0x3FFE];
	_ =	sdelay $0x1  }
0x8a: {  	s1 =	srdreg.scid  }
0x8b: {  	s0 =	sand.u32 $0x1, s1  }
0x8c: {  	s16 =	sshll.u32 s0, $0xA;
	s2 =	sadd.s32 s3, s2  }
0x8d: {  	s2 =	sadd.s32 s2, s16  }
0x8e: {  	[smem:$0x3FBE] =	sst s2  }
0x8f: {  	_ = 	snop  }
0x90: {  	(tm) =	ssettm $0x1  }
0x91: {  	s17 =	sld [smem:$0x3FFB];
	_ =	sdelay $0x3  }
0x92: {  	_ =	strace s17  }
0x93: {  	s2 =	sld [smem:$0x3FFC];
	_ =	sdelay $0x3  }
0x94: {  	_ =	strace s2  }
0x95: {  	s2 =	sld [smem:$0x3FFD];
	_ =	sdelay $0x3  }
0x96: {  	_ =	strace s2  }
0x97: {  	_ =	strace $0x8FFFFFFF  }
0x98: {  	s18 =	sld [smem:$0x3FDB];
	_ =	sdelay $0x1  }
0x99: {  	s19 =	simm.s32 $_scs_section_size  }
0x9a: {  	s4 =	simm.s32 $_size__tile_overlayer_lowered;
	s5 =	simm.s32 $_tile_overlayer_lowered  }
0x9b: {  	s22 =	simm.s32 $0x1BFF;
	s21 =	sshll.u32 s5, $0x1;
	s2 =	sadd.s32 s19, s18  }
0x9c: {  	s6 =	simm.s32 $0x0;
	s20 =	sshll.u32 s4, $0x1;
	s4 =	sadd.s32 s21, s2  }
0x9d: {  	[timem:s6], [sflag:s22] =	dma.local [hbm:s4], s20  }
0x9e: {  	_ =	swait.ge [sflag:s22], s20  }
0x9f: {  	s3 =	ssub.s32 $0x0, s20;
	[sflag:s22] =	ssyncset.done $0x0  }
0xa0: {  	[sflag:s22] =	ssyncadd.s32 s3;
	_ =	sdelay $0x1  }
0xa1: {  	s23 =	simm.s32 $0x1B8B  }
0xa2: {  	_ =	swait.ge [sflag:s23], $0x1  }
0xa3: {  	[sflag:s23] =	ssyncset.done $0x0  }
0xa4: {  	s25 =	simm.s32 $0x1B8E;
	s24 =	sld [smem:$0x3FFE];
	[sflag:s23] =	ssyncadd.s32 $0xFFFFFFFF  }
0xa5: {  	s26 =	simm.s32 $execute0_lowered;
	[smem:$0x3FD2] =	sst s25  }
0xa6: {  	s4 =	sshll.u32 s26, $0x1;
	_ =	strace $0x80000049;
	[dreg:$0x1] =	wrdreg $0xFFFFFFFF  }
0xa7: {  	s28 =	simm.s32 $_size_execute0_lowered;
	s2 =	sadd.s32 s2, s4;
	[dreg:$0x0] =	wrdreg $0x0  }
0xa8: {  	s4 =	sshll.u32 s28, $0x1;
	[dreg:$0x2] =	wrdreg s2  }
0xa9: {  	[dreg:$0x3] =	wrdreg s4  }
0xaa: {  	[dreg:$0x4] =	wrdreg $0xC0  }
0xab: {  	_ =	task [dreg:s6], $0x5FFFF  }
0xac: {  	[dreg:$0x1] =	wrdreg $0xFFFFFFFF  }
0xad: {  	[dreg:$0x0] =	wrdreg $0x60  }
0xae: {  	[dreg:$0x2] =	wrdreg s24  }
0xaf: {  	[dreg:$0x3] =	wrdreg $0x82000  }
0xb0: {  	[dreg:$0x4] =	wrdreg $0x9  }
0xb1: {  	_ =	task.clear_ibuf [dreg:s6], $0x5FFFF;
	_ =	strace $0x90000049  }
0xb2: {  	s29 =	simm.s32 $0x9;
	_ =	strace $0x8000004B  }
0xb3: {  	_ =	swait.ge [sflag:s29], $0x1  }
0xb4: {  	[sflag:s29] =	ssyncadd.s32 $0xFFFFFFFF  }
0xb5: {  	_ =	strace $0x9000004B  }
0xb6: {  	_ =	sfence  }
0xb7: {  	s30 =	sld [smem:$0x0];
	_ =	sdelay $0x2  }
0xb8: {  	s31 =	sshll.u32 s1, $0xD;
	s1 =	sshrl.u32 s1, $0x2  }
0xb9: {  	s3 =	sand.u32 $0x4000, s31;
	s1 =	sadd.s32 s1, s30  }
0xba: {  	s0 =	sor.u32 s3, s0;
	s1 =	sshll.u32 s1, $0x11  }
0xbb: {  	s0 =	sor.u32 s1, s0  }
0xbc: {  	s0 =	sadd.s32 $0x8F2B, s0  }
0xbd: {  	[sflag:s0] =	ssyncadd.remote.s32 $0x1  }
0xbe: {  	_ =	sfence.sel $0xFFFF  }
0xbf: {  	[dreg:$0x0] =	wrdreg $0xFFFFFFFF;
	(pc) =	sbr.abs _section_cstart, $3  }
0xc0: {  	[dreg:$0x1] =	wrdreg $0xFFFFFFFF  }
0xc1: {  	_ =	task.clear_ibuf [dreg:s6], $0x2FFFF;
	_ =	strace $0x9FFFFFFF  }
0xc2: {  	(tm) =	ssettm $0x7FFFFFFF  }
0xc3: {  	_ =	shalt  }
tec
execute0_lowered:
.L_overlay_start_1:
0x0: {  	(tag) =	ssettag $0x1  }
0x1: {  	s0 =	rddreg [dreg:$0x0]  }
0x2: {  	s1 =	rddreg [dreg:$0x1]  }
0x3: {  	s2 =	simm.s32 $0x0;
	s3 =	srdreg.scid;
	s10 =	stileid.u32  }
0x4: {  	s28 =	simm.s32 $0x4;
	s29 =	simm.s32 $0x4200;
	s30 =	simm.s32 $0x1  }
0x5: {  	s31 =	simm.s32 $0x2;
	[smem:$0x7FF] =	sst s2;
	s7 =	smul.u32 $0x50, s10  }
0x6: {  	s4 =	sadd.s32 $0x67600, s0;
	s3 =	sand.u32 $0x1, s3;
	s9 =	smul.u32 $0x50000, s10  }
0x7: {  	s5 =	sadd.s32 $0x2E00, s0;
	s8 =	sadd.s32 $0x16E00, s0;
	s14 =	smul.u32 $0x14000, s10  }
0x8: {  	s0 =	sadd.s32 $0x8F600, s0;
	_ =	strace $0x8000004A;
	s6 =	ssub.s32 $0x2, s3  }
0x9: {  	[dreg:$0x3] =	wrdreg s8;
	p0 =	seq.s32 s3, $0x0;
	s3 =	smul.u32 $0x140000, s3  }
0xa: {  	s21 =	sshrl.u32 s6, $0x1;
	s12 =	sadd.s32 $0x500, s7;
	s22 =	sshrl.u32 s9, $0x2  }
0xb: {  	s15 =	sadd.s32 $0x4000, s14;
	s17 =	sadd.s32 $0x8000, s14;
	s18 =	sadd.s32 $0xC000, s14  }
0xc: {  	s19 =	sadd.s32 $0x10000, s14;
	s6 =	ssub.s32 s6, s21;
	s12 =	smov.u32 @p0 s7  }
0xd: {  	s7 =	sadd.s32 s22, s1;
	s8 =	sadd.s32 s15, s1;
	s9 =	sadd.s32 s17, s1  }
0xe: {  	s10 =	sadd.s32 s18, s1;
	s11 =	sadd.s32 s19, s1;
	s14 =	sadd.s32 s14, s3  }
0xf: {  	s15 =	sadd.s32 s3, s15;
	s25 =	sadd.s32 s3, s17;
	s18 =	sadd.s32 s3, s18  }
0x10: {  	s3 =	sadd.s32 s3, s19;
	s21 =	simm.s32 $0x200;
	s22 =	simm.s32 $0x5  }
0x11: {  	s12 =	sshll.u32 s12, $0x4;
	s14 =	sshrl.u32 s14, $0x3;
	s16 =	sshrl.u32 s15, $0x3  }
0x12: {  	s26 =	sshrl.u32 s18, $0x3;
	s3 =	sshrl.u32 s3, $0x3;
	s20 =	smax.u32 s6, $0x1  }
0x13: {  	s13 =	sadd.s32 s5, s12;
	s23 =	sadd.s32 s0, s14;
	s24 =	sadd.s32 s0, s16  }
0x14: {  	s14 =	sshrl.u32 s25, $0x3;
	s18 =	sadd.s32 s0, s26;
	s19 =	sadd.s32 s0, s3  }
0x15: {  	s25 =	simm.s32 $0x100;
	s26 =	simm.s32 $0x3;
	[dreg:$0x4] =	wrdreg s13  }
0x16: {  	s3 =	simm.s32 $0x0;
	s13 =	sadd.s32 $0x10, s13;
	[dreg:$0x6] =	wrdreg s23  }
0x17: {  	[dreg:$0x7] =	wrdreg s24;
	s17 =	sadd.s32 s0, s14;
	s23 =	simm.s32 $0x80  }
0x18: {  	s24 =	simm.s32 $0x50000;
	s0 =	simm.s32 $0x180;
	[dreg:$0x5] =	wrdreg s13  }
.LBB2_1:
0x19: {  	s6 =	rddreg [dreg:$0x3]  }
0x1a: {  	[tilespmem:s21], [sflag:$0x5] =	stream.linear.gather [hbm4b:s6+s2], $0x4000, $0x38;
	[tilespmem:$0x1C200] =	vst v63  }
0x1b: {  	_ =	swait.ge [sflag:s22], $0x4000  }
0x1c: {  	[sflag:s22] =	ssyncset.done $0x0  }
0x1d: {  	[sflag:s22] =	ssyncadd.s32 $0xFFFFC000  }
0x1e: {  	[spmem:s7] =	stream.linear.scatter [tilespmem:s21], [sflag:$0x5], $0x4000, $0x38;
	[tilespmem:$0x1C200] =	vst v63  }
0x1f: {  	_ =	swait.ge [sflag:s22], $0x4000  }
0x20: {  	[sflag:s22] =	ssyncset.done $0x0  }
0x21: {  	[sflag:s22] =	ssyncadd.s32 $0xFFFFC000  }
0x22: {  	[spmem:s8] =	stream.linear.scatter [tilespmem:s21], [sflag:$0x5], $0x4000, $0x38;
	[tilespmem:$0x1C200] =	vst v63  }
0x23: {  	_ =	swait.ge [sflag:s22], $0x4000  }
0x24: {  	[sflag:s22] =	ssyncset.done $0x0  }
0x25: {  	[sflag:s22] =	ssyncadd.s32 $0xFFFFC000  }
0x26: {  	[spmem:s9] =	stream.linear.scatter [tilespmem:s21], [sflag:$0x5], $0x4000, $0x38;
	[tilespmem:$0x1C200] =	vst v63  }
0x27: {  	_ =	swait.ge [sflag:s22], $0x4000  }
0x28: {  	[sflag:s22] =	ssyncset.done $0x0  }
0x29: {  	[sflag:s22] =	ssyncadd.s32 $0xFFFFC000  }
0x2a: {  	[spmem:s10] =	stream.linear.scatter [tilespmem:s21], [sflag:$0x5], $0x4000, $0x38;
	[tilespmem:$0x1C200] =	vst v63  }
0x2b: {  	_ =	swait.ge [sflag:s22], $0x4000  }
0x2c: {  	[sflag:s22] =	ssyncset.done $0x0  }
0x2d: {  	[sflag:s22] =	ssyncadd.s32 $0xFFFFC000  }
0x2e: {  	[spmem:s11] =	stream.linear.scatter [tilespmem:s21], [sflag:$0x5], $0x4000, $0x38;
	[tilespmem:$0x1C200] =	vst v63  }
0x2f: {  	_ =	swait.ge [sflag:s22], $0x4000  }
0x30: {  	[sflag:s22] =	ssyncset.done $0x0  }
0x31: {  	[sflag:s22] =	ssyncadd.s32 $0xFFFFC000  }
0x32: {  	[bflag:$0x0] =	sbarrier.arrive $0xFFFF  }
0x33: {  	s15 =	rddreg [dreg:$0x4]  }
0x34: {  	[tilespmem:s2], [sflag:$0x3] =	stream.strided.gather [hbm4b:s15+s23], $0x100, s24, s23, $0x38;
	[tilespmem:$0x1C200] =	vst v63  }
0x35: {  	s16 =	rddreg [dreg:$0x5]  }
0x36: {  	[tilespmem:s25], [sflag:$0x4] =	stream.strided.gather [hbm4b:s16+s23], $0x100, s24, s23, $0x38;
	[tilespmem:$0x1C200] =	vst v63  }
0x37: {  	_ =	swait.ge [sflag:s26], $0x100  }
0x38: {  	[sflag:s26] =	ssyncset.done $0x0  }
0x39: {  	[sflag:s26] =	ssyncadd.s32 $0xFFFFFF00  }
0x3a: {  	[tilespmem:s21], [sflag:$0x1] =	stream.indirect.gather [hbm4b:s4+s23], $0x80, s2, s23, $0xb8;
	[tilespmem:$0x1C200] =	vst v63  }
0x3b: {  	_ =	swait.ge [sflag:s28], $0x100  }
0x3c: {  	[sflag:s28] =	ssyncset.done $0x0  }
0x3d: {  	[sflag:s28] =	ssyncadd.s32 $0xFFFFFF00  }
0x3e: {  	[tilespmem:s29], [sflag:$0x2] =	stream.indirect.gather [hbm4b:s4+s23], $0x80, s25, s23, $0xb8;
	[tilespmem:$0x1C200] =	vst v63  }
0x3f: {  	_ =	swait.ge [sflag:s30], $0x4000  }
0x40: {  	[sflag:s30] =	ssyncset.done $0x0  }
0x41: {  	s13 =	sadd.s32 $0xFFFFFB20, s12;
	s14 =	simm.s32 $0x20;
	[sflag:s30] =	ssyncadd.s32 $0xFFFFC000  }
0x42: {  	[spmem:s1] =	stream.indirect.scatter.add.f32 [tilespmem:s21], [sflag:$0x5], $0x80, s23, s23, $0xb8;
	[tilespmem:$0x1C200] =	vst v63  }
0x43: {  	s14 =	sand.u32 $0x60, s14;
	s15 =	sadd.s32 $0x500, s13;
	_ =	swait.ge [sflag:s22], $0x4000  }
0x44: {  	s14 =	sadd.s32 s5, s14;
	s15 =	sand.u32 $0xFFFFF80, s15;
	[sflag:s22] =	ssyncset.done $0x0  }
0x45: {  	s14 =	sadd.s32 s15, s14;
	[sflag:s22] =	ssyncadd.s32 $0xFFFFC000  }
0x46: {  	[tilespmem:s2], [sflag:$0x3] =	stream.strided.gather [hbm4b:s14+s23], $0x100, s24, s23, $0x38;
	[tilespmem:$0x1C200] =	vst v63  }
0x47: {  	_ =	swait.ge [sflag:s26], $0x100  }
0x48: {  	[sflag:s26] =	ssyncset.done $0x0  }
0x49: {  	[sflag:s26] =	ssyncadd.s32 $0xFFFFFF00  }
0x4a: {  	[tilespmem:s21], [sflag:$0x1] =	stream.indirect.gather [hbm4b:s4+s23], $0x80, s2, s23, $0xb8;
	[tilespmem:$0x1C200] =	vst v63  }
0x4b: {  	_ =	swait.ge [sflag:s31], $0x4000  }
0x4c: {  	[sflag:s31] =	ssyncset.done $0x0  }
0x4d: {  	s16 =	simm.s32 $0x30;
	[sflag:s31] =	ssyncadd.s32 $0xFFFFC000  }
0x4e: {  	[spmem:s1] =	stream.indirect.scatter.add.f32 [tilespmem:s29], [sflag:$0x5], $0x80, s0, s23, $0xb8;
	[tilespmem:$0x1C200] =	vst v63  }
0x4f: {  	s6 =	sadd.s32 $0x510, s13;
	s14 =	sand.u32 $0x70, s16;
	_ =	swait.ge [sflag:s22], $0x4000  }
0x50: {  	s6 =	sand.u32 $0xFFFFF80, s6;
	s14 =	sadd.s32 s5, s14;
	[sflag:s22] =	ssyncset.done $0x0  }
0x51: {  	s14 =	sadd.s32 s6, s14;
	s6 =	simm.s32 $0xFFFFFB40;
	[sflag:s22] =	ssyncadd.s32 $0xFFFFC000  }
.LBB2_2:
0x52: {  	[tilespmem:s25], [sflag:$0x4] =	stream.strided.gather [hbm4b:s14+s23], $0x100, s24, s23, $0x38;
	[tilespmem:$0x1C200] =	vst v63  }
0x53: {  	s14 =	smov.u32 s6  }
0x54: {  	p0 =	sne.s32 s6, $0xFFFFFFE0;
	s6 =	sadd.s32 $0x20, s6;
	_ =	swait.ge [sflag:s28], $0x100  }
0x55: {  	[sflag:s28] =	ssyncset.done $0x0  }
0x56: {  	[sflag:s28] =	ssyncadd.s32 $0xFFFFFF00  }
0x57: {  	[tilespmem:s29], [sflag:$0x2] =	stream.indirect.gather [hbm4b:s4+s23], $0x80, s25, s23, $0xb8;
	[tilespmem:$0x1C200] =	vst v63  }
0x58: {  	_ =	swait.ge [sflag:s30], $0x4000  }
0x59: {  	[sflag:s30] =	ssyncset.done $0x0  }
0x5a: {  	s15 =	sadd.s32 s14, s12;
	s16 =	sadd.s32 $0x500, s14;
	[sflag:s30] =	ssyncadd.s32 $0xFFFFC000  }
0x5b: {  	[spmem:s1] =	stream.indirect.scatter.add.f32 [tilespmem:s21], [sflag:$0x5], $0x80, s23, s23, $0xb8;
	[tilespmem:$0x1C200] =	vst v63  }
0x5c: {  	s13 =	sadd.s32 $0x500, s15;
	s16 =	sand.u32 $0x60, s16;
	_ =	swait.ge [sflag:s22], $0x4000  }
0x5d: {  	s13 =	sand.u32 $0xFFFFF80, s13;
	s16 =	sadd.s32 s5, s16;
	[sflag:s22] =	ssyncset.done $0x0  }
0x5e: {  	s15 =	sadd.s32 $0x510, s15;
	s13 =	sadd.s32 s13, s16;
	[sflag:s22] =	ssyncadd.s32 $0xFFFFC000  }
0x5f: {  	[tilespmem:s2], [sflag:$0x3] =	stream.strided.gather [hbm4b:s13+s23], $0x100, s24, s23, $0x38;
	[tilespmem:$0x1C200] =	vst v63  }
0x60: {  	_ =	swait.ge [sflag:s26], $0x100  }
0x61: {  	[sflag:s26] =	ssyncset.done $0x0  }
0x62: {  	[sflag:s26] =	ssyncadd.s32 $0xFFFFFF00  }
0x63: {  	[tilespmem:s21], [sflag:$0x1] =	stream.indirect.gather [hbm4b:s4+s23], $0x80, s2, s23, $0xb8;
	[tilespmem:$0x1C200] =	vst v63  }
0x64: {  	_ =	swait.ge [sflag:s31], $0x4000  }
0x65: {  	[sflag:s31] =	ssyncset.done $0x0  }
.Ltmp0:
0x66: {  	s13 =	sadd.s32 $0x510, s14;
	[sflag:s31] =	ssyncadd.s32 $0xFFFFC000;
	(pc) =	sbr.rel @p0 .LBB2_2-.Ltmp0, $4  }
0x67: {  	[spmem:s1] =	stream.indirect.scatter.add.f32 [tilespmem:s29], [sflag:$0x5], $0x80, s0, s23, $0xb8;
	[tilespmem:$0x1C200] =	vst v63  }
0x68: {  	s13 =	sand.u32 $0x70, s13;
	_ =	swait.ge [sflag:s22], $0x4000  }
0x69: {  	s14 =	sand.u32 $0xFFFFF80, s15;
	s13 =	sadd.s32 s5, s13;
	[sflag:s22] =	ssyncset.done $0x0  }
0x6a: {  	s14 =	sadd.s32 s14, s13;
	[sflag:s22] =	ssyncadd.s32 $0xFFFFC000  }
0x6b: {  	[tilespmem:s25], [sflag:$0x4] =	stream.strided.gather [hbm4b:s14+s23], $0x100, s24, s23, $0x38;
	[tilespmem:$0x1C200] =	vst v63  }
0x6c: {  	_ =	swait.ge [sflag:s28], $0x100  }
0x6d: {  	[sflag:s28] =	ssyncset.done $0x0  }
0x6e: {  	[sflag:s28] =	ssyncadd.s32 $0xFFFFFF00  }
0x6f: {  	[tilespmem:s29], [sflag:$0x2] =	stream.indirect.gather [hbm4b:s4+s23], $0x80, s25, s23, $0xb8;
	[tilespmem:$0x1C200] =	vst v63  }
0x70: {  	_ =	swait.ge [sflag:s30], $0x4000  }
0x71: {  	[sflag:s30] =	ssyncset.done $0x0  }
0x72: {  	[sflag:s30] =	ssyncadd.s32 $0xFFFFC000  }
0x73: {  	[spmem:s1] =	stream.indirect.scatter.add.f32 [tilespmem:s21], [sflag:$0x5], $0x80, s23, s23, $0xb8;
	[tilespmem:$0x1C200] =	vst v63  }
0x74: {  	_ =	swait.ge [sflag:s22], $0x4000  }
0x75: {  	[sflag:s22] =	ssyncset.done $0x0  }
0x76: {  	[sflag:s22] =	ssyncadd.s32 $0xFFFFC000  }
0x77: {  	_ =	swait.ge [sflag:s31], $0x4000  }
0x78: {  	[sflag:s31] =	ssyncset.done $0x0  }
0x79: {  	[sflag:s31] =	ssyncadd.s32 $0xFFFFC000  }
0x7a: {  	[spmem:s1] =	stream.indirect.scatter.add.f32 [tilespmem:s29], [sflag:$0x5], $0x80, s0, s23, $0xb8;
	[tilespmem:$0x1C200] =	vst v63  }
0x7b: {  	_ =	swait.ge [sflag:s22], $0x4000  }
0x7c: {  	[sflag:s22] =	ssyncset.done $0x0  }
0x7d: {  	[sflag:s22] =	ssyncadd.s32 $0xFFFFC000  }
0x7e: {  	[bflag:$0x0] =	sbarrier.arrive $0xFFFF  }
0x7f: {  	[tilespmem:s21], [sflag:$0x5] =	stream.linear.gather [spmem:s7], $0x4000, $0x38;
	[tilespmem:$0x1C200] =	vst v63  }
0x80: {  	_ =	swait.ge [sflag:s22], $0x4000  }
0x81: {  	[sflag:s22] =	ssyncset.done $0x0  }
0x82: {  	s6 =	rddreg [dreg:$0x6];
	[sflag:s22] =	ssyncadd.s32 $0xFFFFC000  }
0x83: {  	[hbm4b:s6+s2] =	stream.linear.scatter [tilespmem:s21], [sflag:$0x5], $0x4000, $0x38;
	[tilespmem:$0x1C200] =	vst v63  }
0x84: {  	_ =	swait.ge [sflag:s22], $0x4000  }
0x85: {  	[sflag:s22] =	ssyncset.done $0x0  }
0x86: {  	[sflag:s22] =	ssyncadd.s32 $0xFFFFC000  }
0x87: {  	[tilespmem:s21], [sflag:$0x5] =	stream.linear.gather [spmem:s8], $0x4000, $0x38;
	[tilespmem:$0x1C200] =	vst v63  }
0x88: {  	_ =	swait.ge [sflag:s22], $0x4000  }
0x89: {  	[sflag:s22] =	ssyncset.done $0x0  }
0x8a: {  	s16 =	rddreg [dreg:$0x7];
	[sflag:s22] =	ssyncadd.s32 $0xFFFFC000  }
0x8b: {  	[hbm4b:s16+s2] =	stream.linear.scatter [tilespmem:s21], [sflag:$0x5], $0x4000, $0x38;
	[tilespmem:$0x1C200] =	vst v63  }
0x8c: {  	_ =	swait.ge [sflag:s22], $0x4000  }
0x8d: {  	[sflag:s22] =	ssyncset.done $0x0  }
0x8e: {  	[sflag:s22] =	ssyncadd.s32 $0xFFFFC000  }
0x8f: {  	[tilespmem:s21], [sflag:$0x5] =	stream.linear.gather [spmem:s9], $0x4000, $0x38;
	[tilespmem:$0x1C200] =	vst v63  }
0x90: {  	_ =	swait.ge [sflag:s22], $0x4000  }
0x91: {  	[sflag:s22] =	ssyncset.done $0x0  }
0x92: {  	[sflag:s22] =	ssyncadd.s32 $0xFFFFC000  }
0x93: {  	[hbm4b:s17+s2] =	stream.linear.scatter [tilespmem:s21], [sflag:$0x5], $0x4000, $0x38;
	[tilespmem:$0x1C200] =	vst v63  }
0x94: {  	_ =	swait.ge [sflag:s22], $0x4000  }
0x95: {  	[sflag:s22] =	ssyncset.done $0x0  }
0x96: {  	[sflag:s22] =	ssyncadd.s32 $0xFFFFC000  }
0x97: {  	[tilespmem:s21], [sflag:$0x5] =	stream.linear.gather [spmem:s10], $0x4000, $0x38;
	[tilespmem:$0x1C200] =	vst v63  }
0x98: {  	_ =	swait.ge [sflag:s22], $0x4000  }
0x99: {  	[sflag:s22] =	ssyncset.done $0x0  }
0x9a: {  	[sflag:s22] =	ssyncadd.s32 $0xFFFFC000  }
0x9b: {  	[hbm4b:s18+s2] =	stream.linear.scatter [tilespmem:s21], [sflag:$0x5], $0x4000, $0x38;
	[tilespmem:$0x1C200] =	vst v63  }
0x9c: {  	_ =	swait.ge [sflag:s22], $0x4000  }
0x9d: {  	[sflag:s22] =	ssyncset.done $0x0  }
0x9e: {  	[sflag:s22] =	ssyncadd.s32 $0xFFFFC000  }
0x9f: {  	[tilespmem:s21], [sflag:$0x5] =	stream.linear.gather [spmem:s11], $0x4000, $0x38;
	[tilespmem:$0x1C200] =	vst v63  }
0xa0: {  	s3 =	sadd.s32 $0x1, s3;
	_ =	swait.ge [sflag:s22], $0x4000  }
0xa1: {  	p0 =	sne.s32 s3, s20;
	[sflag:s22] =	ssyncset.done $0x0  }
.Ltmp1:
0xa2: {  	[sflag:s22] =	ssyncadd.s32 $0xFFFFC000;
	(pc) =	sbr.rel @p0 .LBB2_1-.Ltmp1, $4  }
0xa3: {  	[hbm4b:s19+s2] =	stream.linear.scatter [tilespmem:s21], [sflag:$0x5], $0x4000, $0x38;
	[tilespmem:$0x1C200] =	vst v63  }
0xa4: {  	_ =	swait.ge [sflag:s22], $0x4000  }
0xa5: {  	[sflag:s22] =	ssyncset.done $0x0  }
0xa6: {  	[sflag:s22] =	ssyncadd.s32 $0xFFFFC000  }
0xa7: {  	_ =	sfence.sel $0x180000  }
0xa8: {  	[bflag:$0x0] =	sbarrier.arrive $0xFFFF  }
0xa9: {  	_ =	strace $0x9000004A  }
0xaa: {  	s0 =	stileid.u32;
	[bflag:$0x2] =	sbarrier.arrive $0xFFFF  }
0xab: {  	p0 =	sne.s32 s0, $0x0;
	s0 =	rddreg [dreg:$0x2]  }
0xac: {  	s0 =	sadd.s32 @!p0 $0x100000, s0  }
0xad: {  	[sflag:s0] =	ssyncadd.tile.s32 @!p0 $0x1;
	_ =	shalt  }
.Lfunc_end2:
_tile_overlayer_lowered:
.L_overlay_start_2:
0xae: {  	(tag) =	ssettag $0x2  }
0xaf: {  	s0 =	rddreg [dreg:$0x0];
	s2 =	stileid.u32  }
0xb0: {  	s1 =	rddreg [dreg:$0x1];
	p0 =	sne.s32 s2, $0x0  }
0xb1: {  	s3 =	rddreg [dreg:$0x2];
	[bflag:$0x3] =	sbarrier.arrive $0xFFFF;
	s2 =	simm.s32 @!p0 $0x1C05  }
0xb2: {  	[timem:s3], [sflag:s2] =	dma.local @!p0 [hbm:s0], s1  }
0xb3: {  	s0 =	simm.s32 @!p0 $0x5  }
0xb4: {  	_ =	swait.ge @!p0 [sflag:s0], s1  }
0xb5: {  	s1 =	ssub.s32 @!p0 $0x0, s1;
	[sflag:s0] =	ssyncset.done @!p0 $0x0  }
0xb6: {  	[sflag:s0] =	ssyncadd.s32 @!p0 s1  }
0xb7: {  	[bflag:$0x3] =	sbarrier.arrive $0xFFFF  }
0xb8: {  	_ =	shalt  }

// kernel: kernel.14.cloned.1.call-start
scs
__scs_entry_jumppad:
0x0: {  	(pc) =	sbr.rel $0x88, $3  }
0x1: {  	(tag) =	ssettag $0x0;
	lr =	simm.s32 $0x1  }
0x2: {  	[smem:$0x3F97] =	sst lr;
	_ =	strace $0xD0000000  }
0x3: {  	_ = 	snop  }
0x4: {  	_ = 	snop  }
0x5: {  	_ = 	snop  }
0x6: {  	_ = 	snop  }
0x7: {  	_ = 	snop  }
__scs_overlays_trampoline_lowered:
0x8: {  	[smem:$0x3FA6] =	sst s0  }
0x9: {  	[smem:$0x3FA7] =	sst s1  }
0xa: {  	[smem:$0x3FA8] =	sst s2  }
0xb: {  	[smem:$0x3FA9] =	sst s3  }
0xc: {  	[smem:$0x3FAA] =	sst s4  }
0xd: {  	[smem:$0x3FAB] =	sst s5  }
0xe: {  	[smem:$0x3FAC] =	sst s6  }
0xf: {  	[smem:$0x3FAD] =	sst s7  }
0x10: {  	[smem:$0x3FAE] =	sst s8  }
0x11: {  	[smem:$0x3FAF] =	sst s9;
	s0 =	simm.s32 @!p0 $0x0  }
0x12: {  	s1 =	sld [smem:$0x3F95];
	s0 =	simm.s32 @p0 $0x1  }
0x13: {  	[smem:$0x3FB0] =	sst s0;
	s0 =	simm.s32 @!p1 $0x0  }
0x14: {  	s2 =	sld [smem:$0x3F94];
	s0 =	simm.s32 @p1 $0x1  }
0x15: {  	[smem:$0x3FB1] =	sst s0;
	s0 =	simm.s32 @!p2 $0x0  }
0x16: {  	s3 =	sld [smem:$0x3FDB];
	s0 =	simm.s32 @p2 $0x1  }
0x17: {  	s4 =	simm.s32 $0x1BF5;
	[smem:$0x3FB3] =	sst s0  }
0x18: {  	s0 =	sld [smem:$0x3F96];
	_ =	swait.ge [sflag:s4], $0x0  }
0x19: {  	s7 =	sld [smem:$0x3F97]  }
0x1a: {  	s8 =	sadd.s32 $0xFFFFE003, lr  }
0x1b: {  	s9 =	sadd.s32 $0xFFFFFEF7, lr;
	s5 =	simm.s32 $0xFFFFFFFF;
	p2 =	slt.u32 s8, $0xFFFFF086  }
0x1c: {  	p1 =	slt.u32 s9, $0xF7A;
	s5 =	simm.s32 @!p2 $0x0  }
0x1d: {  	s5 =	simm.s32 @p1 $0x1;
	p0 =	seq.s32 s7, s2  }
0x1e: {  	s7 =	smul.u32 @!p0 $0xF7A, s2;
	p2 =	seq.s32 @!p0 s5, $0x0  }
0x1f: {  	s9 =	smul.u32 $0xF7A, s1;
	s8 =	simm.s32 @!p0 $0x1BF5;
	p2 =	por !p2, p0  }
0x20: {  	[sflag:s8] =	ssyncset.s32 @!p0 $0xFFFFF086;
	s6 =	sadd.s32 @!p0 s3, s7;
	s7 =	simm.s32 @!p0 $0x108  }
0x21: {  	s3 =	sadd.s32 s3, s9;
	s6 =	sadd.s32 @!p0 $0x88, s6;
	s7 =	simm.s32 @p2 $0x1082  }
0x22: {  	[simem:s7], [sflag:s8] =	dma.local @!p0 [hbm:s6], $0xF7A  }
0x23: {  	s9 =	sor.u32 $0xD0000000, s2;
	s6 =	simm.s32 $0x108;
	_ =	swait.ge @!p0 [sflag:s8], $0x0  }
0x24: {  	s3 =	sadd.s32 $0x88, s3;
	s6 =	simm.s32 @!p1 $0x1082;
	[sflag:s4] =	ssyncset.s32 $0xFFFFF086  }
0x25: {  	[simem:s6], [sflag:s4] =	dma.local [hbm:s3], $0xF7A  }
0x26: {  	[smem:$0x3F97] =	sst s1;
	(tag) =	ssettag s2;
	_ =	strace s9  }
0x27: {  	s1 =	sld [smem:$0x3FA7]  }
0x28: {  	s2 =	sld [smem:$0x3FA8]  }
0x29: {  	s4 =	sld [smem:$0x3FAA]  }
0x2a: {  	p0 =	seq.s32 s5, $0x0;
	s5 =	sld [smem:$0x3FAB]  }
0x2b: {  	s6 =	sld [smem:$0x3FAC]  }
0x2c: {  	s7 =	sld [smem:$0x3FAD]  }
0x2d: {  	s3 =	simm.s32 $0x108;
	s8 =	sld [smem:$0x3FAE]  }
0x2e: {  	s3 =	simm.s32 @!p0 $0x1082;
	s9 =	sld [smem:$0x3FAF]  }
0x2f: {  	lr =	sadd.s32 s0, s3;
	s0 =	sld [smem:$0x3FA6]  }
0x30: {  	s3 =	sld [smem:$0x3FA9]  }
0x31: {  	[smem:$0x3FB2] =	sst s10  }
0x32: {  	s10 =	sld [smem:$0x3FB0];
	_ =	sdelay $0x3  }
0x33: {  	p0 =	seq.s32 s10, $0x1;
	s10 =	sld [smem:$0x3FB2];
	_ =	sdelay $0x3  }
0x34: {  	[smem:$0x3FB2] =	sst s10  }
0x35: {  	s10 =	sld [smem:$0x3FB1];
	_ =	sdelay $0x3  }
0x36: {  	p1 =	seq.s32 s10, $0x1;
	s10 =	sld [smem:$0x3FB2];
	_ =	sdelay $0x3  }
0x37: {  	[smem:$0x3FB2] =	sst s10  }
0x38: {  	s10 =	sld [smem:$0x3FB3]  }
0x39: {  	_ = 	snop;
	(pc) =	sbr.ind lr, $3  }
0x3a: {  	_ = 	snop  }
0x3b: {  	_ = 	snop  }
0x3c: {  	p2 =	seq.s32 s10, $0x1;
	s10 =	sld [smem:$0x3FB2]  }
0x3d: {  	_ =	shalt  }
0x3e: {  	_ =	shalt  }
0x3f: {  	_ =	shalt  }
0x40: {  	_ =	shalt  }
0x41: {  	_ =	shalt  }
0x42: {  	_ =	shalt  }
0x43: {  	_ =	shalt  }
0x44: {  	_ =	shalt  }
0x45: {  	_ =	shalt  }
0x46: {  	_ =	shalt  }
0x47: {  	_ =	shalt  }
0x48: {  	_ =	shalt  }
0x49: {  	_ =	shalt  }
0x4a: {  	_ =	shalt  }
0x4b: {  	_ =	shalt  }
0x4c: {  	_ =	shalt  }
0x4d: {  	_ =	shalt  }
0x4e: {  	_ =	shalt  }
0x4f: {  	_ =	shalt  }
0x50: {  	_ =	shalt  }
0x51: {  	_ =	shalt  }
0x52: {  	_ =	shalt  }
0x53: {  	_ =	shalt  }
0x54: {  	_ =	shalt  }
0x55: {  	_ =	shalt  }
0x56: {  	_ =	shalt  }
0x57: {  	_ =	shalt  }
0x58: {  	_ =	shalt  }
0x59: {  	_ =	shalt  }
0x5a: {  	_ =	shalt  }
0x5b: {  	_ =	shalt  }
0x5c: {  	_ =	shalt  }
0x5d: {  	_ =	shalt  }
0x5e: {  	_ =	shalt  }
0x5f: {  	_ =	shalt  }
0x60: {  	_ =	shalt  }
0x61: {  	_ =	shalt  }
0x62: {  	_ =	shalt  }
0x63: {  	_ =	shalt  }
0x64: {  	_ =	shalt  }
0x65: {  	_ =	shalt  }
0x66: {  	_ =	shalt  }
0x67: {  	_ =	shalt  }
0x68: {  	_ =	shalt  }
0x69: {  	_ =	shalt  }
0x6a: {  	_ =	shalt  }
0x6b: {  	_ =	shalt  }
0x6c: {  	_ =	shalt  }
0x6d: {  	_ =	shalt  }
0x6e: {  	_ =	shalt  }
0x6f: {  	_ =	shalt  }
0x70: {  	_ =	shalt  }
0x71: {  	_ =	shalt  }
0x72: {  	_ =	shalt  }
0x73: {  	_ =	shalt  }
0x74: {  	_ =	shalt  }
0x75: {  	_ =	shalt  }
0x76: {  	_ =	shalt  }
0x77: {  	_ =	shalt  }
0x78: {  	_ =	shalt  }
0x79: {  	_ =	shalt  }
0x7a: {  	_ =	shalt  }
0x7b: {  	_ =	shalt  }
0x7c: {  	_ =	shalt  }
0x7d: {  	_ =	shalt  }
0x7e: {  	_ =	shalt  }
0x7f: {  	_ =	shalt  }
0x80: {  	_ =	shalt  }
0x81: {  	_ =	shalt  }
0x82: {  	_ =	shalt  }
0x83: {  	_ =	shalt  }
0x84: {  	_ =	shalt  }
0x85: {  	_ =	shalt  }
0x86: {  	_ =	shalt  }
0x87: {  	_ =	shalt  }
.Lfunc_end0:
.L_simem_size_0:
called_computation.2_lowered:
.L_overlay_start_0:
0x88: {  	s2 =	sld [smem:$0x3FD9]  }
0x89: {  	s3 =	sld [smem:$0x3FFE];
	_ =	sdelay $0x1  }
0x8a: {  	s1 =	srdreg.scid  }
0x8b: {  	s0 =	sand.u32 $0x1, s1  }
0x8c: {  	s16 =	sshll.u32 s0, $0xA;
	s2 =	sadd.s32 s3, s2  }
0x8d: {  	s2 =	sadd.s32 s2, s16  }
0x8e: {  	[smem:$0x3FBE] =	sst s2  }
0x8f: {  	_ = 	snop  }
0x90: {  	(tm) =	ssettm $0x1  }
0x91: {  	s17 =	sld [smem:$0x3FFB];
	_ =	sdelay $0x3  }
0x92: {  	_ =	strace s17  }
0x93: {  	s2 =	sld [smem:$0x3FFC];
	_ =	sdelay $0x3  }
0x94: {  	_ =	strace s2  }
0x95: {  	s2 =	sld [smem:$0x3FFD];
	_ =	sdelay $0x3  }
0x96: {  	_ =	strace s2  }
0x97: {  	_ =	strace $0x8FFFFFFF  }
0x98: {  	s18 =	sld [smem:$0x3FDB];
	_ =	sdelay $0x1  }
0x99: {  	s19 =	simm.s32 $_scs_section_size  }
0x9a: {  	s4 =	simm.s32 $_size__tile_overlayer_lowered;
	s5 =	simm.s32 $_tile_overlayer_lowered  }
0x9b: {  	s22 =	simm.s32 $0x1BFF;
	s21 =	sshll.u32 s5, $0x1;
	s2 =	sadd.s32 s19, s18  }
0x9c: {  	s6 =	simm.s32 $0x0;
	s20 =	sshll.u32 s4, $0x1;
	s4 =	sadd.s32 s21, s2  }
0x9d: {  	[timem:s6], [sflag:s22] =	dma.local [hbm:s4], s20  }
0x9e: {  	_ =	swait.ge [sflag:s22], s20  }
0x9f: {  	s3 =	ssub.s32 $0x0, s20;
	[sflag:s22] =	ssyncset.done $0x0  }
0xa0: {  	[sflag:s22] =	ssyncadd.s32 s3;
	_ =	sdelay $0x1  }
0xa1: {  	s23 =	simm.s32 $0x1B8B  }
0xa2: {  	_ =	swait.ge [sflag:s23], $0x1  }
0xa3: {  	[sflag:s23] =	ssyncset.done $0x0  }
0xa4: {  	s25 =	simm.s32 $0x1B8E;
	s24 =	sld [smem:$0x3FFE];
	[sflag:s23] =	ssyncadd.s32 $0xFFFFFFFF  }
0xa5: {  	s26 =	simm.s32 $execute0_lowered;
	[smem:$0x3FD2] =	sst s25  }
0xa6: {  	s4 =	sshll.u32 s26, $0x1;
	_ =	strace $0x8000004C;
	[dreg:$0x1] =	wrdreg $0xFFFFFFFF  }
0xa7: {  	s28 =	simm.s32 $_size_execute0_lowered;
	s2 =	sadd.s32 s2, s4;
	[dreg:$0x0] =	wrdreg $0x0  }
0xa8: {  	s4 =	sshll.u32 s28, $0x1;
	[dreg:$0x2] =	wrdreg s2  }
0xa9: {  	[dreg:$0x3] =	wrdreg s4  }
0xaa: {  	[dreg:$0x4] =	wrdreg $0xC0  }
0xab: {  	_ =	task [dreg:s6], $0x5FFFF  }
0xac: {  	[dreg:$0x1] =	wrdreg $0xFFFFFFFF  }
0xad: {  	[dreg:$0x0] =	wrdreg $0x60  }
0xae: {  	[dreg:$0x2] =	wrdreg s24  }
0xaf: {  	[dreg:$0x3] =	wrdreg $0x82000  }
0xb0: {  	[dreg:$0x4] =	wrdreg $0x9  }
0xb1: {  	_ =	task.clear_ibuf [dreg:s6], $0x5FFFF;
	_ =	strace $0x9000004C  }
0xb2: {  	s29 =	simm.s32 $0x9;
	_ =	strace $0x8000004E  }
0xb3: {  	_ =	swait.ge [sflag:s29], $0x1  }
0xb4: {  	[sflag:s29] =	ssyncadd.s32 $0xFFFFFFFF  }
0xb5: {  	_ =	strace $0x9000004E  }
0xb6: {  	_ =	sfence  }
0xb7: {  	s30 =	sld [smem:$0x0];
	_ =	sdelay $0x2  }
0xb8: {  	s31 =	sshll.u32 s1, $0xD;
	s1 =	sshrl.u32 s1, $0x2  }
0xb9: {  	s3 =	sand.u32 $0x4000, s31;
	s1 =	sadd.s32 s1, s30  }
0xba: {  	s0 =	sor.u32 s3, s0;
	s1 =	sshll.u32 s1, $0x11  }
0xbb: {  	s0 =	sor.u32 s1, s0  }
0xbc: {  	s0 =	sadd.s32 $0x8F2B, s0  }
0xbd: {  	[sflag:s0] =	ssyncadd.remote.s32 $0x1  }
0xbe: {  	_ =	sfence.sel $0xFFFF  }
0xbf: {  	[dreg:$0x0] =	wrdreg $0xFFFFFFFF;
	(pc) =	sbr.abs _section_cstart, $3  }
0xc0: {  	[dreg:$0x1] =	wrdreg $0xFFFFFFFF  }
0xc1: {  	_ =	task.clear_ibuf [dreg:s6], $0x2FFFF;
	_ =	strace $0x9FFFFFFF  }
0xc2: {  	(tm) =	ssettm $0x7FFFFFFF  }
0xc3: {  	_ =	shalt  }
tec
execute0_lowered:
.L_overlay_start_1:
0x0: {  	(tag) =	ssettag $0x1  }
0x1: {  	s0 =	rddreg [dreg:$0x0]  }
0x2: {  	s1 =	rddreg [dreg:$0x1]  }
0x3: {  	s2 =	simm.s32 $0x0;
	s3 =	srdreg.scid;
	s10 =	stileid.u32  }
0x4: {  	s28 =	simm.s32 $0x4;
	s29 =	simm.s32 $0x4200;
	s30 =	simm.s32 $0x1  }
0x5: {  	s31 =	simm.s32 $0x2;
	[smem:$0x7FF] =	sst s2;
	s7 =	smul.u32 $0x50, s10  }
0x6: {  	s4 =	sadd.s32 $0x67600, s0;
	s3 =	sand.u32 $0x1, s3;
	s9 =	smul.u32 $0x50000, s10  }
0x7: {  	s5 =	sadd.s32 $0x2E00, s0;
	s8 =	sadd.s32 $0x16E00, s0;
	s14 =	smul.u32 $0x14000, s10  }
0x8: {  	s0 =	sadd.s32 $0x8F600, s0;
	_ =	strace $0x8000004D;
	s6 =	ssub.s32 $0x2, s3  }
0x9: {  	[dreg:$0x3] =	wrdreg s8;
	p0 =	seq.s32 s3, $0x0;
	s3 =	smul.u32 $0x140000, s3  }
0xa: {  	s21 =	sshrl.u32 s6, $0x1;
	s12 =	sadd.s32 $0x500, s7;
	s22 =	sshrl.u32 s9, $0x2  }
0xb: {  	s15 =	sadd.s32 $0x4000, s14;
	s17 =	sadd.s32 $0x8000, s14;
	s18 =	sadd.s32 $0xC000, s14  }
0xc: {  	s19 =	sadd.s32 $0x10000, s14;
	s6 =	ssub.s32 s6, s21;
	s12 =	smov.u32 @p0 s7  }
0xd: {  	s7 =	sadd.s32 s22, s1;
	s8 =	sadd.s32 s15, s1;
	s9 =	sadd.s32 s17, s1  }
0xe: {  	s10 =	sadd.s32 s18, s1;
	s11 =	sadd.s32 s19, s1;
	s14 =	sadd.s32 s14, s3  }
0xf: {  	s15 =	sadd.s32 s3, s15;
	s25 =	sadd.s32 s3, s17;
	s18 =	sadd.s32 s3, s18  }
0x10: {  	s3 =	sadd.s32 s3, s19;
	s21 =	simm.s32 $0x200;
	s22 =	simm.s32 $0x5  }
0x11: {  	s12 =	sshll.u32 s12, $0x4;
	s14 =	sshrl.u32 s14, $0x3;
	s16 =	sshrl.u32 s15, $0x3  }
0x12: {  	s26 =	sshrl.u32 s18, $0x3;
	s3 =	sshrl.u32 s3, $0x3;
	s20 =	smax.u32 s6, $0x1  }
0x13: {  	s13 =	sadd.s32 s5, s12;
	s23 =	sadd.s32 s0, s14;
	s24 =	sadd.s32 s0, s16  }
0x14: {  	s14 =	sshrl.u32 s25, $0x3;
	s18 =	sadd.s32 s0, s26;
	s19 =	sadd.s32 s0, s3  }
0x15: {  	s25 =	simm.s32 $0x100;
	s26 =	simm.s32 $0x3;
	[dreg:$0x4] =	wrdreg s13  }
0x16: {  	s3 =	simm.s32 $0x0;
	s13 =	sadd.s32 $0x10, s13;
	[dreg:$0x6] =	wrdreg s23  }
0x17: {  	[dreg:$0x7] =	wrdreg s24;
	s17 =	sadd.s32 s0, s14;
	s23 =	simm.s32 $0x80  }
0x18: {  	s24 =	simm.s32 $0x50000;
	s0 =	simm.s32 $0x180;
	[dreg:$0x5] =	wrdreg s13  }
.LBB2_1:
0x19: {  	s6 =	rddreg [dreg:$0x3]  }
0x1a: {  	[tilespmem:s21], [sflag:$0x5] =	stream.linear.gather [hbm4b:s6+s2], $0x4000, $0x38;
	[tilespmem:$0x1C200] =	vst v63  }
0x1b: {  	_ =	swait.ge [sflag:s22], $0x4000  }
0x1c: {  	[sflag:s22] =	ssyncset.done $0x0  }
0x1d: {  	[sflag:s22] =	ssyncadd.s32 $0xFFFFC000  }
0x1e: {  	[spmem:s7] =	stream.linear.scatter [tilespmem:s21], [sflag:$0x5], $0x4000, $0x38;
	[tilespmem:$0x1C200] =	vst v63  }
0x1f: {  	_ =	swait.ge [sflag:s22], $0x4000  }
0x20: {  	[sflag:s22] =	ssyncset.done $0x0  }
0x21: {  	[sflag:s22] =	ssyncadd.s32 $0xFFFFC000  }
0x22: {  	[spmem:s8] =	stream.linear.scatter [tilespmem:s21], [sflag:$0x5], $0x4000, $0x38;
	[tilespmem:$0x1C200] =	vst v63  }
0x23: {  	_ =	swait.ge [sflag:s22], $0x4000  }
0x24: {  	[sflag:s22] =	ssyncset.done $0x0  }
0x25: {  	[sflag:s22] =	ssyncadd.s32 $0xFFFFC000  }
0x26: {  	[spmem:s9] =	stream.linear.scatter [tilespmem:s21], [sflag:$0x5], $0x4000, $0x38;
	[tilespmem:$0x1C200] =	vst v63  }
0x27: {  	_ =	swait.ge [sflag:s22], $0x4000  }
0x28: {  	[sflag:s22] =	ssyncset.done $0x0  }
0x29: {  	[sflag:s22] =	ssyncadd.s32 $0xFFFFC000  }
0x2a: {  	[spmem:s10] =	stream.linear.scatter [tilespmem:s21], [sflag:$0x5], $0x4000, $0x38;
	[tilespmem:$0x1C200] =	vst v63  }
0x2b: {  	_ =	swait.ge [sflag:s22], $0x4000  }
0x2c: {  	[sflag:s22] =	ssyncset.done $0x0  }
0x2d: {  	[sflag:s22] =	ssyncadd.s32 $0xFFFFC000  }
0x2e: {  	[spmem:s11] =	stream.linear.scatter [tilespmem:s21], [sflag:$0x5], $0x4000, $0x38;
	[tilespmem:$0x1C200] =	vst v63  }
0x2f: {  	_ =	swait.ge [sflag:s22], $0x4000  }
0x30: {  	[sflag:s22] =	ssyncset.done $0x0  }
0x31: {  	[sflag:s22] =	ssyncadd.s32 $0xFFFFC000  }
0x32: {  	[bflag:$0x0] =	sbarrier.arrive $0xFFFF  }
0x33: {  	s15 =	rddreg [dreg:$0x4]  }
0x34: {  	[tilespmem:s2], [sflag:$0x3] =	stream.strided.gather [hbm4b:s15+s23], $0x100, s24, s23, $0x38;
	[tilespmem:$0x1C200] =	vst v63  }
0x35: {  	s16 =	rddreg [dreg:$0x5]  }
0x36: {  	[tilespmem:s25], [sflag:$0x4] =	stream.strided.gather [hbm4b:s16+s23], $0x100, s24, s23, $0x38;
	[tilespmem:$0x1C200] =	vst v63  }
0x37: {  	_ =	swait.ge [sflag:s26], $0x100  }
0x38: {  	[sflag:s26] =	ssyncset.done $0x0  }
0x39: {  	[sflag:s26] =	ssyncadd.s32 $0xFFFFFF00  }
0x3a: {  	[tilespmem:s21], [sflag:$0x1] =	stream.indirect.gather [hbm4b:s4+s23], $0x80, s2, s23, $0xb8;
	[tilespmem:$0x1C200] =	vst v63  }
0x3b: {  	_ =	swait.ge [sflag:s28], $0x100  }
0x3c: {  	[sflag:s28] =	ssyncset.done $0x0  }
0x3d: {  	[sflag:s28] =	ssyncadd.s32 $0xFFFFFF00  }
0x3e: {  	[tilespmem:s29], [sflag:$0x2] =	stream.indirect.gather [hbm4b:s4+s23], $0x80, s25, s23, $0xb8;
	[tilespmem:$0x1C200] =	vst v63  }
0x3f: {  	_ =	swait.ge [sflag:s30], $0x4000  }
0x40: {  	[sflag:s30] =	ssyncset.done $0x0  }
0x41: {  	s13 =	sadd.s32 $0xFFFFFB20, s12;
	s14 =	simm.s32 $0x20;
	[sflag:s30] =	ssyncadd.s32 $0xFFFFC000  }
0x42: {  	[spmem:s1] =	stream.indirect.scatter.add.f32 [tilespmem:s21], [sflag:$0x5], $0x80, s23, s23, $0xb8;
	[tilespmem:$0x1C200] =	vst v63  }
0x43: {  	s14 =	sand.u32 $0x60, s14;
	s15 =	sadd.s32 $0x500, s13;
	_ =	swait.ge [sflag:s22], $0x4000  }
0x44: {  	s14 =	sadd.s32 s5, s14;
	s15 =	sand.u32 $0xFFFFF80, s15;
	[sflag:s22] =	ssyncset.done $0x0  }
0x45: {  	s14 =	sadd.s32 s15, s14;
	[sflag:s22] =	ssyncadd.s32 $0xFFFFC000  }
0x46: {  	[tilespmem:s2], [sflag:$0x3] =	stream.strided.gather [hbm4b:s14+s23], $0x100, s24, s23, $0x38;
	[tilespmem:$0x1C200] =	vst v63  }
0x47: {  	_ =	swait.ge [sflag:s26], $0x100  }
0x48: {  	[sflag:s26] =	ssyncset.done $0x0  }
0x49: {  	[sflag:s26] =	ssyncadd.s32 $0xFFFFFF00  }
0x4a: {  	[tilespmem:s21], [sflag:$0x1] =	stream.indirect.gather [hbm4b:s4+s23], $0x80, s2, s23, $0xb8;
	[tilespmem:$0x1C200] =	vst v63  }
0x4b: {  	_ =	swait.ge [sflag:s31], $0x4000  }
0x4c: {  	[sflag:s31] =	ssyncset.done $0x0  }
0x4d: {  	s16 =	simm.s32 $0x30;
	[sflag:s31] =	ssyncadd.s32 $0xFFFFC000  }
0x4e: {  	[spmem:s1] =	stream.indirect.scatter.add.f32 [tilespmem:s29], [sflag:$0x5], $0x80, s0, s23, $0xb8;
	[tilespmem:$0x1C200] =	vst v63  }
0x4f: {  	s6 =	sadd.s32 $0x510, s13;
	s14 =	sand.u32 $0x70, s16;
	_ =	swait.ge [sflag:s22], $0x4000  }
0x50: {  	s6 =	sand.u32 $0xFFFFF80, s6;
	s14 =	sadd.s32 s5, s14;
	[sflag:s22] =	ssyncset.done $0x0  }
0x51: {  	s14 =	sadd.s32 s6, s14;
	s6 =	simm.s32 $0xFFFFFB40;
	[sflag:s22] =	ssyncadd.s32 $0xFFFFC000  }
.LBB2_2:
0x52: {  	[tilespmem:s25], [sflag:$0x4] =	stream.strided.gather [hbm4b:s14+s23], $0x100, s24, s23, $0x38;
	[tilespmem:$0x1C200] =	vst v63  }
0x53: {  	s14 =	smov.u32 s6  }
0x54: {  	p0 =	sne.s32 s6, $0xFFFFFFE0;
	s6 =	sadd.s32 $0x20, s6;
	_ =	swait.ge [sflag:s28], $0x100  }
0x55: {  	[sflag:s28] =	ssyncset.done $0x0  }
0x56: {  	[sflag:s28] =	ssyncadd.s32 $0xFFFFFF00  }
0x57: {  	[tilespmem:s29], [sflag:$0x2] =	stream.indirect.gather [hbm4b:s4+s23], $0x80, s25, s23, $0xb8;
	[tilespmem:$0x1C200] =	vst v63  }
0x58: {  	_ =	swait.ge [sflag:s30], $0x4000  }
0x59: {  	[sflag:s30] =	ssyncset.done $0x0  }
0x5a: {  	s15 =	sadd.s32 s14, s12;
	s16 =	sadd.s32 $0x500, s14;
	[sflag:s30] =	ssyncadd.s32 $0xFFFFC000  }
0x5b: {  	[spmem:s1] =	stream.indirect.scatter.add.f32 [tilespmem:s21], [sflag:$0x5], $0x80, s23, s23, $0xb8;
	[tilespmem:$0x1C200] =	vst v63  }
0x5c: {  	s13 =	sadd.s32 $0x500, s15;
	s16 =	sand.u32 $0x60, s16;
	_ =	swait.ge [sflag:s22], $0x4000  }
0x5d: {  	s13 =	sand.u32 $0xFFFFF80, s13;
	s16 =	sadd.s32 s5, s16;
	[sflag:s22] =	ssyncset.done $0x0  }
0x5e: {  	s15 =	sadd.s32 $0x510, s15;
	s13 =	sadd.s32 s13, s16;
	[sflag:s22] =	ssyncadd.s32 $0xFFFFC000  }
0x5f: {  	[tilespmem:s2], [sflag:$0x3] =	stream.strided.gather [hbm4b:s13+s23], $0x100, s24, s23, $0x38;
	[tilespmem:$0x1C200] =	vst v63  }
0x60: {  	_ =	swait.ge [sflag:s26], $0x100  }
0x61: {  	[sflag:s26] =	ssyncset.done $0x0  }
0x62: {  	[sflag:s26] =	ssyncadd.s32 $0xFFFFFF00  }
0x63: {  	[tilespmem:s21], [sflag:$0x1] =	stream.indirect.gather [hbm4b:s4+s23], $0x80, s2, s23, $0xb8;
	[tilespmem:$0x1C200] =	vst v63  }
0x64: {  	_ =	swait.ge [sflag:s31], $0x4000  }
0x65: {  	[sflag:s31] =	ssyncset.done $0x0  }
.Ltmp0:
0x66: {  	s13 =	sadd.s32 $0x510, s14;
	[sflag:s31] =	ssyncadd.s32 $0xFFFFC000;
	(pc) =	sbr.rel @p0 .LBB2_2-.Ltmp0, $4  }
0x67: {  	[spmem:s1] =	stream.indirect.scatter.add.f32 [tilespmem:s29], [sflag:$0x5], $0x80, s0, s23, $0xb8;
	[tilespmem:$0x1C200] =	vst v63  }
0x68: {  	s13 =	sand.u32 $0x70, s13;
	_ =	swait.ge [sflag:s22], $0x4000  }
0x69: {  	s14 =	sand.u32 $0xFFFFF80, s15;
	s13 =	sadd.s32 s5, s13;
	[sflag:s22] =	ssyncset.done $0x0  }
0x6a: {  	s14 =	sadd.s32 s14, s13;
	[sflag:s22] =	ssyncadd.s32 $0xFFFFC000  }
0x6b: {  	[tilespmem:s25], [sflag:$0x4] =	stream.strided.gather [hbm4b:s14+s23], $0x100, s24, s23, $0x38;
	[tilespmem:$0x1C200] =	vst v63  }
0x6c: {  	_ =	swait.ge [sflag:s28], $0x100  }
0x6d: {  	[sflag:s28] =	ssyncset.done $0x0  }
0x6e: {  	[sflag:s28] =	ssyncadd.s32 $0xFFFFFF00  }
0x6f: {  	[tilespmem:s29], [sflag:$0x2] =	stream.indirect.gather [hbm4b:s4+s23], $0x80, s25, s23, $0xb8;
	[tilespmem:$0x1C200] =	vst v63  }
0x70: {  	_ =	swait.ge [sflag:s30], $0x4000  }
0x71: {  	[sflag:s30] =	ssyncset.done $0x0  }
0x72: {  	[sflag:s30] =	ssyncadd.s32 $0xFFFFC000  }
0x73: {  	[spmem:s1] =	stream.indirect.scatter.add.f32 [tilespmem:s21], [sflag:$0x5], $0x80, s23, s23, $0xb8;
	[tilespmem:$0x1C200] =	vst v63  }
0x74: {  	_ =	swait.ge [sflag:s22], $0x4000  }
0x75: {  	[sflag:s22] =	ssyncset.done $0x0  }
0x76: {  	[sflag:s22] =	ssyncadd.s32 $0xFFFFC000  }
0x77: {  	_ =	swait.ge [sflag:s31], $0x4000  }
0x78: {  	[sflag:s31] =	ssyncset.done $0x0  }
0x79: {  	[sflag:s31] =	ssyncadd.s32 $0xFFFFC000  }
0x7a: {  	[spmem:s1] =	stream.indirect.scatter.add.f32 [tilespmem:s29], [sflag:$0x5], $0x80, s0, s23, $0xb8;
	[tilespmem:$0x1C200] =	vst v63  }
0x7b: {  	_ =	swait.ge [sflag:s22], $0x4000  }
0x7c: {  	[sflag:s22] =	ssyncset.done $0x0  }
0x7d: {  	[sflag:s22] =	ssyncadd.s32 $0xFFFFC000  }
0x7e: {  	[bflag:$0x0] =	sbarrier.arrive $0xFFFF  }
0x7f: {  	[tilespmem:s21], [sflag:$0x5] =	stream.linear.gather [spmem:s7], $0x4000, $0x38;
	[tilespmem:$0x1C200] =	vst v63  }
0x80: {  	_ =	swait.ge [sflag:s22], $0x4000  }
0x81: {  	[sflag:s22] =	ssyncset.done $0x0  }
0x82: {  	s6 =	rddreg [dreg:$0x6];
	[sflag:s22] =	ssyncadd.s32 $0xFFFFC000  }
0x83: {  	[hbm4b:s6+s2] =	stream.linear.scatter [tilespmem:s21], [sflag:$0x5], $0x4000, $0x38;
	[tilespmem:$0x1C200] =	vst v63  }
0x84: {  	_ =	swait.ge [sflag:s22], $0x4000  }
0x85: {  	[sflag:s22] =	ssyncset.done $0x0  }
0x86: {  	[sflag:s22] =	ssyncadd.s32 $0xFFFFC000  }
0x87: {  	[tilespmem:s21], [sflag:$0x5] =	stream.linear.gather [spmem:s8], $0x4000, $0x38;
	[tilespmem:$0x1C200] =	vst v63  }
0x88: {  	_ =	swait.ge [sflag:s22], $0x4000  }
0x89: {  	[sflag:s22] =	ssyncset.done $0x0  }
0x8a: {  	s16 =	rddreg [dreg:$0x7];
	[sflag:s22] =	ssyncadd.s32 $0xFFFFC000  }
0x8b: {  	[hbm4b:s16+s2] =	stream.linear.scatter [tilespmem:s21], [sflag:$0x5], $0x4000, $0x38;
	[tilespmem:$0x1C200] =	vst v63  }
0x8c: {  	_ =	swait.ge [sflag:s22], $0x4000  }
0x8d: {  	[sflag:s22] =	ssyncset.done $0x0  }
0x8e: {  	[sflag:s22] =	ssyncadd.s32 $0xFFFFC000  }
0x8f: {  	[tilespmem:s21], [sflag:$0x5] =	stream.linear.gather [spmem:s9], $0x4000, $0x38;
	[tilespmem:$0x1C200] =	vst v63  }
0x90: {  	_ =	swait.ge [sflag:s22], $0x4000  }
0x91: {  	[sflag:s22] =	ssyncset.done $0x0  }
0x92: {  	[sflag:s22] =	ssyncadd.s32 $0xFFFFC000  }
0x93: {  	[hbm4b:s17+s2] =	stream.linear.scatter [tilespmem:s21], [sflag:$0x5], $0x4000, $0x38;
	[tilespmem:$0x1C200] =	vst v63  }
0x94: {  	_ =	swait.ge [sflag:s22], $0x4000  }
0x95: {  	[sflag:s22] =	ssyncset.done $0x0  }
0x96: {  	[sflag:s22] =	ssyncadd.s32 $0xFFFFC000  }
0x97: {  	[tilespmem:s21], [sflag:$0x5] =	stream.linear.gather [spmem:s10], $0x4000, $0x38;
	[tilespmem:$0x1C200] =	vst v63  }
0x98: {  	_ =	swait.ge [sflag:s22], $0x4000  }
0x99: {  	[sflag:s22] =	ssyncset.done $0x0  }
0x9a: {  	[sflag:s22] =	ssyncadd.s32 $0xFFFFC000  }
0x9b: {  	[hbm4b:s18+s2] =	stream.linear.scatter [tilespmem:s21], [sflag:$0x5], $0x4000, $0x38;
	[tilespmem:$0x1C200] =	vst v63  }
0x9c: {  	_ =	swait.ge [sflag:s22], $0x4000  }
0x9d: {  	[sflag:s22] =	ssyncset.done $0x0  }
0x9e: {  	[sflag:s22] =	ssyncadd.s32 $0xFFFFC000  }
0x9f: {  	[tilespmem:s21], [sflag:$0x5] =	stream.linear.gather [spmem:s11], $0x4000, $0x38;
	[tilespmem:$0x1C200] =	vst v63  }
0xa0: {  	s3 =	sadd.s32 $0x1, s3;
	_ =	swait.ge [sflag:s22], $0x4000  }
0xa1: {  	p0 =	sne.s32 s3, s20;
	[sflag:s22] =	ssyncset.done $0x0  }
.Ltmp1:
0xa2: {  	[sflag:s22] =	ssyncadd.s32 $0xFFFFC000;
	(pc) =	sbr.rel @p0 .LBB2_1-.Ltmp1, $4  }
0xa3: {  	[hbm4b:s19+s2] =	stream.linear.scatter [tilespmem:s21], [sflag:$0x5], $0x4000, $0x38;
	[tilespmem:$0x1C200] =	vst v63  }
0xa4: {  	_ =	swait.ge [sflag:s22], $0x4000  }
0xa5: {  	[sflag:s22] =	ssyncset.done $0x0  }
0xa6: {  	[sflag:s22] =	ssyncadd.s32 $0xFFFFC000  }
0xa7: {  	_ =	sfence.sel $0x180000  }
0xa8: {  	[bflag:$0x0] =	sbarrier.arrive $0xFFFF  }
0xa9: {  	_ =	strace $0x9000004D  }
0xaa: {  	s0 =	stileid.u32;
	[bflag:$0x2] =	sbarrier.arrive $0xFFFF  }
0xab: {  	p0 =	sne.s32 s0, $0x0;
	s0 =	rddreg [dreg:$0x2]  }
0xac: {  	s0 =	sadd.s32 @!p0 $0x100000, s0  }
0xad: {  	[sflag:s0] =	ssyncadd.tile.s32 @!p0 $0x1;
	_ =	shalt  }
.Lfunc_end2:
_tile_overlayer_lowered:
.L_overlay_start_2:
0xae: {  	(tag) =	ssettag $0x2  }
0xaf: {  	s0 =	rddreg [dreg:$0x0];
	s2 =	stileid.u32  }
0xb0: {  	s1 =	rddreg [dreg:$0x1];
	p0 =	sne.s32 s2, $0x0  }
0xb1: {  	s3 =	rddreg [dreg:$0x2];
	[bflag:$0x3] =	sbarrier.arrive $0xFFFF;
	s2 =	simm.s32 @!p0 $0x1C05  }
0xb2: {  	[timem:s3], [sflag:s2] =	dma.local @!p0 [hbm:s0], s1  }
0xb3: {  	s0 =	simm.s32 @!p0 $0x5  }
0xb4: {  	_ =	swait.ge @!p0 [sflag:s0], s1  }
0xb5: {  	s1 =	ssub.s32 @!p0 $0x0, s1;
	[sflag:s0] =	ssyncset.done @!p0 $0x0  }
0xb6: {  	[sflag:s0] =	ssyncadd.s32 @!p0 s1  }
0xb7: {  	[bflag:$0x3] =	sbarrier.arrive $0xFFFF  }
0xb8: {  	_ =	shalt  }

// kernel: kernel.8.cloned.1.call-start
scs
__scs_entry_jumppad:
0x0: {  	(pc) =	sbr.rel $0x88, $3  }
0x1: {  	(tag) =	ssettag $0x0;
	lr =	simm.s32 $0x1  }
0x2: {  	[smem:$0x3F97] =	sst lr;
	_ =	strace $0xD0000000  }
0x3: {  	_ = 	snop  }
0x4: {  	_ = 	snop  }
0x5: {  	_ = 	snop  }
0x6: {  	_ = 	snop  }
0x7: {  	_ = 	snop  }
__scs_overlays_trampoline_lowered:
0x8: {  	[smem:$0x3FA6] =	sst s0  }
0x9: {  	[smem:$0x3FA7] =	sst s1  }
0xa: {  	[smem:$0x3FA8] =	sst s2  }
0xb: {  	[smem:$0x3FA9] =	sst s3  }
0xc: {  	[smem:$0x3FAA] =	sst s4  }
0xd: {  	[smem:$0x3FAB] =	sst s5  }
0xe: {  	[smem:$0x3FAC] =	sst s6  }
0xf: {  	[smem:$0x3FAD] =	sst s7  }
0x10: {  	[smem:$0x3FAE] =	sst s8  }
0x11: {  	[smem:$0x3FAF] =	sst s9;
	s0 =	simm.s32 @!p0 $0x0  }
0x12: {  	s1 =	sld [smem:$0x3F95];
	s0 =	simm.s32 @p0 $0x1  }
0x13: {  	[smem:$0x3FB0] =	sst s0;
	s0 =	simm.s32 @!p1 $0x0  }
0x14: {  	s2 =	sld [smem:$0x3F94];
	s0 =	simm.s32 @p1 $0x1  }
0x15: {  	[smem:$0x3FB1] =	sst s0;
	s0 =	simm.s32 @!p2 $0x0  }
0x16: {  	s3 =	sld [smem:$0x3FDB];
	s0 =	simm.s32 @p2 $0x1  }
0x17: {  	s4 =	simm.s32 $0x1BF5;
	[smem:$0x3FB3] =	sst s0  }
0x18: {  	s0 =	sld [smem:$0x3F96];
	_ =	swait.ge [sflag:s4], $0x0  }
0x19: {  	s7 =	sld [smem:$0x3F97]  }
0x1a: {  	s8 =	sadd.s32 $0xFFFFE003, lr  }
0x1b: {  	s9 =	sadd.s32 $0xFFFFFEF7, lr;
	s5 =	simm.s32 $0xFFFFFFFF;
	p2 =	slt.u32 s8, $0xFFFFF086  }
0x1c: {  	p1 =	slt.u32 s9, $0xF7A;
	s5 =	simm.s32 @!p2 $0x0  }
0x1d: {  	s5 =	simm.s32 @p1 $0x1;
	p0 =	seq.s32 s7, s2  }
0x1e: {  	s7 =	smul.u32 @!p0 $0xF7A, s2;
	p2 =	seq.s32 @!p0 s5, $0x0  }
0x1f: {  	s9 =	smul.u32 $0xF7A, s1;
	s8 =	simm.s32 @!p0 $0x1BF5;
	p2 =	por !p2, p0  }
0x20: {  	[sflag:s8] =	ssyncset.s32 @!p0 $0xFFFFF086;
	s6 =	sadd.s32 @!p0 s3, s7;
	s7 =	simm.s32 @!p0 $0x108  }
0x21: {  	s3 =	sadd.s32 s3, s9;
	s6 =	sadd.s32 @!p0 $0x88, s6;
	s7 =	simm.s32 @p2 $0x1082  }
0x22: {  	[simem:s7], [sflag:s8] =	dma.local @!p0 [hbm:s6], $0xF7A  }
0x23: {  	s9 =	sor.u32 $0xD0000000, s2;
	s6 =	simm.s32 $0x108;
	_ =	swait.ge @!p0 [sflag:s8], $0x0  }
0x24: {  	s3 =	sadd.s32 $0x88, s3;
	s6 =	simm.s32 @!p1 $0x1082;
	[sflag:s4] =	ssyncset.s32 $0xFFFFF086  }
0x25: {  	[simem:s6], [sflag:s4] =	dma.local [hbm:s3], $0xF7A  }
0x26: {  	[smem:$0x3F97] =	sst s1;
	(tag) =	ssettag s2;
	_ =	strace s9  }
0x27: {  	s1 =	sld [smem:$0x3FA7]  }
0x28: {  	s2 =	sld [smem:$0x3FA8]  }
0x29: {  	s4 =	sld [smem:$0x3FAA]  }
0x2a: {  	p0 =	seq.s32 s5, $0x0;
	s5 =	sld [smem:$0x3FAB]  }
0x2b: {  	s6 =	sld [smem:$0x3FAC]  }
0x2c: {  	s7 =	sld [smem:$0x3FAD]  }
0x2d: {  	s3 =	simm.s32 $0x108;
	s8 =	sld [smem:$0x3FAE]  }
0x2e: {  	s3 =	simm.s32 @!p0 $0x1082;
	s9 =	sld [smem:$0x3FAF]  }
0x2f: {  	lr =	sadd.s32 s0, s3;
	s0 =	sld [smem:$0x3FA6]  }
0x30: {  	s3 =	sld [smem:$0x3FA9]  }
0x31: {  	[smem:$0x3FB2] =	sst s10  }
0x32: {  	s10 =	sld [smem:$0x3FB0];
	_ =	sdelay $0x3  }
0x33: {  	p0 =	seq.s32 s10, $0x1;
	s10 =	sld [smem:$0x3FB2];
	_ =	sdelay $0x3  }
0x34: {  	[smem:$0x3FB2] =	sst s10  }
0x35: {  	s10 =	sld [smem:$0x3FB1];
	_ =	sdelay $0x3  }
0x36: {  	p1 =	seq.s32 s10, $0x1;
	s10 =	sld [smem:$0x3FB2];
	_ =	sdelay $0x3  }
0x37: {  	[smem:$0x3FB2] =	sst s10  }
0x38: {  	s10 =	sld [smem:$0x3FB3]  }
0x39: {  	_ = 	snop;
	(pc) =	sbr.ind lr, $3  }
0x3a: {  	_ = 	snop  }
0x3b: {  	_ = 	snop  }
0x3c: {  	p2 =	seq.s32 s10, $0x1;
	s10 =	sld [smem:$0x3FB2]  }
0x3d: {  	_ =	shalt  }
0x3e: {  	_ =	shalt  }
0x3f: {  	_ =	shalt  }
0x40: {  	_ =	shalt  }
0x41: {  	_ =	shalt  }
0x42: {  	_ =	shalt  }
0x43: {  	_ =	shalt  }
0x44: {  	_ =	shalt  }
0x45: {  	_ =	shalt  }
0x46: {  	_ =	shalt  }
0x47: {  	_ =	shalt  }
0x48: {  	_ =	shalt  }
0x49: {  	_ =	shalt  }
0x4a: {  	_ =	shalt  }
0x4b: {  	_ =	shalt  }
0x4c: {  	_ =	shalt  }
0x4d: {  	_ =	shalt  }
0x4e: {  	_ =	shalt  }
0x4f: {  	_ =	shalt  }
0x50: {  	_ =	shalt  }
0x51: {  	_ =	shalt  }
0x52: {  	_ =	shalt  }
0x53: {  	_ =	shalt  }
0x54: {  	_ =	shalt  }
0x55: {  	_ =	shalt  }
0x56: {  	_ =	shalt  }
0x57: {  	_ =	shalt  }
0x58: {  	_ =	shalt  }
0x59: {  	_ =	shalt  }
0x5a: {  	_ =	shalt  }
0x5b: {  	_ =	shalt  }
0x5c: {  	_ =	shalt  }
0x5d: {  	_ =	shalt  }
0x5e: {  	_ =	shalt  }
0x5f: {  	_ =	shalt  }
0x60: {  	_ =	shalt  }
0x61: {  	_ =	shalt  }
0x62: {  	_ =	shalt  }
0x63: {  	_ =	shalt  }
0x64: {  	_ =	shalt  }
0x65: {  	_ =	shalt  }
0x66: {  	_ =	shalt  }
0x67: {  	_ =	shalt  }
0x68: {  	_ =	shalt  }
0x69: {  	_ =	shalt  }
0x6a: {  	_ =	shalt  }
0x6b: {  	_ =	shalt  }
0x6c: {  	_ =	shalt  }
0x6d: {  	_ =	shalt  }
0x6e: {  	_ =	shalt  }
0x6f: {  	_ =	shalt  }
0x70: {  	_ =	shalt  }
0x71: {  	_ =	shalt  }
0x72: {  	_ =	shalt  }
0x73: {  	_ =	shalt  }
0x74: {  	_ =	shalt  }
0x75: {  	_ =	shalt  }
0x76: {  	_ =	shalt  }
0x77: {  	_ =	shalt  }
0x78: {  	_ =	shalt  }
0x79: {  	_ =	shalt  }
0x7a: {  	_ =	shalt  }
0x7b: {  	_ =	shalt  }
0x7c: {  	_ =	shalt  }
0x7d: {  	_ =	shalt  }
0x7e: {  	_ =	shalt  }
0x7f: {  	_ =	shalt  }
0x80: {  	_ =	shalt  }
0x81: {  	_ =	shalt  }
0x82: {  	_ =	shalt  }
0x83: {  	_ =	shalt  }
0x84: {  	_ =	shalt  }
0x85: {  	_ =	shalt  }
0x86: {  	_ =	shalt  }
0x87: {  	_ =	shalt  }
.Lfunc_end0:
.L_simem_size_0:
called_computation_lowered:
.L_overlay_start_0:
0x88: {  	s2 =	sld [smem:$0x3FD9]  }
0x89: {  	s3 =	sld [smem:$0x3FFE];
	_ =	sdelay $0x1  }
0x8a: {  	s1 =	srdreg.scid  }
0x8b: {  	s0 =	sand.u32 $0x1, s1  }
0x8c: {  	s17 =	sshll.u32 s0, $0xA;
	s2 =	sadd.s32 s3, s2  }
0x8d: {  	s2 =	sadd.s32 s2, s17  }
0x8e: {  	[smem:$0x3FBE] =	sst s2  }
0x8f: {  	_ = 	snop  }
0x90: {  	s2 =	sld [smem:$0x3FD0];
	(tm) =	ssettm $0x1  }
0x91: {  	s18 =	sld [smem:$0x3FFB];
	_ =	sdelay $0x3  }
0x92: {  	_ =	strace s18  }
0x93: {  	s3 =	sld [smem:$0x3FFC];
	_ =	sdelay $0x3  }
0x94: {  	_ =	strace s3  }
0x95: {  	s3 =	sld [smem:$0x3FFD];
	_ =	sdelay $0x3  }
0x96: {  	_ =	strace s3  }
0x97: {  	_ =	strace $0x8FFFFFFF  }
0x98: {  	s19 =	sld [smem:$0x3FDB];
	_ =	sdelay $0x1  }
0x99: {  	s4 =	simm.s32 $_scs_section_size  }
0x9a: {  	s5 =	simm.s32 $_size__tile_overlayer_lowered;
	s6 =	simm.s32 $_tile_overlayer_lowered  }
0x9b: {  	s22 =	simm.s32 $0x1BFF;
	s21 =	sshll.u32 s6, $0x1;
	s3 =	sadd.s32 s4, s19  }
0x9c: {  	s7 =	simm.s32 $0x0;
	s20 =	sshll.u32 s5, $0x1;
	s5 =	sadd.s32 s21, s3  }
0x9d: {  	[timem:s7], [sflag:s22] =	dma.local [hbm:s5], s20  }
0x9e: {  	_ =	swait.ge [sflag:s22], s20  }
0x9f: {  	s4 =	ssub.s32 $0x0, s20;
	[sflag:s22] =	ssyncset.done $0x0  }
0xa0: {  	[sflag:s22] =	ssyncadd.s32 s4;
	_ =	sdelay $0x1  }
0xa1: {  	s23 =	simm.s32 $0x1B8B  }
0xa2: {  	_ =	swait.ge [sflag:s23], $0x1  }
0xa3: {  	[sflag:s23] =	ssyncset.done $0x0  }
0xa4: {  	s25 =	simm.s32 $0x1B8E;
	s24 =	sld [smem:$0x3FFE];
	[sflag:s23] =	ssyncadd.s32 $0xFFFFFFFF  }
0xa5: {  	s26 =	simm.s32 $execute0_lowered;
	[smem:$0x3FD2] =	sst s25  }
0xa6: {  	s5 =	sshll.u32 s26, $0x1;
	_ =	strace $0x80000046;
	[dreg:$0x1] =	wrdreg $0xFFFFFFFF  }
0xa7: {  	s28 =	simm.s32 $_size_execute0_lowered;
	s3 =	sadd.s32 s3, s5;
	[dreg:$0x0] =	wrdreg $0x0  }
0xa8: {  	s5 =	sshll.u32 s28, $0x1;
	[dreg:$0x2] =	wrdreg s3  }
0xa9: {  	[dreg:$0x3] =	wrdreg s5  }
0xaa: {  	[dreg:$0x4] =	wrdreg $0xC0  }
0xab: {  	_ =	task [dreg:s7], $0x5FFFF  }
0xac: {  	[dreg:$0x1] =	wrdreg $0xFFFFFFFF  }
0xad: {  	[dreg:$0x0] =	wrdreg $0x60  }
0xae: {  	[dreg:$0x2] =	wrdreg s24  }
0xaf: {  	[dreg:$0x3] =	wrdreg s2  }
0xb0: {  	[dreg:$0x4] =	wrdreg $0xA8000  }
0xb1: {  	[dreg:$0x5] =	wrdreg $0x9  }
0xb2: {  	_ =	task.clear_ibuf [dreg:s7], $0x6FFFF;
	_ =	strace $0x90000046  }
0xb3: {  	s29 =	simm.s32 $0x9;
	_ =	strace $0x80000048  }
0xb4: {  	_ =	swait.ge [sflag:s29], $0x1  }
0xb5: {  	[sflag:s29] =	ssyncadd.s32 $0xFFFFFFFF  }
0xb6: {  	_ =	strace $0x90000048  }
0xb7: {  	_ =	sfence  }
0xb8: {  	s30 =	sld [smem:$0x0];
	_ =	sdelay $0x2  }
0xb9: {  	s31 =	sshll.u32 s1, $0xD;
	s1 =	sshrl.u32 s1, $0x2  }
0xba: {  	s3 =	sand.u32 $0x4000, s31;
	s1 =	sadd.s32 s1, s30  }
0xbb: {  	s0 =	sor.u32 s3, s0;
	s1 =	sshll.u32 s1, $0x11  }
0xbc: {  	s0 =	sor.u32 s1, s0  }
0xbd: {  	s0 =	sadd.s32 $0x8F2B, s0  }
0xbe: {  	[sflag:s0] =	ssyncadd.remote.s32 $0x1  }
0xbf: {  	_ =	sfence.sel $0xFFFF  }
0xc0: {  	[dreg:$0x0] =	wrdreg $0xFFFFFFFF;
	(pc) =	sbr.abs _section_cstart, $3  }
0xc1: {  	[dreg:$0x1] =	wrdreg $0xFFFFFFFF  }
0xc2: {  	_ =	task.clear_ibuf [dreg:s7], $0x2FFFF;
	_ =	strace $0x9FFFFFFF  }
0xc3: {  	(tm) =	ssettm $0x7FFFFFFF  }
tec
execute0_lowered:
.L_overlay_start_1:
0x0: {  	(tag) =	ssettag $0x1  }
0x1: {  	s11 =	rddreg [dreg:$0x0]  }
0x2: {  	s1 =	rddreg [dreg:$0x1]  }
0x3: {  	s2 =	rddreg [dreg:$0x2]  }
0x4: {  	s0 =	rddreg [dreg:$0x3]  }
0x5: {  	s4 =	simm.s32 $0x0;
	s5 =	srdreg.scid;
	s3 =	stileid.u32  }
0x6: {  	s21 =	simm.s32 $0x80;
	s22 =	simm.s32 $0x0;
	[smem:$0x7FF] =	sst s4  }
0x7: {  	s8 =	sand.u32 $0x1, s5;
	s5 =	sadd.s32 $0x16E00, s11;
	s7 =	smul.u32 $0x50000, s3  }
0x8: {  	s16 =	sadd.s32 $0x17600, s11;
	s12 =	smul.u32 $0x14000, s3;
	s28 =	sshll.u32 s3, $0x1  }
0x9: {  	_ =	strace $0x80000047;
	s6 =	ssub.s32 $0x2, s8;
	s29 =	sor.u32 s8, s28  }
0xa: {  	s20 =	smul.u32 $0x140000, s8;
	s9 =	sshrl.u32 s6, $0x1;
	s26 =	sshrl.u32 s7, $0x2  }
0xb: {  	s13 =	sadd.s32 $0x4000, s12;
	s14 =	sadd.s32 $0x8000, s12;
	s15 =	smul.u32 $0x2800, s29  }
0xc: {  	s18 =	sadd.s32 $0xC000, s12;
	s19 =	sadd.s32 $0x10000, s12;
	s17 =	ssub.s32 s6, s9  }
0xd: {  	s6 =	sadd.s32 s26, s2;
	s7 =	sadd.s32 s13, s2;
	s8 =	sadd.s32 s14, s2  }
0xe: {  	s9 =	sadd.s32 s18, s2;
	s10 =	sadd.s32 s19, s2;
	s12 =	sadd.s32 s12, s20  }
0xf: {  	s13 =	sadd.s32 s20, s13;
	s14 =	sadd.s32 s20, s14;
	s30 =	sadd.s32 s20, s18  }
0x10: {  	s31 =	sadd.s32 s20, s19;
	s19 =	simm.s32 $0x1;
	s20 =	simm.s32 $0x2800  }
0x11: {  	s15 =	sshrl.u32 s15, $0x3;
	s12 =	sshrl.u32 s12, $0x3;
	s13 =	sshrl.u32 s13, $0x3  }
0x12: {  	s14 =	sshrl.u32 s14, $0x3;
	s18 =	sshrl.u32 s31, $0x3;
	s17 =	smax.u32 s17, $0x1  }
0x13: {  	s11 =	sadd.s32 s11, s15;
	s12 =	sadd.s32 s16, s12;
	s13 =	sadd.s32 s16, s13  }
0x14: {  	s15 =	sshrl.u32 s30, $0x3;
	s14 =	sadd.s32 s16, s14;
	s11 =	sadd.s32 $0xCE00, s11  }
0x15: {  	s15 =	sadd.s32 s16, s15;
	s16 =	sadd.s32 s16, s18;
	s18 =	simm.s32 $0x6800  }
.LBB2_1:
0x16: {  	[tilespmem:s18], [sflag:$0x1] =	stream.linear.gather [hbm4b:s5+s4], $0x4000, $0x38;
	[tilespmem:$0x1E800] =	vst v63  }
0x17: {  	_ =	swait.ge [sflag:s19], $0x4000  }
0x18: {  	[sflag:s19] =	ssyncset.done $0x0  }
0x19: {  	[sflag:s19] =	ssyncadd.s32 $0xFFFFC000  }
0x1a: {  	[spmem:s6] =	stream.linear.scatter [tilespmem:s18], [sflag:$0x1], $0x4000, $0x38;
	[tilespmem:$0x1E800] =	vst v63  }
0x1b: {  	_ =	swait.ge [sflag:s19], $0x4000  }
0x1c: {  	[sflag:s19] =	ssyncset.done $0x0  }
0x1d: {  	[sflag:s19] =	ssyncadd.s32 $0xFFFFC000  }
0x1e: {  	[spmem:s7] =	stream.linear.scatter [tilespmem:s18], [sflag:$0x1], $0x4000, $0x38;
	[tilespmem:$0x1E800] =	vst v63  }
0x1f: {  	_ =	swait.ge [sflag:s19], $0x4000  }
0x20: {  	[sflag:s19] =	ssyncset.done $0x0  }
0x21: {  	[sflag:s19] =	ssyncadd.s32 $0xFFFFC000  }
0x22: {  	[spmem:s8] =	stream.linear.scatter [tilespmem:s18], [sflag:$0x1], $0x4000, $0x38;
	[tilespmem:$0x1E800] =	vst v63  }
0x23: {  	_ =	swait.ge [sflag:s19], $0x4000  }
0x24: {  	[sflag:s19] =	ssyncset.done $0x0  }
0x25: {  	[sflag:s19] =	ssyncadd.s32 $0xFFFFC000  }
0x26: {  	[spmem:s9] =	stream.linear.scatter [tilespmem:s18], [sflag:$0x1], $0x4000, $0x38;
	[tilespmem:$0x1E800] =	vst v63  }
0x27: {  	_ =	swait.ge [sflag:s19], $0x4000  }
0x28: {  	[sflag:s19] =	ssyncset.done $0x0  }
0x29: {  	[sflag:s19] =	ssyncadd.s32 $0xFFFFC000  }
0x2a: {  	[spmem:s10] =	stream.linear.scatter [tilespmem:s18], [sflag:$0x1], $0x4000, $0x38;
	[tilespmem:$0x1E800] =	vst v63  }
0x2b: {  	_ =	swait.ge [sflag:s19], $0x4000  }
0x2c: {  	[sflag:s19] =	ssyncset.done $0x0  }
0x2d: {  	[sflag:s19] =	ssyncadd.s32 $0xFFFFC000  }
0x2e: {  	[tilespmem:s20], [sflag:$0x1] =	stream.linear.gather [hbm4b:s1+s4], $0x4000, $0x38;
	[tilespmem:$0x1E800] =	vst v63  }
0x2f: {  	_ =	swait.ge [sflag:s19], $0x4000  }
0x30: {  	[sflag:s19] =	ssyncset.done $0x0  }
0x31: {  	[sflag:s19] =	ssyncadd.s32 $0xFFFFC000  }
0x32: {  	[tilespmem:s4], [sflag:$0x1] =	stream.linear.gather [hbm4b:s11+s4], $0x2800, $0x38;
	[tilespmem:$0x1E800] =	vst v63  }
0x33: {  	_ =	swait.ge [sflag:s19], $0x2800  }
0x34: {  	[sflag:s19] =	ssyncset.done $0x0  }
0x35: {  	[sflag:s19] =	ssyncadd.s32 $0xFFFFD800  }
0x36: {  	s23 =	simm.s32 $0x0;
	[bflag:$0x0] =	sbarrier.arrive $0xFFFF  }
0x37: {  	[spmem:s2] =	stream.indirect.scatter.add.f32 [tilespmem:s20], [sflag:$0x1], $0x80, s23, s21, $0xb8;
	[tilespmem:$0x1E800] =	vst v63  }
0x38: {  	_ =	swait.ge [sflag:s19], $0x4000  }
0x39: {  	s23 =	simm.s32 $0x200;
	[sflag:s19] =	ssyncset.done $0x0  }
.LBB2_2:
0x3a: {  	s24 =	sshra.s32 s23, $0x2;
	[sflag:s19] =	ssyncadd.s32 $0xFFFFC000;
	p0 =	sne.s32 s23, $0x9E00  }
0x3b: {  	[spmem:s2] =	stream.indirect.scatter.add.f32 [tilespmem:s20], [sflag:$0x1], $0x80, s24, s21, $0xb8;
	[tilespmem:$0x1E800] =	vst v63  }
.Ltmp0:
0x3c: {  	_ = 	snop;
	(pc) =	sbr.rel @p0 .LBB2_2-.Ltmp0, $4  }
0x3d: {  	_ = 	snop  }
0x3e: {  	s23 =	sadd.s32 $0x200, s23  }
0x3f: {  	_ =	swait.ge [sflag:s19], $0x4000  }
0x40: {  	[sflag:s19] =	ssyncset.done $0x0  }
0x41: {  	[sflag:s19] =	ssyncadd.s32 $0xFFFFC000  }
0x42: {  	[bflag:$0x0] =	sbarrier.arrive $0xFFFF  }
0x43: {  	[tilespmem:s18], [sflag:$0x1] =	stream.linear.gather [spmem:s6], $0x4000, $0x38;
	[tilespmem:$0x1E800] =	vst v63  }
0x44: {  	_ =	swait.ge [sflag:s19], $0x4000  }
0x45: {  	[sflag:s19] =	ssyncset.done $0x0  }
0x46: {  	[sflag:s19] =	ssyncadd.s32 $0xFFFFC000  }
0x47: {  	[hbm4b:s12+s4] =	stream.linear.scatter [tilespmem:s18], [sflag:$0x1], $0x4000, $0x38;
	[tilespmem:$0x1E800] =	vst v63  }
0x48: {  	_ =	swait.ge [sflag:s19], $0x4000  }
0x49: {  	[sflag:s19] =	ssyncset.done $0x0  }
0x4a: {  	[sflag:s19] =	ssyncadd.s32 $0xFFFFC000  }
0x4b: {  	[tilespmem:s18], [sflag:$0x1] =	stream.linear.gather [spmem:s7], $0x4000, $0x38;
	[tilespmem:$0x1E800] =	vst v63  }
0x4c: {  	_ =	swait.ge [sflag:s19], $0x4000  }
0x4d: {  	[sflag:s19] =	ssyncset.done $0x0  }
0x4e: {  	[sflag:s19] =	ssyncadd.s32 $0xFFFFC000  }
0x4f: {  	[hbm4b:s13+s4] =	stream.linear.scatter [tilespmem:s18], [sflag:$0x1], $0x4000, $0x38;
	[tilespmem:$0x1E800] =	vst v63  }
0x50: {  	_ =	swait.ge [sflag:s19], $0x4000  }
0x51: {  	[sflag:s19] =	ssyncset.done $0x0  }
0x52: {  	[sflag:s19] =	ssyncadd.s32 $0xFFFFC000  }
0x53: {  	[tilespmem:s18], [sflag:$0x1] =	stream.linear.gather [spmem:s8], $0x4000, $0x38;
	[tilespmem:$0x1E800] =	vst v63  }
0x54: {  	_ =	swait.ge [sflag:s19], $0x4000  }
0x55: {  	[sflag:s19] =	ssyncset.done $0x0  }
0x56: {  	[sflag:s19] =	ssyncadd.s32 $0xFFFFC000  }
0x57: {  	[hbm4b:s14+s4] =	stream.linear.scatter [tilespmem:s18], [sflag:$0x1], $0x4000, $0x38;
	[tilespmem:$0x1E800] =	vst v63  }
0x58: {  	_ =	swait.ge [sflag:s19], $0x4000  }
0x59: {  	[sflag:s19] =	ssyncset.done $0x0  }
0x5a: {  	[sflag:s19] =	ssyncadd.s32 $0xFFFFC000  }
0x5b: {  	[tilespmem:s18], [sflag:$0x1] =	stream.linear.gather [spmem:s9], $0x4000, $0x38;
	[tilespmem:$0x1E800] =	vst v63  }
0x5c: {  	_ =	swait.ge [sflag:s19], $0x4000  }
0x5d: {  	[sflag:s19] =	ssyncset.done $0x0  }
0x5e: {  	[sflag:s19] =	ssyncadd.s32 $0xFFFFC000  }
0x5f: {  	[hbm4b:s15+s4] =	stream.linear.scatter [tilespmem:s18], [sflag:$0x1], $0x4000, $0x38;
	[tilespmem:$0x1E800] =	vst v63  }
0x60: {  	_ =	swait.ge [sflag:s19], $0x4000  }
0x61: {  	[sflag:s19] =	ssyncset.done $0x0  }
0x62: {  	[sflag:s19] =	ssyncadd.s32 $0xFFFFC000  }
0x63: {  	[tilespmem:s18], [sflag:$0x1] =	stream.linear.gather [spmem:s10], $0x4000, $0x38;
	[tilespmem:$0x1E800] =	vst v63  }
0x64: {  	s22 =	sadd.s32 $0x1, s22;
	_ =	swait.ge [sflag:s19], $0x4000  }
0x65: {  	p0 =	sne.s32 s22, s17;
	[sflag:s19] =	ssyncset.done $0x0  }
.Ltmp1:
0x66: {  	[sflag:s19] =	ssyncadd.s32 $0xFFFFC000;
	(pc) =	sbr.rel @p0 .LBB2_1-.Ltmp1, $4  }
0x67: {  	[hbm4b:s16+s4] =	stream.linear.scatter [tilespmem:s18], [sflag:$0x1], $0x4000, $0x38;
	[tilespmem:$0x1E800] =	vst v63  }
0x68: {  	_ =	swait.ge [sflag:s19], $0x4000  }
0x69: {  	[sflag:s19] =	ssyncset.done $0x0  }
0x6a: {  	[sflag:s19] =	ssyncadd.s32 $0xFFFFC000  }
0x6b: {  	_ =	sfence.sel $0x180000  }
0x6c: {  	[bflag:$0x0] =	sbarrier.arrive $0xFFFF  }
0x6d: {  	p0 =	sne.s32 s3, $0x0;
	_ =	strace $0x90000047  }
0x6e: {  	s0 =	sadd.s32 @!p0 $0x100000, s0;
	[bflag:$0x2] =	sbarrier.arrive $0xFFFF  }
0x6f: {  	[sflag:s0] =	ssyncadd.tile.s32 @!p0 $0x1;
	_ =	shalt  }
.Lfunc_end2:
_tile_overlayer_lowered:
.L_overlay_start_2:
0x70: {  	(tag) =	ssettag $0x2  }
0x71: {  	s0 =	rddreg [dreg:$0x0];
	s2 =	stileid.u32  }
0x72: {  	s1 =	rddreg [dreg:$0x1];
	p0 =	sne.s32 s2, $0x0  }
0x73: {  	s3 =	rddreg [dreg:$0x2];
	[bflag:$0x3] =	sbarrier.arrive $0xFFFF;
	s2 =	simm.s32 @!p0 $0x1C01  }
0x74: {  	[timem:s3], [sflag:s2] =	dma.local @!p0 [hbm:s0], s1  }
0x75: {  	s0 =	simm.s32 @!p0 $0x1  }
0x76: {  	_ =	swait.ge @!p0 [sflag:s0], s1  }
0x77: {  	s1 =	ssub.s32 @!p0 $0x0, s1;
	[sflag:s0] =	ssyncset.done @!p0 $0x0  }
0x78: {  	[sflag:s0] =	ssyncadd.s32 @!p0 s1  }
0x79: {  	[bflag:$0x3] =	sbarrier.arrive $0xFFFF  }
0x7a: {  	_ =	shalt  }

</sc_bundles>
